<compile_context>
chip_gen: v7x
topology: tpu7x:2x2x1
jax: 0.10.2.dev20260603
libtpu: 0.0.44.dev20260713+nightly
codegen_flags: <defaults>
</compile_context>

<pallas_src>
import jax
import jax.numpy as jnp
from jax import lax
from jax.experimental import pallas as pl
from jax.experimental.pallas import tpu as pltpu
from jax.experimental.pallas import tpu_sc as plsc

N = 10000
D = 128
NG = 64

NC = 2
NS = 16
NW = NC * NS
CHUNK = 80
NBUF = 3
NSH = 10112
RZ = NSH // NS


def _unpack_chunk(packed_v, j, srcbuf, dstbuf, b):
    for i in range(CHUNK // 16):
        pk = packed_v[j, pl.ds(i * 16, 16)]
        srcbuf[b, pl.ds(i * 16, 16)] = pk & 0xFFFF
        dstbuf[b, pl.ds(i * 16, 16)] = lax.shift_right_logical(pk, 16)


def _sc_agg_body(x_hbm, packed_hbm, zero_hbm, out_hbm,
                 packed_v, srcbuf, dstbuf, rows_v, shared, sem):
    cid = lax.axis_index("c")
    sid = lax.axis_index("s")
    pltpu.sync_copy(zero_hbm.at[pl.ds(sid * RZ, RZ)],
                    shared.at[pl.ds(sid * RZ, RZ)])
    nj = packed_hbm.shape[1]
    wid = sid * NC + cid
    pltpu.sync_copy(packed_hbm.at[wid], packed_v)
    plsc.subcore_barrier()

    for b0 in range(NBUF - 1):
        _unpack_chunk(packed_v, b0, srcbuf, dstbuf, b0)
        pltpu.async_copy(x_hbm.at[srcbuf.at[b0]], rows_v.at[b0], sem)

    def step(j, carry):
        b = lax.rem(j, NBUF)
        b2 = lax.rem(j + NBUF - 1, NBUF)
        pltpu.make_async_copy(x_hbm.at[srcbuf.at[b]], rows_v.at[b],
                              sem).wait()

        @pl.when(j + NBUF - 1 < nj)
        def _():
            _unpack_chunk(packed_v, j + NBUF - 1, srcbuf, dstbuf, b2)
            pltpu.async_copy(x_hbm.at[srcbuf.at[b2]], rows_v.at[b2], sem)

        pltpu.sync_copy(rows_v.at[b], shared.at[dstbuf.at[b]], add=True)
        return carry

    lax.fori_loop(0, nj, step, 0)
    plsc.subcore_barrier()
    pltpu.sync_copy(shared.at[pl.ds(sid * RZ, RZ)],
                    out_hbm.at[cid, pl.ds(sid * RZ, RZ)])


def _sc_agg(x, packed, zinit):
    mesh = plsc.VectorSubcoreMesh(core_axis_name="c", subcore_axis_name="s")
    return pl.kernel(
        _sc_agg_body,
        out_type=jax.ShapeDtypeStruct((NC, NSH, D), jnp.float32),
        mesh=mesh,
        scratch_types=[
            pltpu.VMEM((packed.shape[1], CHUNK), jnp.int32),
            pltpu.VMEM((NBUF, CHUNK), jnp.int32),
            pltpu.VMEM((NBUF, CHUNK), jnp.int32),
            pltpu.VMEM((NBUF, CHUNK, D), jnp.float32),
            pltpu.VMEM_SHARED((NSH, D), jnp.float32),
            pltpu.SemaphoreType.DMA,
        ],
    )(x, packed, zinit)


def _layer_body(x_ref, p_ref, w1_ref, b1_ref, w2_ref, b2_ref, g_ref, be_ref,
                o_ref):
    h = x_ref[...] + p_ref[0, :N, :] + p_ref[1, :N, :]
    a = jnp.maximum(
        jnp.dot(h, w1_ref[...], preferred_element_type=jnp.float32)
        + b1_ref[...], 0.0)
    z = (jnp.dot(a, w2_ref[...], preferred_element_type=jnp.float32)
         + b2_ref[...])
    m = jnp.mean(z, axis=0, keepdims=True)
    zc = z - m
    v = jnp.mean(zc * zc, axis=0, keepdims=True)
    o_ref[...] = jnp.maximum(
        zc * lax.rsqrt(v + 1e-5) * g_ref[...] + be_ref[...], 0.0)


def _tc_layer(x, p, w1, b1, w2, b2, g, be):
    return pl.pallas_call(
        _layer_body,
        out_shape=jax.ShapeDtypeStruct((N, D), jnp.float32),
        compiler_params=pltpu.CompilerParams(
            vmem_limit_bytes=100 * 1024 * 1024),
    )(x, p, w1, b1.reshape(1, -1), w2, b2.reshape(1, -1),
      g.reshape(1, -1), be.reshape(1, -1))


def _pool_body(h_ref, bt_ref, o_ref):
    bt = bt_ref[...]
    gi = lax.broadcasted_iota(jnp.int32, (NG, N), 0)
    oneh = jnp.where(bt == gi, 1.0, 0.0)
    cnt = jnp.sum(oneh, axis=1, keepdims=True)
    inv = 1.0 / jnp.maximum(cnt, 1.0)
    o_ref[...] = (jnp.dot(oneh, h_ref[...],
                          preferred_element_type=jnp.float32) * inv)


def _tc_pool(h, batch):
    return pl.pallas_call(
        _pool_body,
        out_shape=jax.ShapeDtypeStruct((NG, D), jnp.float32),
        compiler_params=pltpu.CompilerParams(
            vmem_limit_bytes=100 * 1024 * 1024),
    )(h, batch.reshape(1, N))


def _head_body(p1_ref, p2_ref, p3_ref, wl_ref, bl_ref, o_ref):
    hf = jnp.concatenate([p1_ref[...], p2_ref[...], p3_ref[...]], axis=1)
    out = (jnp.dot(hf, wl_ref[...], preferred_element_type=jnp.float32)
           + bl_ref[...])
    nrm = jnp.sqrt(jnp.sum(out * out, axis=1, keepdims=True))
    o_ref[...] = out / jnp.maximum(nrm, 1e-12)


def _tc_head(p1, p2, p3, wl, bl):
    return pl.pallas_call(
        _head_body,
        out_shape=jax.ShapeDtypeStruct((NG, wl.shape[1]), jnp.float32),
        compiler_params=pltpu.CompilerParams(
            vmem_limit_bytes=100 * 1024 * 1024),
    )(p1, p2, p3, wl, bl.reshape(1, -1))


def kernel(x, edge_index, batch, W1_1, b1_1, W2_1, b2_1, g_1, be_1,
           W1_2, b1_2, W2_2, b2_2, g_2, be_2, W1_3, b1_3, W2_3, b2_3,
           g_3, be_3, Wlin, blin):
    E = edge_index.shape[1]
    epw = -(-E // (NW * CHUNK)) * CHUNK
    pad = NW * epw - E
    ar = jnp.arange(pad, dtype=jnp.int32)
    src = jnp.concatenate([edge_index[0], ar % N])
    dst = jnp.concatenate([edge_index[1], N + ar % (NSH - N)])
    packed = (src | (dst << 16)).reshape(NW, epw // CHUNK, CHUNK)
    zinit = jnp.zeros((NSH, D), jnp.float32)

    p = _sc_agg(x, packed, zinit)
    h1 = _tc_layer(x, p, W1_1, b1_1, W2_1, b2_1, g_1, be_1)
    p = _sc_agg(h1, packed, zinit)
    pool1 = _tc_pool(h1, batch)
    h2 = _tc_layer(h1, p, W1_2, b1_2, W2_2, b2_2, g_2, be_2)
    p = _sc_agg(h2, packed, zinit)
    pool2 = _tc_pool(h2, batch)
    h3 = _tc_layer(h2, p, W1_3, b1_3, W2_3, b2_3, g_3, be_3)
    pool3 = _tc_pool(h3, batch)
    return _tc_head(pool1, pool2, pool3, Wlin, blin)

# --- scband reference (transcript-rebuilt; emitter-appended) ---
"""Pipeline reference for scband-subgraph-encoder-19121194402280 (READ-ONLY COPY).

The authoritative reference and input builder live on the scoring server;
editing this copy changes nothing except your own understanding.
"""

import jax, jax.numpy as jnp
import numpy as np

N = 10000
E = 320000
D = 128
H = 128
OUT = 64
NG = 64


def _init_lin(key, fan_in, fan_out):
    k1, k2 = jax.random.split(key)
    bound = 1.0 / np.sqrt(fan_in)
    W = jax.random.uniform(k1, (fan_in, fan_out), minval=-bound, maxval=bound, dtype=jnp.float32)
    b = jax.random.uniform(k2, (fan_out,), minval=-bound, maxval=bound, dtype=jnp.float32)
    return W, b


def setup_inputs(seed: int = 0):
    key = jax.random.key(seed)
    ks = jax.random.split(key, 16)
    inp = {}
    inp["x"] = jax.random.normal(ks[0], (N, D), dtype=jnp.float32)
    inp["edge_index"] = jax.random.randint(ks[1], (2, E), 0, N, dtype=jnp.int32)
    inp["batch"] = jnp.sort(jax.random.randint(ks[2], (N,), 0, NG, dtype=jnp.int32))
    dims = [(D, H), (H, H), (H, H)]
    for i, (din, h) in enumerate(dims, start=1):
        W1, b1 = _init_lin(ks[2 + 2 * i], din, h)
        W2, b2 = _init_lin(ks[3 + 2 * i], h, h)
        inp["W1_%d" % i] = W1
        inp["b1_%d" % i] = b1
        inp["W2_%d" % i] = W2
        inp["b2_%d" % i] = b2
        inp["g_%d" % i] = jnp.ones((h,), jnp.float32)
        inp["be_%d" % i] = jnp.zeros((h,), jnp.float32)
    Wl, bl = _init_lin(ks[15], 3 * H, OUT)
    inp["Wlin"] = Wl
    inp["blin"] = bl
    return inp


def _gin(x, src, dst, W1, b1, W2, b2):
    # GINConv with eps=0: nn((1+eps)*x + sum_{j in N(i)} x_j)
    agg = jnp.zeros_like(x).at[dst].add(x[src])
    h = x + agg
    return jnp.maximum(h @ W1 + b1, 0.0) @ W2 + b2


def _bn(h, g, b):
    # BatchNorm1d, training-mode batch statistics
    m = jnp.mean(h, axis=0)
    v = jnp.var(h, axis=0)
    return (h - m) / jnp.sqrt(v + 1e-5) * g + b


def _pool(h, batch):
    s = jax.ops.segment_sum(h, batch, num_segments=NG)
    c = jax.ops.segment_sum(jnp.ones((h.shape[0],), h.dtype), batch, num_segments=NG)
    return s / jnp.maximum(c, 1.0)[:, None]


def reference(x, edge_index, batch, W1_1, b1_1, W2_1, b2_1, g_1, be_1, W1_2, b1_2, W2_2, b2_2, g_2, be_2, W1_3, b1_3, W2_3, b2_3, g_3, be_3, Wlin, blin):
    src, dst = edge_index[0], edge_index[1]
    h1 = jnp.maximum(_bn(_gin(x, src, dst, W1_1, b1_1, W2_1, b2_1), g_1, be_1), 0.0)
    h2 = jnp.maximum(_bn(_gin(h1, src, dst, W1_2, b1_2, W2_2, b2_2), g_2, be_2), 0.0)
    h3 = jnp.maximum(_bn(_gin(h2, src, dst, W1_3, b1_3, W2_3, b2_3), g_3, be_3), 0.0)
    hf = jnp.concatenate([_pool(h1, batch), _pool(h2, batch), _pool(h3, batch)], axis=1)
    out = hf @ Wlin + blin
    nrm = jnp.sqrt(jnp.sum(out * out, axis=1, keepdims=True))
    return out / jnp.maximum(nrm, 1e-12)

if __name__ == "__main__":
    import jax
    _d = setup_inputs()
    print(jax.jit(kernel)(*tuple(_d.values())))

</pallas_src>

<mosaic_0001>
#map = affine_map<(d0, d1) -> (0, 0)>
#map1 = affine_map<(d0, d1) -> (0, 0, 0)>
module attributes {stable_mosaic.version = 14 : i64} {
  func.func @_sc_agg_body(%arg0: i32, %arg1: i32, %arg2: memref<10000x128xf32, #tpu.memory_space<hbm>>, %arg3: memref<32x125x80xi32, #tpu.memory_space<hbm>>, %arg4: memref<10112x128xf32, #tpu.memory_space<hbm>>, %arg5: memref<2x10112x128xf32, #tpu.memory_space<hbm>>, %arg6: memref<125x80xi32, #tpu.memory_space<vmem>>, %arg7: memref<3x80xi32, #tpu.memory_space<vmem>>, %arg8: memref<3x80xi32, #tpu.memory_space<vmem>>, %arg9: memref<3x80x128xf32, #tpu.memory_space<vmem>>, %arg10: memref<10112x128xf32, #tpu.memory_space<vmem_shared>>, %arg11: memref<!tpu.dma_semaphore, #tpu.memory_space<semaphore_mem>>) attributes {dimension_semantics = [#tpu.dimension_semantics<core_parallel>, #tpu.dimension_semantics<subcore_parallel>], iteration_bounds = array<i64: 2, 16>, scalar_prefetch = 0 : i64, scratch_operands = 6 : i64, tpu.core_type = #tpu.core_type<sc_vector_subcore>, window_params = [{transform_indices = #map}, {transform_indices = #map1}, {transform_indices = #map}, {transform_indices = #map1}]} {
    %mul3A = arith.constant 632 : i32
    %mul3A_0 = arith.muli %arg1, %mul3A : i32
    %mul3A_1 = arith.constant 632 : i32
    %mul3A_2 = arith.muli %arg1, %mul3A_1 : i32
    "tpu.region"() ({
      %run_scoped3A = tpu.sem_alloc : memref<!tpu.dma_semaphore, #tpu.memory_space<semaphore_mem>>
      %dma_start3A_264 = arith.constant 0 : i32
      %dma_start3A_265 = tpu.memref_slice %arg10[%mul3A_2, %dma_start3A_264] : memref<10112x128xf32, #tpu.memory_space<vmem_shared>> -> memref<632x128xf32, #tpu.memory_space<vmem_shared>>
      %dma_start3A_266 = arith.constant 0 : i32
      %dma_start3A_267 = tpu.memref_slice %arg4[%mul3A_0, %dma_start3A_266] : memref<10112x128xf32, #tpu.memory_space<hbm>> -> memref<632x128xf32, #tpu.memory_space<hbm>>
      tpu.enqueue_dma source(%dma_start3A_267 : memref<632x128xf32, #tpu.memory_space<hbm>>) target(%dma_start3A_265 : memref<632x128xf32, #tpu.memory_space<vmem_shared>>) target_semaphore(%run_scoped3A : memref<!tpu.dma_semaphore, #tpu.memory_space<semaphore_mem>>)
      %dma_wait3A = arith.constant 0 : i32
      %dma_wait3A_268 = tpu.memref_slice %arg10[%mul3A_2, %dma_wait3A] : memref<10112x128xf32, #tpu.memory_space<vmem_shared>> -> memref<632x128xf32, #tpu.memory_space<vmem_shared>>
      %dma_wait3A_269 = arith.constant 0 : i32
      %dma_wait3A_270 = tpu.memref_slice %arg4[%mul3A_0, %dma_wait3A_269] : memref<10112x128xf32, #tpu.memory_space<hbm>> -> memref<632x128xf32, #tpu.memory_space<hbm>>
      tpu.wait_dma2 semaphore(%run_scoped3A : memref<!tpu.dma_semaphore, #tpu.memory_space<semaphore_mem>>) src(%dma_wait3A_270 : memref<632x128xf32, #tpu.memory_space<hbm>>) dst(%dma_wait3A_268 : memref<632x128xf32, #tpu.memory_space<vmem_shared>>)
      tpu.yield
    }) : () -> ()
    %mul3A_3 = arith.constant 2 : i32
    %mul3A_4 = arith.muli %arg1, %mul3A_3 : i32
    %add3A = arith.addi %mul3A_4, %arg0 : i32
    "tpu.region"() ({
      %run_scoped3A = tpu.sem_alloc : memref<!tpu.dma_semaphore, #tpu.memory_space<semaphore_mem>>
      %dma_start3A_264 = arith.constant 0 : i32
      %dma_start3A_265 = arith.constant 0 : i32
      %dma_start3A_266 = tpu.memref_slice %arg3[%add3A, %dma_start3A_264, %dma_start3A_265] : memref<32x125x80xi32, #tpu.memory_space<hbm>> -> memref<1x125x80xi32, #tpu.memory_space<hbm>>
      %dma_start3A_267 = tpu.memref_squeeze %dma_start3A_266 : memref<1x125x80xi32, #tpu.memory_space<hbm>> -> memref<125x80xi32, #tpu.memory_space<hbm>>
      %dma_start3A_268 = arith.constant 0 : i32
      %dma_start3A_269 = arith.constant 0 : i32
      %dma_start3A_270 = tpu.memref_slice %arg3[%add3A, %dma_start3A_268, %dma_start3A_269] : memref<32x125x80xi32, #tpu.memory_space<hbm>> -> memref<1x125x80xi32, #tpu.memory_space<hbm>>
      %dma_start3A_271 = tpu.memref_squeeze %dma_start3A_270 : memref<1x125x80xi32, #tpu.memory_space<hbm>> -> memref<125x80xi32, #tpu.memory_space<hbm>>
      tpu.enqueue_dma source(%dma_start3A_271 : memref<125x80xi32, #tpu.memory_space<hbm>>) target(%arg6 : memref<125x80xi32, #tpu.memory_space<vmem>>) target_semaphore(%run_scoped3A : memref<!tpu.dma_semaphore, #tpu.memory_space<semaphore_mem>>)
      %dma_wait3A = arith.constant 0 : i32
      %dma_wait3A_272 = arith.constant 0 : i32
      %dma_wait3A_273 = tpu.memref_slice %arg3[%add3A, %dma_wait3A, %dma_wait3A_272] : memref<32x125x80xi32, #tpu.memory_space<hbm>> -> memref<1x125x80xi32, #tpu.memory_space<hbm>>
      %dma_wait3A_274 = tpu.memref_squeeze %dma_wait3A_273 : memref<1x125x80xi32, #tpu.memory_space<hbm>> -> memref<125x80xi32, #tpu.memory_space<hbm>>
      %dma_wait3A_275 = arith.constant 0 : i32
      %dma_wait3A_276 = arith.constant 0 : i32
      %dma_wait3A_277 = tpu.memref_slice %arg3[%add3A, %dma_wait3A_275, %dma_wait3A_276] : memref<32x125x80xi32, #tpu.memory_space<hbm>> -> memref<1x125x80xi32, #tpu.memory_space<hbm>>
      %dma_wait3A_278 = tpu.memref_squeeze %dma_wait3A_277 : memref<1x125x80xi32, #tpu.memory_space<hbm>> -> memref<125x80xi32, #tpu.memory_space<hbm>>
      tpu.wait_dma2 semaphore(%run_scoped3A : memref<!tpu.dma_semaphore, #tpu.memory_space<semaphore_mem>>) src(%dma_wait3A_278 : memref<125x80xi32, #tpu.memory_space<hbm>>) dst(%arg6 : memref<125x80xi32, #tpu.memory_space<vmem>>)
      tpu.yield
    }) : () -> ()
    %barrier3A = arith.constant 0 : index
    tpu.barrier barrier_id(%barrier3A)
    %get3A = arith.constant 0 : i32
    %get3A_5 = arith.index_cast %get3A : i32 to index
    %get3A_6 = arith.constant 0 : index
    %get3A_7 = tpu.vector_load %arg6[%get3A_5, %get3A_6] {strides = array<i32>} : memref<125x80xi32, #tpu.memory_space<vmem>>, vector<1x16xi32>,
    %get3A_8 = vector.shape_cast %get3A_7 : vector<1x16xi32> to vector<16xi32>
    %and3A = arith.constant 65535 : i32
    %and3A_9 = vector.broadcast %and3A : i32 to vector<16xi32>
    %and3A_10 = arith.andi %get3A_8, %and3A_9 : vector<16xi32>
    %swap3A = arith.constant 0 : i32
    %swap3A_11 = arith.index_cast %swap3A : i32 to index
    %swap3A_12 = arith.constant 0 : index
    %swap3A_13 = tpu.vector_load %arg7[%swap3A_11, %swap3A_12] {strides = array<i32>} : memref<3x80xi32, #tpu.memory_space<vmem>>, vector<1x16xi32>,
    %swap3A_14 = vector.shape_cast %swap3A_13 : vector<1x16xi32> to vector<16xi32>
    %swap3A_15 = vector.shape_cast %and3A_10 : vector<16xi32> to vector<1x16xi32>
    tpu.vector_store %arg7[%swap3A_11, %swap3A_12], %swap3A_15 {strides = array<i32>} : memref<3x80xi32, #tpu.memory_space<vmem>>, vector<1x16xi32>,
    %shift_right_logical3A = arith.constant 16 : i32
    %shift_right_logical3A_16 = vector.broadcast %shift_right_logical3A : i32 to vector<16xi32>
    %shift_right_logical3A_17 = arith.shrui %get3A_8, %shift_right_logical3A_16 : vector<16xi32>
    %swap3A_18 = arith.constant 0 : i32
    %swap3A_19 = arith.index_cast %swap3A_18 : i32 to index
    %swap3A_20 = arith.constant 0 : index
    %swap3A_21 = tpu.vector_load %arg8[%swap3A_19, %swap3A_20] {strides = array<i32>} : memref<3x80xi32, #tpu.memory_space<vmem>>, vector<1x16xi32>,
    %swap3A_22 = vector.shape_cast %swap3A_21 : vector<1x16xi32> to vector<16xi32>
    %swap3A_23 = vector.shape_cast %shift_right_logical3A_17 : vector<16xi32> to vector<1x16xi32>
    tpu.vector_store %arg8[%swap3A_19, %swap3A_20], %swap3A_23 {strides = array<i32>} : memref<3x80xi32, #tpu.memory_space<vmem>>, vector<1x16xi32>,
    %get3A_24 = arith.constant 0 : i32
    %get3A_25 = arith.index_cast %get3A_24 : i32 to index
    %get3A_26 = arith.constant 16 : index
    %get3A_27 = tpu.vector_load %arg6[%get3A_25, %get3A_26] {strides = array<i32>} : memref<125x80xi32, #tpu.memory_space<vmem>>, vector<1x16xi32>,
    %get3A_28 = vector.shape_cast %get3A_27 : vector<1x16xi32> to vector<16xi32>
    %and3A_29 = arith.constant 65535 : i32
    %and3A_30 = vector.broadcast %and3A_29 : i32 to vector<16xi32>
    %and3A_31 = arith.andi %get3A_28, %and3A_30 : vector<16xi32>
    %swap3A_32 = arith.constant 0 : i32
    %swap3A_33 = arith.index_cast %swap3A_32 : i32 to index
    %swap3A_34 = arith.constant 16 : index
    %swap3A_35 = tpu.vector_load %arg7[%swap3A_33, %swap3A_34] {strides = array<i32>} : memref<3x80xi32, #tpu.memory_space<vmem>>, vector<1x16xi32>,
    %swap3A_36 = vector.shape_cast %swap3A_35 : vector<1x16xi32> to vector<16xi32>
    %swap3A_37 = vector.shape_cast %and3A_31 : vector<16xi32> to vector<1x16xi32>
    tpu.vector_store %arg7[%swap3A_33, %swap3A_34], %swap3A_37 {strides = array<i32>} : memref<3x80xi32, #tpu.memory_space<vmem>>, vector<1x16xi32>,
    %shift_right_logical3A_38 = arith.constant 16 : i32
    %shift_right_logical3A_39 = vector.broadcast %shift_right_logical3A_38 : i32 to vector<16xi32>
    %shift_right_logical3A_40 = arith.shrui %get3A_28, %shift_right_logical3A_39 : vector<16xi32>
    %swap3A_41 = arith.constant 0 : i32
    %swap3A_42 = arith.index_cast %swap3A_41 : i32 to index
    %swap3A_43 = arith.constant 16 : index
    %swap3A_44 = tpu.vector_load %arg8[%swap3A_42, %swap3A_43] {strides = array<i32>} : memref<3x80xi32, #tpu.memory_space<vmem>>, vector<1x16xi32>,
    %swap3A_45 = vector.shape_cast %swap3A_44 : vector<1x16xi32> to vector<16xi32>
    %swap3A_46 = vector.shape_cast %shift_right_logical3A_40 : vector<16xi32> to vector<1x16xi32>
    tpu.vector_store %arg8[%swap3A_42, %swap3A_43], %swap3A_46 {strides = array<i32>} : memref<3x80xi32, #tpu.memory_space<vmem>>, vector<1x16xi32>,
    %get3A_47 = arith.constant 0 : i32
    %get3A_48 = arith.index_cast %get3A_47 : i32 to index
    %get3A_49 = arith.constant 32 : index
    %get3A_50 = tpu.vector_load %arg6[%get3A_48, %get3A_49] {strides = array<i32>} : memref<125x80xi32, #tpu.memory_space<vmem>>, vector<1x16xi32>,
    %get3A_51 = vector.shape_cast %get3A_50 : vector<1x16xi32> to vector<16xi32>
    %and3A_52 = arith.constant 65535 : i32
    %and3A_53 = vector.broadcast %and3A_52 : i32 to vector<16xi32>
    %and3A_54 = arith.andi %get3A_51, %and3A_53 : vector<16xi32>
    %swap3A_55 = arith.constant 0 : i32
    %swap3A_56 = arith.index_cast %swap3A_55 : i32 to index
    %swap3A_57 = arith.constant 32 : index
    %swap3A_58 = tpu.vector_load %arg7[%swap3A_56, %swap3A_57] {strides = array<i32>} : memref<3x80xi32, #tpu.memory_space<vmem>>, vector<1x16xi32>,
    %swap3A_59 = vector.shape_cast %swap3A_58 : vector<1x16xi32> to vector<16xi32>
    %swap3A_60 = vector.shape_cast %and3A_54 : vector<16xi32> to vector<1x16xi32>
    tpu.vector_store %arg7[%swap3A_56, %swap3A_57], %swap3A_60 {strides = array<i32>} : memref<3x80xi32, #tpu.memory_space<vmem>>, vector<1x16xi32>,
    %shift_right_logical3A_61 = arith.constant 16 : i32
    %shift_right_logical3A_62 = vector.broadcast %shift_right_logical3A_61 : i32 to vector<16xi32>
    %shift_right_logical3A_63 = arith.shrui %get3A_51, %shift_right_logical3A_62 : vector<16xi32>
    %swap3A_64 = arith.constant 0 : i32
    %swap3A_65 = arith.index_cast %swap3A_64 : i32 to index
    %swap3A_66 = arith.constant 32 : index
    %swap3A_67 = tpu.vector_load %arg8[%swap3A_65, %swap3A_66] {strides = array<i32>} : memref<3x80xi32, #tpu.memory_space<vmem>>, vector<1x16xi32>,
    %swap3A_68 = vector.shape_cast %swap3A_67 : vector<1x16xi32> to vector<16xi32>
    %swap3A_69 = vector.shape_cast %shift_right_logical3A_63 : vector<16xi32> to vector<1x16xi32>
    tpu.vector_store %arg8[%swap3A_65, %swap3A_66], %swap3A_69 {strides = array<i32>} : memref<3x80xi32, #tpu.memory_space<vmem>>, vector<1x16xi32>,
    %get3A_70 = arith.constant 0 : i32
    %get3A_71 = arith.index_cast %get3A_70 : i32 to index
    %get3A_72 = arith.constant 48 : index
    %get3A_73 = tpu.vector_load %arg6[%get3A_71, %get3A_72] {strides = array<i32>} : memref<125x80xi32, #tpu.memory_space<vmem>>, vector<1x16xi32>,
    %get3A_74 = vector.shape_cast %get3A_73 : vector<1x16xi32> to vector<16xi32>
    %and3A_75 = arith.constant 65535 : i32
    %and3A_76 = vector.broadcast %and3A_75 : i32 to vector<16xi32>
    %and3A_77 = arith.andi %get3A_74, %and3A_76 : vector<16xi32>
    %swap3A_78 = arith.constant 0 : i32
    %swap3A_79 = arith.index_cast %swap3A_78 : i32 to index
    %swap3A_80 = arith.constant 48 : index
    %swap3A_81 = tpu.vector_load %arg7[%swap3A_79, %swap3A_80] {strides = array<i32>} : memref<3x80xi32, #tpu.memory_space<vmem>>, vector<1x16xi32>,
    %swap3A_82 = vector.shape_cast %swap3A_81 : vector<1x16xi32> to vector<16xi32>
    %swap3A_83 = vector.shape_cast %and3A_77 : vector<16xi32> to vector<1x16xi32>
    tpu.vector_store %arg7[%swap3A_79, %swap3A_80], %swap3A_83 {strides = array<i32>} : memref<3x80xi32, #tpu.memory_space<vmem>>, vector<1x16xi32>,
    %shift_right_logical3A_84 = arith.constant 16 : i32
    %shift_right_logical3A_85 = vector.broadcast %shift_right_logical3A_84 : i32 to vector<16xi32>
    %shift_right_logical3A_86 = arith.shrui %get3A_74, %shift_right_logical3A_85 : vector<16xi32>
    %swap3A_87 = arith.constant 0 : i32
    %swap3A_88 = arith.index_cast %swap3A_87 : i32 to index
    %swap3A_89 = arith.constant 48 : index
    %swap3A_90 = tpu.vector_load %arg8[%swap3A_88, %swap3A_89] {strides = array<i32>} : memref<3x80xi32, #tpu.memory_space<vmem>>, vector<1x16xi32>,
    %swap3A_91 = vector.shape_cast %swap3A_90 : vector<1x16xi32> to vector<16xi32>
    %swap3A_92 = vector.shape_cast %shift_right_logical3A_86 : vector<16xi32> to vector<1x16xi32>
    tpu.vector_store %arg8[%swap3A_88, %swap3A_89], %swap3A_92 {strides = array<i32>} : memref<3x80xi32, #tpu.memory_space<vmem>>, vector<1x16xi32>,
    %get3A_93 = arith.constant 0 : i32
    %get3A_94 = arith.index_cast %get3A_93 : i32 to index
    %get3A_95 = arith.constant 64 : index
    %get3A_96 = tpu.vector_load %arg6[%get3A_94, %get3A_95] {strides = array<i32>} : memref<125x80xi32, #tpu.memory_space<vmem>>, vector<1x16xi32>,
    %get3A_97 = vector.shape_cast %get3A_96 : vector<1x16xi32> to vector<16xi32>
    %and3A_98 = arith.constant 65535 : i32
    %and3A_99 = vector.broadcast %and3A_98 : i32 to vector<16xi32>
    %and3A_100 = arith.andi %get3A_97, %and3A_99 : vector<16xi32>
    %swap3A_101 = arith.constant 0 : i32
    %swap3A_102 = arith.index_cast %swap3A_101 : i32 to index
    %swap3A_103 = arith.constant 64 : index
    %swap3A_104 = tpu.vector_load %arg7[%swap3A_102, %swap3A_103] {strides = array<i32>} : memref<3x80xi32, #tpu.memory_space<vmem>>, vector<1x16xi32>,
    %swap3A_105 = vector.shape_cast %swap3A_104 : vector<1x16xi32> to vector<16xi32>
    %swap3A_106 = vector.shape_cast %and3A_100 : vector<16xi32> to vector<1x16xi32>
    tpu.vector_store %arg7[%swap3A_102, %swap3A_103], %swap3A_106 {strides = array<i32>} : memref<3x80xi32, #tpu.memory_space<vmem>>, vector<1x16xi32>,
    %shift_right_logical3A_107 = arith.constant 16 : i32
    %shift_right_logical3A_108 = vector.broadcast %shift_right_logical3A_107 : i32 to vector<16xi32>
    %shift_right_logical3A_109 = arith.shrui %get3A_97, %shift_right_logical3A_108 : vector<16xi32>
    %swap3A_110 = arith.constant 0 : i32
    %swap3A_111 = arith.index_cast %swap3A_110 : i32 to index
    %swap3A_112 = arith.constant 64 : index
    %swap3A_113 = tpu.vector_load %arg8[%swap3A_111, %swap3A_112] {strides = array<i32>} : memref<3x80xi32, #tpu.memory_space<vmem>>, vector<1x16xi32>,
    %swap3A_114 = vector.shape_cast %swap3A_113 : vector<1x16xi32> to vector<16xi32>
    %swap3A_115 = vector.shape_cast %shift_right_logical3A_109 : vector<16xi32> to vector<1x16xi32>
    tpu.vector_store %arg8[%swap3A_111, %swap3A_112], %swap3A_115 {strides = array<i32>} : memref<3x80xi32, #tpu.memory_space<vmem>>, vector<1x16xi32>,
    %dma_start3A = arith.constant 0 : i32
    %dma_start3A_116 = arith.constant 0 : i32
    %dma_start3A_117 = arith.constant 0 : i32
    %dma_start3A_118 = arith.constant 0 : i32
    %dma_start3A_119 = tpu.memref_slice %arg9[%dma_start3A_116, %dma_start3A_117, %dma_start3A_118] : memref<3x80x128xf32, #tpu.memory_space<vmem>> -> memref<1x80x128xf32, #tpu.memory_space<vmem>>
    %dma_start3A_120 = tpu.memref_squeeze %dma_start3A_119 : memref<1x80x128xf32, #tpu.memory_space<vmem>> -> memref<80x128xf32, #tpu.memory_space<vmem>>
    %dma_start3A_121 = arith.constant 0 : i32
    %dma_start3A_122 = tpu.memref_slice %arg7[%dma_start3A, %dma_start3A_121] : memref<3x80xi32, #tpu.memory_space<vmem>> -> memref<1x80xi32, #tpu.memory_space<vmem>>
    %dma_start3A_123 = tpu.memref_squeeze %dma_start3A_122 : memref<1x80xi32, #tpu.memory_space<vmem>> -> memref<80xi32, #tpu.memory_space<vmem>>
    %dma_start3A_124 = arith.constant 0 : i32
    %dma_start3A_125 = arith.constant 0 : i32
    %dma_start3A_126 = tpu.memref_slice %arg2[%dma_start3A_124, %dma_start3A_125] : memref<10000x128xf32, #tpu.memory_space<hbm>> -> memref<10000x128xf32, #tpu.memory_space<hbm>>
    tpu.enqueue_indirect_dma source(%dma_start3A_126 : memref<10000x128xf32, #tpu.memory_space<hbm>>) target(%dma_start3A_120 : memref<80x128xf32, #tpu.memory_space<vmem>>) offsets(%dma_start3A_123 : memref<80xi32, #tpu.memory_space<vmem>>) semaphore(%arg11 : memref<!tpu.dma_semaphore, #tpu.memory_space<semaphore_mem>>)
    %get3A_127 = arith.constant 1 : i32
    %get3A_128 = arith.index_cast %get3A_127 : i32 to index
    %get3A_129 = arith.constant 0 : index
    %get3A_130 = tpu.vector_load %arg6[%get3A_128, %get3A_129] {strides = array<i32>} : memref<125x80xi32, #tpu.memory_space<vmem>>, vector<1x16xi32>,
    %get3A_131 = vector.shape_cast %get3A_130 : vector<1x16xi32> to vector<16xi32>
    %and3A_132 = arith.constant 65535 : i32
    %and3A_133 = vector.broadcast %and3A_132 : i32 to vector<16xi32>
    %and3A_134 = arith.andi %get3A_131, %and3A_133 : vector<16xi32>
    %swap3A_135 = arith.constant 1 : i32
    %swap3A_136 = arith.index_cast %swap3A_135 : i32 to index
    %swap3A_137 = arith.constant 0 : index
    %swap3A_138 = tpu.vector_load %arg7[%swap3A_136, %swap3A_137] {strides = array<i32>} : memref<3x80xi32, #tpu.memory_space<vmem>>, vector<1x16xi32>,
    %swap3A_139 = vector.shape_cast %swap3A_138 : vector<1x16xi32> to vector<16xi32>
    %swap3A_140 = vector.shape_cast %and3A_134 : vector<16xi32> to vector<1x16xi32>
    tpu.vector_store %arg7[%swap3A_136, %swap3A_137], %swap3A_140 {strides = array<i32>} : memref<3x80xi32, #tpu.memory_space<vmem>>, vector<1x16xi32>,
    %shift_right_logical3A_141 = arith.constant 16 : i32
    %shift_right_logical3A_142 = vector.broadcast %shift_right_logical3A_141 : i32 to vector<16xi32>
    %shift_right_logical3A_143 = arith.shrui %get3A_131, %shift_right_logical3A_142 : vector<16xi32>
    %swap3A_144 = arith.constant 1 : i32
    %swap3A_145 = arith.index_cast %swap3A_144 : i32 to index
    %swap3A_146 = arith.constant 0 : index
    %swap3A_147 = tpu.vector_load %arg8[%swap3A_145, %swap3A_146] {strides = array<i32>} : memref<3x80xi32, #tpu.memory_space<vmem>>, vector<1x16xi32>,
    %swap3A_148 = vector.shape_cast %swap3A_147 : vector<1x16xi32> to vector<16xi32>
    %swap3A_149 = vector.shape_cast %shift_right_logical3A_143 : vector<16xi32> to vector<1x16xi32>
    tpu.vector_store %arg8[%swap3A_145, %swap3A_146], %swap3A_149 {strides = array<i32>} : memref<3x80xi32, #tpu.memory_space<vmem>>, vector<1x16xi32>,
    %get3A_150 = arith.constant 1 : i32
    %get3A_151 = arith.index_cast %get3A_150 : i32 to index
    %get3A_152 = arith.constant 16 : index
    %get3A_153 = tpu.vector_load %arg6[%get3A_151, %get3A_152] {strides = array<i32>} : memref<125x80xi32, #tpu.memory_space<vmem>>, vector<1x16xi32>,
    %get3A_154 = vector.shape_cast %get3A_153 : vector<1x16xi32> to vector<16xi32>
    %and3A_155 = arith.constant 65535 : i32
    %and3A_156 = vector.broadcast %and3A_155 : i32 to vector<16xi32>
    %and3A_157 = arith.andi %get3A_154, %and3A_156 : vector<16xi32>
    %swap3A_158 = arith.constant 1 : i32
    %swap3A_159 = arith.index_cast %swap3A_158 : i32 to index
    %swap3A_160 = arith.constant 16 : index
    %swap3A_161 = tpu.vector_load %arg7[%swap3A_159, %swap3A_160] {strides = array<i32>} : memref<3x80xi32, #tpu.memory_space<vmem>>, vector<1x16xi32>,
    %swap3A_162 = vector.shape_cast %swap3A_161 : vector<1x16xi32> to vector<16xi32>
    %swap3A_163 = vector.shape_cast %and3A_157 : vector<16xi32> to vector<1x16xi32>
    tpu.vector_store %arg7[%swap3A_159, %swap3A_160], %swap3A_163 {strides = array<i32>} : memref<3x80xi32, #tpu.memory_space<vmem>>, vector<1x16xi32>,
    %shift_right_logical3A_164 = arith.constant 16 : i32
    %shift_right_logical3A_165 = vector.broadcast %shift_right_logical3A_164 : i32 to vector<16xi32>
    %shift_right_logical3A_166 = arith.shrui %get3A_154, %shift_right_logical3A_165 : vector<16xi32>
    %swap3A_167 = arith.constant 1 : i32
    %swap3A_168 = arith.index_cast %swap3A_167 : i32 to index
    %swap3A_169 = arith.constant 16 : index
    %swap3A_170 = tpu.vector_load %arg8[%swap3A_168, %swap3A_169] {strides = array<i32>} : memref<3x80xi32, #tpu.memory_space<vmem>>, vector<1x16xi32>,
    %swap3A_171 = vector.shape_cast %swap3A_170 : vector<1x16xi32> to vector<16xi32>
    %swap3A_172 = vector.shape_cast %shift_right_logical3A_166 : vector<16xi32> to vector<1x16xi32>
    tpu.vector_store %arg8[%swap3A_168, %swap3A_169], %swap3A_172 {strides = array<i32>} : memref<3x80xi32, #tpu.memory_space<vmem>>, vector<1x16xi32>,
    %get3A_173 = arith.constant 1 : i32
    %get3A_174 = arith.index_cast %get3A_173 : i32 to index
    %get3A_175 = arith.constant 32 : index
    %get3A_176 = tpu.vector_load %arg6[%get3A_174, %get3A_175] {strides = array<i32>} : memref<125x80xi32, #tpu.memory_space<vmem>>, vector<1x16xi32>,
    %get3A_177 = vector.shape_cast %get3A_176 : vector<1x16xi32> to vector<16xi32>
    %and3A_178 = arith.constant 65535 : i32
    %and3A_179 = vector.broadcast %and3A_178 : i32 to vector<16xi32>
    %and3A_180 = arith.andi %get3A_177, %and3A_179 : vector<16xi32>
    %swap3A_181 = arith.constant 1 : i32
    %swap3A_182 = arith.index_cast %swap3A_181 : i32 to index
    %swap3A_183 = arith.constant 32 : index
    %swap3A_184 = tpu.vector_load %arg7[%swap3A_182, %swap3A_183] {strides = array<i32>} : memref<3x80xi32, #tpu.memory_space<vmem>>, vector<1x16xi32>,
    %swap3A_185 = vector.shape_cast %swap3A_184 : vector<1x16xi32> to vector<16xi32>
    %swap3A_186 = vector.shape_cast %and3A_180 : vector<16xi32> to vector<1x16xi32>
    tpu.vector_store %arg7[%swap3A_182, %swap3A_183], %swap3A_186 {strides = array<i32>} : memref<3x80xi32, #tpu.memory_space<vmem>>, vector<1x16xi32>,
    %shift_right_logical3A_187 = arith.constant 16 : i32
    %shift_right_logical3A_188 = vector.broadcast %shift_right_logical3A_187 : i32 to vector<16xi32>
    %shift_right_logical3A_189 = arith.shrui %get3A_177, %shift_right_logical3A_188 : vector<16xi32>
    %swap3A_190 = arith.constant 1 : i32
    %swap3A_191 = arith.index_cast %swap3A_190 : i32 to index
    %swap3A_192 = arith.constant 32 : index
    %swap3A_193 = tpu.vector_load %arg8[%swap3A_191, %swap3A_192] {strides = array<i32>} : memref<3x80xi32, #tpu.memory_space<vmem>>, vector<1x16xi32>,
    %swap3A_194 = vector.shape_cast %swap3A_193 : vector<1x16xi32> to vector<16xi32>
    %swap3A_195 = vector.shape_cast %shift_right_logical3A_189 : vector<16xi32> to vector<1x16xi32>
    tpu.vector_store %arg8[%swap3A_191, %swap3A_192], %swap3A_195 {strides = array<i32>} : memref<3x80xi32, #tpu.memory_space<vmem>>, vector<1x16xi32>,
    %get3A_196 = arith.constant 1 : i32
    %get3A_197 = arith.index_cast %get3A_196 : i32 to index
    %get3A_198 = arith.constant 48 : index
    %get3A_199 = tpu.vector_load %arg6[%get3A_197, %get3A_198] {strides = array<i32>} : memref<125x80xi32, #tpu.memory_space<vmem>>, vector<1x16xi32>,
    %get3A_200 = vector.shape_cast %get3A_199 : vector<1x16xi32> to vector<16xi32>
    %and3A_201 = arith.constant 65535 : i32
    %and3A_202 = vector.broadcast %and3A_201 : i32 to vector<16xi32>
    %and3A_203 = arith.andi %get3A_200, %and3A_202 : vector<16xi32>
    %swap3A_204 = arith.constant 1 : i32
    %swap3A_205 = arith.index_cast %swap3A_204 : i32 to index
    %swap3A_206 = arith.constant 48 : index
    %swap3A_207 = tpu.vector_load %arg7[%swap3A_205, %swap3A_206] {strides = array<i32>} : memref<3x80xi32, #tpu.memory_space<vmem>>, vector<1x16xi32>,
    %swap3A_208 = vector.shape_cast %swap3A_207 : vector<1x16xi32> to vector<16xi32>
    %swap3A_209 = vector.shape_cast %and3A_203 : vector<16xi32> to vector<1x16xi32>
    tpu.vector_store %arg7[%swap3A_205, %swap3A_206], %swap3A_209 {strides = array<i32>} : memref<3x80xi32, #tpu.memory_space<vmem>>, vector<1x16xi32>,
    %shift_right_logical3A_210 = arith.constant 16 : i32
    %shift_right_logical3A_211 = vector.broadcast %shift_right_logical3A_210 : i32 to vector<16xi32>
    %shift_right_logical3A_212 = arith.shrui %get3A_200, %shift_right_logical3A_211 : vector<16xi32>
    %swap3A_213 = arith.constant 1 : i32
    %swap3A_214 = arith.index_cast %swap3A_213 : i32 to index
    %swap3A_215 = arith.constant 48 : index
    %swap3A_216 = tpu.vector_load %arg8[%swap3A_214, %swap3A_215] {strides = array<i32>} : memref<3x80xi32, #tpu.memory_space<vmem>>, vector<1x16xi32>,
    %swap3A_217 = vector.shape_cast %swap3A_216 : vector<1x16xi32> to vector<16xi32>
    %swap3A_218 = vector.shape_cast %shift_right_logical3A_212 : vector<16xi32> to vector<1x16xi32>
    tpu.vector_store %arg8[%swap3A_214, %swap3A_215], %swap3A_218 {strides = array<i32>} : memref<3x80xi32, #tpu.memory_space<vmem>>, vector<1x16xi32>,
    %get3A_219 = arith.constant 1 : i32
    %get3A_220 = arith.index_cast %get3A_219 : i32 to index
    %get3A_221 = arith.constant 64 : index
    %get3A_222 = tpu.vector_load %arg6[%get3A_220, %get3A_221] {strides = array<i32>} : memref<125x80xi32, #tpu.memory_space<vmem>>, vector<1x16xi32>,
    %get3A_223 = vector.shape_cast %get3A_222 : vector<1x16xi32> to vector<16xi32>
    %and3A_224 = arith.constant 65535 : i32
    %and3A_225 = vector.broadcast %and3A_224 : i32 to vector<16xi32>
    %and3A_226 = arith.andi %get3A_223, %and3A_225 : vector<16xi32>
    %swap3A_227 = arith.constant 1 : i32
    %swap3A_228 = arith.index_cast %swap3A_227 : i32 to index
    %swap3A_229 = arith.constant 64 : index
    %swap3A_230 = tpu.vector_load %arg7[%swap3A_228, %swap3A_229] {strides = array<i32>} : memref<3x80xi32, #tpu.memory_space<vmem>>, vector<1x16xi32>,
    %swap3A_231 = vector.shape_cast %swap3A_230 : vector<1x16xi32> to vector<16xi32>
    %swap3A_232 = vector.shape_cast %and3A_226 : vector<16xi32> to vector<1x16xi32>
    tpu.vector_store %arg7[%swap3A_228, %swap3A_229], %swap3A_232 {strides = array<i32>} : memref<3x80xi32, #tpu.memory_space<vmem>>, vector<1x16xi32>,
    %shift_right_logical3A_233 = arith.constant 16 : i32
    %shift_right_logical3A_234 = vector.broadcast %shift_right_logical3A_233 : i32 to vector<16xi32>
    %shift_right_logical3A_235 = arith.shrui %get3A_223, %shift_right_logical3A_234 : vector<16xi32>
    %swap3A_236 = arith.constant 1 : i32
    %swap3A_237 = arith.index_cast %swap3A_236 : i32 to index
    %swap3A_238 = arith.constant 64 : index
    %swap3A_239 = tpu.vector_load %arg8[%swap3A_237, %swap3A_238] {strides = array<i32>} : memref<3x80xi32, #tpu.memory_space<vmem>>, vector<1x16xi32>,
    %swap3A_240 = vector.shape_cast %swap3A_239 : vector<1x16xi32> to vector<16xi32>
    %swap3A_241 = vector.shape_cast %shift_right_logical3A_235 : vector<16xi32> to vector<1x16xi32>
    tpu.vector_store %arg8[%swap3A_237, %swap3A_238], %swap3A_241 {strides = array<i32>} : memref<3x80xi32, #tpu.memory_space<vmem>>, vector<1x16xi32>,
    %dma_start3A_242 = arith.constant 1 : i32
    %dma_start3A_243 = arith.constant 1 : i32
    %dma_start3A_244 = arith.constant 0 : i32
    %dma_start3A_245 = arith.constant 0 : i32
    %dma_start3A_246 = tpu.memref_slice %arg9[%dma_start3A_243, %dma_start3A_244, %dma_start3A_245] : memref<3x80x128xf32, #tpu.memory_space<vmem>> -> memref<1x80x128xf32, #tpu.memory_space<vmem>>
    %dma_start3A_247 = tpu.memref_squeeze %dma_start3A_246 : memref<1x80x128xf32, #tpu.memory_space<vmem>> -> memref<80x128xf32, #tpu.memory_space<vmem>>
    %dma_start3A_248 = arith.constant 0 : i32
    %dma_start3A_249 = tpu.memref_slice %arg7[%dma_start3A_242, %dma_start3A_248] : memref<3x80xi32, #tpu.memory_space<vmem>> -> memref<1x80xi32, #tpu.memory_space<vmem>>
    %dma_start3A_250 = tpu.memref_squeeze %dma_start3A_249 : memref<1x80xi32, #tpu.memory_space<vmem>> -> memref<80xi32, #tpu.memory_space<vmem>>
    %dma_start3A_251 = arith.constant 0 : i32
    %dma_start3A_252 = arith.constant 0 : i32
    %dma_start3A_253 = tpu.memref_slice %arg2[%dma_start3A_251, %dma_start3A_252] : memref<10000x128xf32, #tpu.memory_space<hbm>> -> memref<10000x128xf32, #tpu.memory_space<hbm>>
    tpu.enqueue_indirect_dma source(%dma_start3A_253 : memref<10000x128xf32, #tpu.memory_space<hbm>>) target(%dma_start3A_247 : memref<80x128xf32, #tpu.memory_space<vmem>>) offsets(%dma_start3A_250 : memref<80xi32, #tpu.memory_space<vmem>>) semaphore(%arg11 : memref<!tpu.dma_semaphore, #tpu.memory_space<semaphore_mem>>)
    %scan3A = arith.constant 0 : i32
    %scan3A_254 = arith.constant 0 : i32
    %scan3A_255 = arith.constant 125 : i32
    %scan3A_256 = arith.addi %scan3A_254, %scan3A_255 : i32
    %scan3A_257 = arith.constant 1 : i32
    scf.for %scan3A_264 = %scan3A_254 to %scan3A_256 step %scan3A_257  : i32 {
      %rem3A = arith.constant 3 : i32
      %rem3A_265 = arith.remsi %scan3A_264, %rem3A : i32
      %add3A_266 = arith.constant 3 : i32
      %add3A_267 = arith.addi %scan3A_264, %add3A_266 : i32
      %sub3A = arith.constant 1 : i32
      %sub3A_268 = arith.subi %add3A_267, %sub3A : i32
      %rem3A_269 = arith.constant 3 : i32
      %rem3A_270 = arith.remsi %sub3A_268, %rem3A_269 : i32
      %dma_wait3A = arith.constant 0 : i32
      %dma_wait3A_271 = arith.constant 0 : i32
      %dma_wait3A_272 = tpu.memref_slice %arg9[%rem3A_265, %dma_wait3A, %dma_wait3A_271] : memref<3x80x128xf32, #tpu.memory_space<vmem>> -> memref<1x80x128xf32, #tpu.memory_space<vmem>>
      %dma_wait3A_273 = tpu.memref_squeeze %dma_wait3A_272 : memref<1x80x128xf32, #tpu.memory_space<vmem>> -> memref<80x128xf32, #tpu.memory_space<vmem>>
      %dma_wait3A_274 = arith.constant 0 : i32
      %dma_wait3A_275 = tpu.memref_slice %arg7[%rem3A_265, %dma_wait3A_274] : memref<3x80xi32, #tpu.memory_space<vmem>> -> memref<1x80xi32, #tpu.memory_space<vmem>>
      %dma_wait3A_276 = tpu.memref_squeeze %dma_wait3A_275 : memref<1x80xi32, #tpu.memory_space<vmem>> -> memref<80xi32, #tpu.memory_space<vmem>>
      %dma_wait3A_277 = arith.constant 0 : i32
      %dma_wait3A_278 = arith.constant 0 : i32
      %dma_wait3A_279 = tpu.memref_slice %arg2[%dma_wait3A_277, %dma_wait3A_278] : memref<10000x128xf32, #tpu.memory_space<hbm>> -> memref<10000x128xf32, #tpu.memory_space<hbm>>
      tpu.wait_indirect_dma semaphore(%arg11 : memref<!tpu.dma_semaphore, #tpu.memory_space<semaphore_mem>>) src(%dma_wait3A_279 : memref<10000x128xf32, #tpu.memory_space<hbm>>) dst(%dma_wait3A_273 : memref<80x128xf32, #tpu.memory_space<vmem>>)
      %add3A_280 = arith.constant 3 : i32
      %add3A_281 = arith.addi %scan3A_264, %add3A_280 : i32
      %sub3A_282 = arith.constant 1 : i32
      %sub3A_283 = arith.subi %add3A_281, %sub3A_282 : i32
      %lt3A = arith.constant 125 : i32
      %lt3A_284 = arith.cmpi slt, %sub3A_283, %lt3A : i32
      %convert_element_type3A = arith.extui %lt3A_284 : i1 to i32
      %cond3A = arith.constant 0 : i32
      %cond3A_285 = arith.cmpi ne, %convert_element_type3A, %cond3A : i32
      scf.if %cond3A_285 {
        %add3A_286 = arith.constant 3 : i32
        %add3A_287 = arith.addi %scan3A_264, %add3A_286 : i32
        %sub3A_288 = arith.constant 1 : i32
        %sub3A_289 = arith.subi %add3A_287, %sub3A_288 : i32
        %get3A_290 = arith.index_cast %sub3A_289 : i32 to index
        %get3A_291 = arith.constant 0 : index
        %get3A_292 = tpu.vector_load %arg6[%get3A_290, %get3A_291] {strides = array<i32>} : memref<125x80xi32, #tpu.memory_space<vmem>>, vector<1x16xi32>,
        %get3A_293 = vector.shape_cast %get3A_292 : vector<1x16xi32> to vector<16xi32>
        %and3A_294 = arith.constant 65535 : i32
        %and3A_295 = vector.broadcast %and3A_294 : i32 to vector<16xi32>
        %and3A_296 = arith.andi %get3A_293, %and3A_295 : vector<16xi32>
        %swap3A_297 = arith.index_cast %rem3A_270 : i32 to index
        %swap3A_298 = arith.constant 0 : index
        %swap3A_299 = tpu.vector_load %arg7[%swap3A_297, %swap3A_298] {strides = array<i32>} : memref<3x80xi32, #tpu.memory_space<vmem>>, vector<1x16xi32>,
        %swap3A_300 = vector.shape_cast %swap3A_299 : vector<1x16xi32> to vector<16xi32>
        %swap3A_301 = vector.shape_cast %and3A_296 : vector<16xi32> to vector<1x16xi32>
        tpu.vector_store %arg7[%swap3A_297, %swap3A_298], %swap3A_301 {strides = array<i32>} : memref<3x80xi32, #tpu.memory_space<vmem>>, vector<1x16xi32>,
        %shift_right_logical3A_302 = arith.constant 16 : i32
        %shift_right_logical3A_303 = vector.broadcast %shift_right_logical3A_302 : i32 to vector<16xi32>
        %shift_right_logical3A_304 = arith.shrui %get3A_293, %shift_right_logical3A_303 : vector<16xi32>
        %swap3A_305 = arith.index_cast %rem3A_270 : i32 to index
        %swap3A_306 = arith.constant 0 : index
        %swap3A_307 = tpu.vector_load %arg8[%swap3A_305, %swap3A_306] {strides = array<i32>} : memref<3x80xi32, #tpu.memory_space<vmem>>, vector<1x16xi32>,
        %swap3A_308 = vector.shape_cast %swap3A_307 : vector<1x16xi32> to vector<16xi32>
        %swap3A_309 = vector.shape_cast %shift_right_logical3A_304 : vector<16xi32> to vector<1x16xi32>
        tpu.vector_store %arg8[%swap3A_305, %swap3A_306], %swap3A_309 {strides = array<i32>} : memref<3x80xi32, #tpu.memory_space<vmem>>, vector<1x16xi32>,
        %get3A_310 = arith.index_cast %sub3A_289 : i32 to index
        %get3A_311 = arith.constant 16 : index
        %get3A_312 = tpu.vector_load %arg6[%get3A_310, %get3A_311] {strides = array<i32>} : memref<125x80xi32, #tpu.memory_space<vmem>>, vector<1x16xi32>,
        %get3A_313 = vector.shape_cast %get3A_312 : vector<1x16xi32> to vector<16xi32>
        %and3A_314 = arith.constant 65535 : i32
        %and3A_315 = vector.broadcast %and3A_314 : i32 to vector<16xi32>
        %and3A_316 = arith.andi %get3A_313, %and3A_315 : vector<16xi32>
        %swap3A_317 = arith.index_cast %rem3A_270 : i32 to index
        %swap3A_318 = arith.constant 16 : index
        %swap3A_319 = tpu.vector_load %arg7[%swap3A_317, %swap3A_318] {strides = array<i32>} : memref<3x80xi32, #tpu.memory_space<vmem>>, vector<1x16xi32>,
        %swap3A_320 = vector.shape_cast %swap3A_319 : vector<1x16xi32> to vector<16xi32>
        %swap3A_321 = vector.shape_cast %and3A_316 : vector<16xi32> to vector<1x16xi32>
        tpu.vector_store %arg7[%swap3A_317, %swap3A_318], %swap3A_321 {strides = array<i32>} : memref<3x80xi32, #tpu.memory_space<vmem>>, vector<1x16xi32>,
        %shift_right_logical3A_322 = arith.constant 16 : i32
        %shift_right_logical3A_323 = vector.broadcast %shift_right_logical3A_322 : i32 to vector<16xi32>
        %shift_right_logical3A_324 = arith.shrui %get3A_313, %shift_right_logical3A_323 : vector<16xi32>
        %swap3A_325 = arith.index_cast %rem3A_270 : i32 to index
        %swap3A_326 = arith.constant 16 : index
        %swap3A_327 = tpu.vector_load %arg8[%swap3A_325, %swap3A_326] {strides = array<i32>} : memref<3x80xi32, #tpu.memory_space<vmem>>, vector<1x16xi32>,
        %swap3A_328 = vector.shape_cast %swap3A_327 : vector<1x16xi32> to vector<16xi32>
        %swap3A_329 = vector.shape_cast %shift_right_logical3A_324 : vector<16xi32> to vector<1x16xi32>
        tpu.vector_store %arg8[%swap3A_325, %swap3A_326], %swap3A_329 {strides = array<i32>} : memref<3x80xi32, #tpu.memory_space<vmem>>, vector<1x16xi32>,
        %get3A_330 = arith.index_cast %sub3A_289 : i32 to index
        %get3A_331 = arith.constant 32 : index
        %get3A_332 = tpu.vector_load %arg6[%get3A_330, %get3A_331] {strides = array<i32>} : memref<125x80xi32, #tpu.memory_space<vmem>>, vector<1x16xi32>,
        %get3A_333 = vector.shape_cast %get3A_332 : vector<1x16xi32> to vector<16xi32>
        %and3A_334 = arith.constant 65535 : i32
        %and3A_335 = vector.broadcast %and3A_334 : i32 to vector<16xi32>
        %and3A_336 = arith.andi %get3A_333, %and3A_335 : vector<16xi32>
        %swap3A_337 = arith.index_cast %rem3A_270 : i32 to index
        %swap3A_338 = arith.constant 32 : index
        %swap3A_339 = tpu.vector_load %arg7[%swap3A_337, %swap3A_338] {strides = array<i32>} : memref<3x80xi32, #tpu.memory_space<vmem>>, vector<1x16xi32>,
        %swap3A_340 = vector.shape_cast %swap3A_339 : vector<1x16xi32> to vector<16xi32>
        %swap3A_341 = vector.shape_cast %and3A_336 : vector<16xi32> to vector<1x16xi32>
        tpu.vector_store %arg7[%swap3A_337, %swap3A_338], %swap3A_341 {strides = array<i32>} : memref<3x80xi32, #tpu.memory_space<vmem>>, vector<1x16xi32>,
        %shift_right_logical3A_342 = arith.constant 16 : i32
        %shift_right_logical3A_343 = vector.broadcast %shift_right_logical3A_342 : i32 to vector<16xi32>
        %shift_right_logical3A_344 = arith.shrui %get3A_333, %shift_right_logical3A_343 : vector<16xi32>
        %swap3A_345 = arith.index_cast %rem3A_270 : i32 to index
        %swap3A_346 = arith.constant 32 : index
        %swap3A_347 = tpu.vector_load %arg8[%swap3A_345, %swap3A_346] {strides = array<i32>} : memref<3x80xi32, #tpu.memory_space<vmem>>, vector<1x16xi32>,
        %swap3A_348 = vector.shape_cast %swap3A_347 : vector<1x16xi32> to vector<16xi32>
        %swap3A_349 = vector.shape_cast %shift_right_logical3A_344 : vector<16xi32> to vector<1x16xi32>
        tpu.vector_store %arg8[%swap3A_345, %swap3A_346], %swap3A_349 {strides = array<i32>} : memref<3x80xi32, #tpu.memory_space<vmem>>, vector<1x16xi32>,
        %get3A_350 = arith.index_cast %sub3A_289 : i32 to index
        %get3A_351 = arith.constant 48 : index
        %get3A_352 = tpu.vector_load %arg6[%get3A_350, %get3A_351] {strides = array<i32>} : memref<125x80xi32, #tpu.memory_space<vmem>>, vector<1x16xi32>,
        %get3A_353 = vector.shape_cast %get3A_352 : vector<1x16xi32> to vector<16xi32>
        %and3A_354 = arith.constant 65535 : i32
        %and3A_355 = vector.broadcast %and3A_354 : i32 to vector<16xi32>
        %and3A_356 = arith.andi %get3A_353, %and3A_355 : vector<16xi32>
        %swap3A_357 = arith.index_cast %rem3A_270 : i32 to index
        %swap3A_358 = arith.constant 48 : index
        %swap3A_359 = tpu.vector_load %arg7[%swap3A_357, %swap3A_358] {strides = array<i32>} : memref<3x80xi32, #tpu.memory_space<vmem>>, vector<1x16xi32>,
        %swap3A_360 = vector.shape_cast %swap3A_359 : vector<1x16xi32> to vector<16xi32>
        %swap3A_361 = vector.shape_cast %and3A_356 : vector<16xi32> to vector<1x16xi32>
        tpu.vector_store %arg7[%swap3A_357, %swap3A_358], %swap3A_361 {strides = array<i32>} : memref<3x80xi32, #tpu.memory_space<vmem>>, vector<1x16xi32>,
        %shift_right_logical3A_362 = arith.constant 16 : i32
        %shift_right_logical3A_363 = vector.broadcast %shift_right_logical3A_362 : i32 to vector<16xi32>
        %shift_right_logical3A_364 = arith.shrui %get3A_353, %shift_right_logical3A_363 : vector<16xi32>
        %swap3A_365 = arith.index_cast %rem3A_270 : i32 to index
        %swap3A_366 = arith.constant 48 : index
        %swap3A_367 = tpu.vector_load %arg8[%swap3A_365, %swap3A_366] {strides = array<i32>} : memref<3x80xi32, #tpu.memory_space<vmem>>, vector<1x16xi32>,
        %swap3A_368 = vector.shape_cast %swap3A_367 : vector<1x16xi32> to vector<16xi32>
        %swap3A_369 = vector.shape_cast %shift_right_logical3A_364 : vector<16xi32> to vector<1x16xi32>
        tpu.vector_store %arg8[%swap3A_365, %swap3A_366], %swap3A_369 {strides = array<i32>} : memref<3x80xi32, #tpu.memory_space<vmem>>, vector<1x16xi32>,
        %get3A_370 = arith.index_cast %sub3A_289 : i32 to index
        %get3A_371 = arith.constant 64 : index
        %get3A_372 = tpu.vector_load %arg6[%get3A_370, %get3A_371] {strides = array<i32>} : memref<125x80xi32, #tpu.memory_space<vmem>>, vector<1x16xi32>,
        %get3A_373 = vector.shape_cast %get3A_372 : vector<1x16xi32> to vector<16xi32>
        %and3A_374 = arith.constant 65535 : i32
        %and3A_375 = vector.broadcast %and3A_374 : i32 to vector<16xi32>
        %and3A_376 = arith.andi %get3A_373, %and3A_375 : vector<16xi32>
        %swap3A_377 = arith.index_cast %rem3A_270 : i32 to index
        %swap3A_378 = arith.constant 64 : index
        %swap3A_379 = tpu.vector_load %arg7[%swap3A_377, %swap3A_378] {strides = array<i32>} : memref<3x80xi32, #tpu.memory_space<vmem>>, vector<1x16xi32>,
        %swap3A_380 = vector.shape_cast %swap3A_379 : vector<1x16xi32> to vector<16xi32>
        %swap3A_381 = vector.shape_cast %and3A_376 : vector<16xi32> to vector<1x16xi32>
        tpu.vector_store %arg7[%swap3A_377, %swap3A_378], %swap3A_381 {strides = array<i32>} : memref<3x80xi32, #tpu.memory_space<vmem>>, vector<1x16xi32>,
        %shift_right_logical3A_382 = arith.constant 16 : i32
        %shift_right_logical3A_383 = vector.broadcast %shift_right_logical3A_382 : i32 to vector<16xi32>
        %shift_right_logical3A_384 = arith.shrui %get3A_373, %shift_right_logical3A_383 : vector<16xi32>
        %swap3A_385 = arith.index_cast %rem3A_270 : i32 to index
        %swap3A_386 = arith.constant 64 : index
        %swap3A_387 = tpu.vector_load %arg8[%swap3A_385, %swap3A_386] {strides = array<i32>} : memref<3x80xi32, #tpu.memory_space<vmem>>, vector<1x16xi32>,
        %swap3A_388 = vector.shape_cast %swap3A_387 : vector<1x16xi32> to vector<16xi32>
        %swap3A_389 = vector.shape_cast %shift_right_logical3A_384 : vector<16xi32> to vector<1x16xi32>
        tpu.vector_store %arg8[%swap3A_385, %swap3A_386], %swap3A_389 {strides = array<i32>} : memref<3x80xi32, #tpu.memory_space<vmem>>, vector<1x16xi32>,
        %dma_start3A_390 = arith.constant 0 : i32
        %dma_start3A_391 = arith.constant 0 : i32
        %dma_start3A_392 = tpu.memref_slice %arg9[%rem3A_270, %dma_start3A_390, %dma_start3A_391] : memref<3x80x128xf32, #tpu.memory_space<vmem>> -> memref<1x80x128xf32, #tpu.memory_space<vmem>>
        %dma_start3A_393 = tpu.memref_squeeze %dma_start3A_392 : memref<1x80x128xf32, #tpu.memory_space<vmem>> -> memref<80x128xf32, #tpu.memory_space<vmem>>
        %dma_start3A_394 = arith.constant 0 : i32
        %dma_start3A_395 = tpu.memref_slice %arg7[%rem3A_270, %dma_start3A_394] : memref<3x80xi32, #tpu.memory_space<vmem>> -> memref<1x80xi32, #tpu.memory_space<vmem>>
        %dma_start3A_396 = tpu.memref_squeeze %dma_start3A_395 : memref<1x80xi32, #tpu.memory_space<vmem>> -> memref<80xi32, #tpu.memory_space<vmem>>
        %dma_start3A_397 = arith.constant 0 : i32
        %dma_start3A_398 = arith.constant 0 : i32
        %dma_start3A_399 = tpu.memref_slice %arg2[%dma_start3A_397, %dma_start3A_398] : memref<10000x128xf32, #tpu.memory_space<hbm>> -> memref<10000x128xf32, #tpu.memory_space<hbm>>
        tpu.enqueue_indirect_dma source(%dma_start3A_399 : memref<10000x128xf32, #tpu.memory_space<hbm>>) target(%dma_start3A_393 : memref<80x128xf32, #tpu.memory_space<vmem>>) offsets(%dma_start3A_396 : memref<80xi32, #tpu.memory_space<vmem>>) semaphore(%arg11 : memref<!tpu.dma_semaphore, #tpu.memory_space<semaphore_mem>>)
      } else {
      }
      "tpu.region"() ({
        %run_scoped3A = tpu.sem_alloc : memref<!tpu.dma_semaphore, #tpu.memory_space<semaphore_mem>>
        %dma_start3A_286 = arith.constant 0 : i32
        %dma_start3A_287 = arith.constant 0 : i32
        %dma_start3A_288 = tpu.memref_slice %arg9[%rem3A_265, %dma_start3A_286, %dma_start3A_287] : memref<3x80x128xf32, #tpu.memory_space<vmem>> -> memref<1x80x128xf32, #tpu.memory_space<vmem>>
        %dma_start3A_289 = tpu.memref_squeeze %dma_start3A_288 : memref<1x80x128xf32, #tpu.memory_space<vmem>> -> memref<80x128xf32, #tpu.memory_space<vmem>>
        %dma_start3A_290 = arith.constant 0 : i32
        %dma_start3A_291 = tpu.memref_slice %arg8[%rem3A_265, %dma_start3A_290] : memref<3x80xi32, #tpu.memory_space<vmem>> -> memref<1x80xi32, #tpu.memory_space<vmem>>
        %dma_start3A_292 = tpu.memref_squeeze %dma_start3A_291 : memref<1x80xi32, #tpu.memory_space<vmem>> -> memref<80xi32, #tpu.memory_space<vmem>>
        %dma_start3A_293 = arith.constant 0 : i32
        %dma_start3A_294 = arith.constant 0 : i32
        %dma_start3A_295 = tpu.memref_slice %arg10[%dma_start3A_293, %dma_start3A_294] : memref<10112x128xf32, #tpu.memory_space<vmem_shared>> -> memref<10112x128xf32, #tpu.memory_space<vmem_shared>>
        tpu.enqueue_indirect_dma source(%dma_start3A_289 : memref<80x128xf32, #tpu.memory_space<vmem>>) target(%dma_start3A_295 : memref<10112x128xf32, #tpu.memory_space<vmem_shared>>) offsets(%dma_start3A_292 : memref<80xi32, #tpu.memory_space<vmem>>) semaphore(%run_scoped3A : memref<!tpu.dma_semaphore, #tpu.memory_space<semaphore_mem>>) {add = true}
        %dma_wait3A_296 = arith.constant 0 : i32
        %dma_wait3A_297 = arith.constant 0 : i32
        %dma_wait3A_298 = tpu.memref_slice %arg9[%rem3A_265, %dma_wait3A_296, %dma_wait3A_297] : memref<3x80x128xf32, #tpu.memory_space<vmem>> -> memref<1x80x128xf32, #tpu.memory_space<vmem>>
        %dma_wait3A_299 = tpu.memref_squeeze %dma_wait3A_298 : memref<1x80x128xf32, #tpu.memory_space<vmem>> -> memref<80x128xf32, #tpu.memory_space<vmem>>
        %dma_wait3A_300 = arith.constant 0 : i32
        %dma_wait3A_301 = tpu.memref_slice %arg8[%rem3A_265, %dma_wait3A_300] : memref<3x80xi32, #tpu.memory_space<vmem>> -> memref<1x80xi32, #tpu.memory_space<vmem>>
        %dma_wait3A_302 = tpu.memref_squeeze %dma_wait3A_301 : memref<1x80xi32, #tpu.memory_space<vmem>> -> memref<80xi32, #tpu.memory_space<vmem>>
        %dma_wait3A_303 = arith.constant 0 : i32
        %dma_wait3A_304 = arith.constant 0 : i32
        %dma_wait3A_305 = tpu.memref_slice %arg10[%dma_wait3A_303, %dma_wait3A_304] : memref<10112x128xf32, #tpu.memory_space<vmem_shared>> -> memref<10112x128xf32, #tpu.memory_space<vmem_shared>>
        tpu.wait_indirect_dma semaphore(%run_scoped3A : memref<!tpu.dma_semaphore, #tpu.memory_space<semaphore_mem>>) src(%dma_wait3A_299 : memref<80x128xf32, #tpu.memory_space<vmem>>) dst(%dma_wait3A_305 : memref<10112x128xf32, #tpu.memory_space<vmem_shared>>)
        tpu.yield
      }) : () -> ()
    }
    %scan3A_258 = arith.constant 125 : i32
    %barrier3A_259 = arith.constant 0 : index
    tpu.barrier barrier_id(%barrier3A_259)
    %mul3A_260 = arith.constant 632 : i32
    %mul3A_261 = arith.muli %arg1, %mul3A_260 : i32
    %mul3A_262 = arith.constant 632 : i32
    %mul3A_263 = arith.muli %arg1, %mul3A_262 : i32
    "tpu.region"() ({
      %run_scoped3A = tpu.sem_alloc : memref<!tpu.dma_semaphore, #tpu.memory_space<semaphore_mem>>
      %dma_start3A_264 = arith.constant 0 : i32
      %dma_start3A_265 = tpu.memref_slice %arg5[%arg0, %mul3A_263, %dma_start3A_264] : memref<2x10112x128xf32, #tpu.memory_space<hbm>> -> memref<1x632x128xf32, #tpu.memory_space<hbm>>
      %dma_start3A_266 = tpu.memref_squeeze %dma_start3A_265 : memref<1x632x128xf32, #tpu.memory_space<hbm>> -> memref<632x128xf32, #tpu.memory_space<hbm>>
      %dma_start3A_267 = arith.constant 0 : i32
      %dma_start3A_268 = tpu.memref_slice %arg10[%mul3A_261, %dma_start3A_267] : memref<10112x128xf32, #tpu.memory_space<vmem_shared>> -> memref<632x128xf32, #tpu.memory_space<vmem_shared>>
      tpu.enqueue_dma source(%dma_start3A_268 : memref<632x128xf32, #tpu.memory_space<vmem_shared>>) target(%dma_start3A_266 : memref<632x128xf32, #tpu.memory_space<hbm>>) target_semaphore(%run_scoped3A : memref<!tpu.dma_semaphore, #tpu.memory_space<semaphore_mem>>)
      %dma_wait3A = arith.constant 0 : i32
      %dma_wait3A_269 = tpu.memref_slice %arg5[%arg0, %mul3A_263, %dma_wait3A] : memref<2x10112x128xf32, #tpu.memory_space<hbm>> -> memref<1x632x128xf32, #tpu.memory_space<hbm>>
      %dma_wait3A_270 = tpu.memref_squeeze %dma_wait3A_269 : memref<1x632x128xf32, #tpu.memory_space<hbm>> -> memref<632x128xf32, #tpu.memory_space<hbm>>
      %dma_wait3A_271 = arith.constant 0 : i32
      %dma_wait3A_272 = tpu.memref_slice %arg10[%mul3A_261, %dma_wait3A_271] : memref<10112x128xf32, #tpu.memory_space<vmem_shared>> -> memref<632x128xf32, #tpu.memory_space<vmem_shared>>
      tpu.wait_dma2 semaphore(%run_scoped3A : memref<!tpu.dma_semaphore, #tpu.memory_space<semaphore_mem>>) src(%dma_wait3A_272 : memref<632x128xf32, #tpu.memory_space<vmem_shared>>) dst(%dma_wait3A_270 : memref<632x128xf32, #tpu.memory_space<hbm>>)
      tpu.yield
    }) : () -> ()
    return
  }
}

#map = affine_map<(d0, d1) -> (0, 0)>
#map1 = affine_map<(d0, d1) -> (0, 0, 0)>
module attributes {stable_mosaic.version = 14 : i64} {
  func.func @_sc_agg_body(%arg0: i32, %arg1: i32, %arg2: memref<10000x128xf32, #tpu.memory_space<hbm>>, %arg3: memref<32x125x80xi32, #tpu.memory_space<hbm>>, %arg4: memref<10112x128xf32, #tpu.memory_space<hbm>>, %arg5: memref<2x10112x128xf32, #tpu.memory_space<hbm>>, %arg6: memref<125x80xi32, #tpu.memory_space<vmem>>, %arg7: memref<3x80xi32, #tpu.memory_space<vmem>>, %arg8: memref<3x80xi32, #tpu.memory_space<vmem>>, %arg9: memref<3x80x128xf32, #tpu.memory_space<vmem>>, %arg10: memref<10112x128xf32, #tpu.memory_space<vmem_shared>>, %arg11: memref<!tpu.dma_semaphore, #tpu.memory_space<semaphore_mem>>) attributes {dimension_semantics = [#tpu.dimension_semantics<core_parallel>, #tpu.dimension_semantics<subcore_parallel>], iteration_bounds = array<i64: 2, 16>, scalar_prefetch = 0 : i64, scratch_operands = 6 : i64, tpu.core_type = #tpu.core_type<sc_vector_subcore>, window_params = [{transform_indices = #map}, {transform_indices = #map1}, {transform_indices = #map}, {transform_indices = #map1}]} {
    %mul3A = arith.constant 632 : i32
    %mul3A_0 = arith.muli %arg1, %mul3A : i32
    %mul3A_1 = arith.constant 632 : i32
    %mul3A_2 = arith.muli %arg1, %mul3A_1 : i32
    "tpu.region"() ({
      %run_scoped3A = tpu.sem_alloc : memref<!tpu.dma_semaphore, #tpu.memory_space<semaphore_mem>>
      %dma_start3A_264 = arith.constant 0 : i32
      %dma_start3A_265 = tpu.memref_slice %arg10[%mul3A_2, %dma_start3A_264] : memref<10112x128xf32, #tpu.memory_space<vmem_shared>> -> memref<632x128xf32, #tpu.memory_space<vmem_shared>>
      %dma_start3A_266 = arith.constant 0 : i32
      %dma_start3A_267 = tpu.memref_slice %arg4[%mul3A_0, %dma_start3A_266] : memref<10112x128xf32, #tpu.memory_space<hbm>> -> memref<632x128xf32, #tpu.memory_space<hbm>>
      tpu.enqueue_dma source(%dma_start3A_267 : memref<632x128xf32, #tpu.memory_space<hbm>>) target(%dma_start3A_265 : memref<632x128xf32, #tpu.memory_space<vmem_shared>>) target_semaphore(%run_scoped3A : memref<!tpu.dma_semaphore, #tpu.memory_space<semaphore_mem>>)
      %dma_wait3A = arith.constant 0 : i32
      %dma_wait3A_268 = tpu.memref_slice %arg10[%mul3A_2, %dma_wait3A] : memref<10112x128xf32, #tpu.memory_space<vmem_shared>> -> memref<632x128xf32, #tpu.memory_space<vmem_shared>>
      %dma_wait3A_269 = arith.constant 0 : i32
      %dma_wait3A_270 = tpu.memref_slice %arg4[%mul3A_0, %dma_wait3A_269] : memref<10112x128xf32, #tpu.memory_space<hbm>> -> memref<632x128xf32, #tpu.memory_space<hbm>>
      tpu.wait_dma2 semaphore(%run_scoped3A : memref<!tpu.dma_semaphore, #tpu.memory_space<semaphore_mem>>) src(%dma_wait3A_270 : memref<632x128xf32, #tpu.memory_space<hbm>>) dst(%dma_wait3A_268 : memref<632x128xf32, #tpu.memory_space<vmem_shared>>)
      tpu.yield
    }) : () -> ()
    %mul3A_3 = arith.constant 2 : i32
    %mul3A_4 = arith.muli %arg1, %mul3A_3 : i32
    %add3A = arith.addi %mul3A_4, %arg0 : i32
    "tpu.region"() ({
      %run_scoped3A = tpu.sem_alloc : memref<!tpu.dma_semaphore, #tpu.memory_space<semaphore_mem>>
      %dma_start3A_264 = arith.constant 0 : i32
      %dma_start3A_265 = arith.constant 0 : i32
      %dma_start3A_266 = tpu.memref_slice %arg3[%add3A, %dma_start3A_264, %dma_start3A_265] : memref<32x125x80xi32, #tpu.memory_space<hbm>> -> memref<1x125x80xi32, #tpu.memory_space<hbm>>
      %dma_start3A_267 = tpu.memref_squeeze %dma_start3A_266 : memref<1x125x80xi32, #tpu.memory_space<hbm>> -> memref<125x80xi32, #tpu.memory_space<hbm>>
      %dma_start3A_268 = arith.constant 0 : i32
      %dma_start3A_269 = arith.constant 0 : i32
      %dma_start3A_270 = tpu.memref_slice %arg3[%add3A, %dma_start3A_268, %dma_start3A_269] : memref<32x125x80xi32, #tpu.memory_space<hbm>> -> memref<1x125x80xi32, #tpu.memory_space<hbm>>
      %dma_start3A_271 = tpu.memref_squeeze %dma_start3A_270 : memref<1x125x80xi32, #tpu.memory_space<hbm>> -> memref<125x80xi32, #tpu.memory_space<hbm>>
      tpu.enqueue_dma source(%dma_start3A_271 : memref<125x80xi32, #tpu.memory_space<hbm>>) target(%arg6 : memref<125x80xi32, #tpu.memory_space<vmem>>) target_semaphore(%run_scoped3A : memref<!tpu.dma_semaphore, #tpu.memory_space<semaphore_mem>>)
      %dma_wait3A = arith.constant 0 : i32
      %dma_wait3A_272 = arith.constant 0 : i32
      %dma_wait3A_273 = tpu.memref_slice %arg3[%add3A, %dma_wait3A, %dma_wait3A_272] : memref<32x125x80xi32, #tpu.memory_space<hbm>> -> memref<1x125x80xi32, #tpu.memory_space<hbm>>
      %dma_wait3A_274 = tpu.memref_squeeze %dma_wait3A_273 : memref<1x125x80xi32, #tpu.memory_space<hbm>> -> memref<125x80xi32, #tpu.memory_space<hbm>>
      %dma_wait3A_275 = arith.constant 0 : i32
      %dma_wait3A_276 = arith.constant 0 : i32
      %dma_wait3A_277 = tpu.memref_slice %arg3[%add3A, %dma_wait3A_275, %dma_wait3A_276] : memref<32x125x80xi32, #tpu.memory_space<hbm>> -> memref<1x125x80xi32, #tpu.memory_space<hbm>>
      %dma_wait3A_278 = tpu.memref_squeeze %dma_wait3A_277 : memref<1x125x80xi32, #tpu.memory_space<hbm>> -> memref<125x80xi32, #tpu.memory_space<hbm>>
      tpu.wait_dma2 semaphore(%run_scoped3A : memref<!tpu.dma_semaphore, #tpu.memory_space<semaphore_mem>>) src(%dma_wait3A_278 : memref<125x80xi32, #tpu.memory_space<hbm>>) dst(%arg6 : memref<125x80xi32, #tpu.memory_space<vmem>>)
      tpu.yield
    }) : () -> ()
    %barrier3A = arith.constant 0 : index
    tpu.barrier barrier_id(%barrier3A)
    %get3A = arith.constant 0 : i32
    %get3A_5 = arith.index_cast %get3A : i32 to index
    %get3A_6 = arith.constant 0 : index
    %get3A_7 = tpu.vector_load %arg6[%get3A_5, %get3A_6] {strides = array<i32>} : memref<125x80xi32, #tpu.memory_space<vmem>>, vector<1x16xi32>,
    %get3A_8 = vector.shape_cast %get3A_7 : vector<1x16xi32> to vector<16xi32>
    %and3A = arith.constant 65535 : i32
    %and3A_9 = vector.broadcast %and3A : i32 to vector<16xi32>
    %and3A_10 = arith.andi %get3A_8, %and3A_9 : vector<16xi32>
    %swap3A = arith.constant 0 : i32
    %swap3A_11 = arith.index_cast %swap3A : i32 to index
    %swap3A_12 = arith.constant 0 : index
    %swap3A_13 = tpu.vector_load %arg7[%swap3A_11, %swap3A_12] {strides = array<i32>} : memref<3x80xi32, #tpu.memory_space<vmem>>, vector<1x16xi32>,
    %swap3A_14 = vector.shape_cast %swap3A_13 : vector<1x16xi32> to vector<16xi32>
    %swap3A_15 = vector.shape_cast %and3A_10 : vector<16xi32> to vector<1x16xi32>
    tpu.vector_store %arg7[%swap3A_11, %swap3A_12], %swap3A_15 {strides = array<i32>} : memref<3x80xi32, #tpu.memory_space<vmem>>, vector<1x16xi32>,
    %shift_right_logical3A = arith.constant 16 : i32
    %shift_right_logical3A_16 = vector.broadcast %shift_right_logical3A : i32 to vector<16xi32>
    %shift_right_logical3A_17 = arith.shrui %get3A_8, %shift_right_logical3A_16 : vector<16xi32>
    %swap3A_18 = arith.constant 0 : i32
    %swap3A_19 = arith.index_cast %swap3A_18 : i32 to index
    %swap3A_20 = arith.constant 0 : index
    %swap3A_21 = tpu.vector_load %arg8[%swap3A_19, %swap3A_20] {strides = array<i32>} : memref<3x80xi32, #tpu.memory_space<vmem>>, vector<1x16xi32>,
    %swap3A_22 = vector.shape_cast %swap3A_21 : vector<1x16xi32> to vector<16xi32>
    %swap3A_23 = vector.shape_cast %shift_right_logical3A_17 : vector<16xi32> to vector<1x16xi32>
    tpu.vector_store %arg8[%swap3A_19, %swap3A_20], %swap3A_23 {strides = array<i32>} : memref<3x80xi32, #tpu.memory_space<vmem>>, vector<1x16xi32>,
    %get3A_24 = arith.constant 0 : i32
    %get3A_25 = arith.index_cast %get3A_24 : i32 to index
    %get3A_26 = arith.constant 16 : index
    %get3A_27 = tpu.vector_load %arg6[%get3A_25, %get3A_26] {strides = array<i32>} : memref<125x80xi32, #tpu.memory_space<vmem>>, vector<1x16xi32>,
    %get3A_28 = vector.shape_cast %get3A_27 : vector<1x16xi32> to vector<16xi32>
    %and3A_29 = arith.constant 65535 : i32
    %and3A_30 = vector.broadcast %and3A_29 : i32 to vector<16xi32>
    %and3A_31 = arith.andi %get3A_28, %and3A_30 : vector<16xi32>
    %swap3A_32 = arith.constant 0 : i32
    %swap3A_33 = arith.index_cast %swap3A_32 : i32 to index
    %swap3A_34 = arith.constant 16 : index
    %swap3A_35 = tpu.vector_load %arg7[%swap3A_33, %swap3A_34] {strides = array<i32>} : memref<3x80xi32, #tpu.memory_space<vmem>>, vector<1x16xi32>,
    %swap3A_36 = vector.shape_cast %swap3A_35 : vector<1x16xi32> to vector<16xi32>
    %swap3A_37 = vector.shape_cast %and3A_31 : vector<16xi32> to vector<1x16xi32>
    tpu.vector_store %arg7[%swap3A_33, %swap3A_34], %swap3A_37 {strides = array<i32>} : memref<3x80xi32, #tpu.memory_space<vmem>>, vector<1x16xi32>,
    %shift_right_logical3A_38 = arith.constant 16 : i32
    %shift_right_logical3A_39 = vector.broadcast %shift_right_logical3A_38 : i32 to vector<16xi32>
    %shift_right_logical3A_40 = arith.shrui %get3A_28, %shift_right_logical3A_39 : vector<16xi32>
    %swap3A_41 = arith.constant 0 : i32
    %swap3A_42 = arith.index_cast %swap3A_41 : i32 to index
    %swap3A_43 = arith.constant 16 : index
    %swap3A_44 = tpu.vector_load %arg8[%swap3A_42, %swap3A_43] {strides = array<i32>} : memref<3x80xi32, #tpu.memory_space<vmem>>, vector<1x16xi32>,
    %swap3A_45 = vector.shape_cast %swap3A_44 : vector<1x16xi32> to vector<16xi32>
    %swap3A_46 = vector.shape_cast %shift_right_logical3A_40 : vector<16xi32> to vector<1x16xi32>
    tpu.vector_store %arg8[%swap3A_42, %swap3A_43], %swap3A_46 {strides = array<i32>} : memref<3x80xi32, #tpu.memory_space<vmem>>, vector<1x16xi32>,
    %get3A_47 = arith.constant 0 : i32
    %get3A_48 = arith.index_cast %get3A_47 : i32 to index
    %get3A_49 = arith.constant 32 : index
    %get3A_50 = tpu.vector_load %arg6[%get3A_48, %get3A_49] {strides = array<i32>} : memref<125x80xi32, #tpu.memory_space<vmem>>, vector<1x16xi32>,
    %get3A_51 = vector.shape_cast %get3A_50 : vector<1x16xi32> to vector<16xi32>
    %and3A_52 = arith.constant 65535 : i32
    %and3A_53 = vector.broadcast %and3A_52 : i32 to vector<16xi32>
    %and3A_54 = arith.andi %get3A_51, %and3A_53 : vector<16xi32>
    %swap3A_55 = arith.constant 0 : i32
    %swap3A_56 = arith.index_cast %swap3A_55 : i32 to index
    %swap3A_57 = arith.constant 32 : index
    %swap3A_58 = tpu.vector_load %arg7[%swap3A_56, %swap3A_57] {strides = array<i32>} : memref<3x80xi32, #tpu.memory_space<vmem>>, vector<1x16xi32>,
    %swap3A_59 = vector.shape_cast %swap3A_58 : vector<1x16xi32> to vector<16xi32>
    %swap3A_60 = vector.shape_cast %and3A_54 : vector<16xi32> to vector<1x16xi32>
    tpu.vector_store %arg7[%swap3A_56, %swap3A_57], %swap3A_60 {strides = array<i32>} : memref<3x80xi32, #tpu.memory_space<vmem>>, vector<1x16xi32>,
    %shift_right_logical3A_61 = arith.constant 16 : i32
    %shift_right_logical3A_62 = vector.broadcast %shift_right_logical3A_61 : i32 to vector<16xi32>
    %shift_right_logical3A_63 = arith.shrui %get3A_51, %shift_right_logical3A_62 : vector<16xi32>
    %swap3A_64 = arith.constant 0 : i32
    %swap3A_65 = arith.index_cast %swap3A_64 : i32 to index
    %swap3A_66 = arith.constant 32 : index
    %swap3A_67 = tpu.vector_load %arg8[%swap3A_65, %swap3A_66] {strides = array<i32>} : memref<3x80xi32, #tpu.memory_space<vmem>>, vector<1x16xi32>,
    %swap3A_68 = vector.shape_cast %swap3A_67 : vector<1x16xi32> to vector<16xi32>
    %swap3A_69 = vector.shape_cast %shift_right_logical3A_63 : vector<16xi32> to vector<1x16xi32>
    tpu.vector_store %arg8[%swap3A_65, %swap3A_66], %swap3A_69 {strides = array<i32>} : memref<3x80xi32, #tpu.memory_space<vmem>>, vector<1x16xi32>,
    %get3A_70 = arith.constant 0 : i32
    %get3A_71 = arith.index_cast %get3A_70 : i32 to index
    %get3A_72 = arith.constant 48 : index
    %get3A_73 = tpu.vector_load %arg6[%get3A_71, %get3A_72] {strides = array<i32>} : memref<125x80xi32, #tpu.memory_space<vmem>>, vector<1x16xi32>,
    %get3A_74 = vector.shape_cast %get3A_73 : vector<1x16xi32> to vector<16xi32>
    %and3A_75 = arith.constant 65535 : i32
    %and3A_76 = vector.broadcast %and3A_75 : i32 to vector<16xi32>
    %and3A_77 = arith.andi %get3A_74, %and3A_76 : vector<16xi32>
    %swap3A_78 = arith.constant 0 : i32
    %swap3A_79 = arith.index_cast %swap3A_78 : i32 to index
    %swap3A_80 = arith.constant 48 : index
    %swap3A_81 = tpu.vector_load %arg7[%swap3A_79, %swap3A_80] {strides = array<i32>} : memref<3x80xi32, #tpu.memory_space<vmem>>, vector<1x16xi32>,
    %swap3A_82 = vector.shape_cast %swap3A_81 : vector<1x16xi32> to vector<16xi32>
    %swap3A_83 = vector.shape_cast %and3A_77 : vector<16xi32> to vector<1x16xi32>
    tpu.vector_store %arg7[%swap3A_79, %swap3A_80], %swap3A_83 {strides = array<i32>} : memref<3x80xi32, #tpu.memory_space<vmem>>, vector<1x16xi32>,
    %shift_right_logical3A_84 = arith.constant 16 : i32
    %shift_right_logical3A_85 = vector.broadcast %shift_right_logical3A_84 : i32 to vector<16xi32>
    %shift_right_logical3A_86 = arith.shrui %get3A_74, %shift_right_logical3A_85 : vector<16xi32>
    %swap3A_87 = arith.constant 0 : i32
    %swap3A_88 = arith.index_cast %swap3A_87 : i32 to index
    %swap3A_89 = arith.constant 48 : index
    %swap3A_90 = tpu.vector_load %arg8[%swap3A_88, %swap3A_89] {strides = array<i32>} : memref<3x80xi32, #tpu.memory_space<vmem>>, vector<1x16xi32>,
    %swap3A_91 = vector.shape_cast %swap3A_90 : vector<1x16xi32> to vector<16xi32>
    %swap3A_92 = vector.shape_cast %shift_right_logical3A_86 : vector<16xi32> to vector<1x16xi32>
    tpu.vector_store %arg8[%swap3A_88, %swap3A_89], %swap3A_92 {strides = array<i32>} : memref<3x80xi32, #tpu.memory_space<vmem>>, vector<1x16xi32>,
    %get3A_93 = arith.constant 0 : i32
    %get3A_94 = arith.index_cast %get3A_93 : i32 to index
    %get3A_95 = arith.constant 64 : index
    %get3A_96 = tpu.vector_load %arg6[%get3A_94, %get3A_95] {strides = array<i32>} : memref<125x80xi32, #tpu.memory_space<vmem>>, vector<1x16xi32>,
    %get3A_97 = vector.shape_cast %get3A_96 : vector<1x16xi32> to vector<16xi32>
    %and3A_98 = arith.constant 65535 : i32
    %and3A_99 = vector.broadcast %and3A_98 : i32 to vector<16xi32>
    %and3A_100 = arith.andi %get3A_97, %and3A_99 : vector<16xi32>
    %swap3A_101 = arith.constant 0 : i32
    %swap3A_102 = arith.index_cast %swap3A_101 : i32 to index
    %swap3A_103 = arith.constant 64 : index
    %swap3A_104 = tpu.vector_load %arg7[%swap3A_102, %swap3A_103] {strides = array<i32>} : memref<3x80xi32, #tpu.memory_space<vmem>>, vector<1x16xi32>,
    %swap3A_105 = vector.shape_cast %swap3A_104 : vector<1x16xi32> to vector<16xi32>
    %swap3A_106 = vector.shape_cast %and3A_100 : vector<16xi32> to vector<1x16xi32>
    tpu.vector_store %arg7[%swap3A_102, %swap3A_103], %swap3A_106 {strides = array<i32>} : memref<3x80xi32, #tpu.memory_space<vmem>>, vector<1x16xi32>,
    %shift_right_logical3A_107 = arith.constant 16 : i32
    %shift_right_logical3A_108 = vector.broadcast %shift_right_logical3A_107 : i32 to vector<16xi32>
    %shift_right_logical3A_109 = arith.shrui %get3A_97, %shift_right_logical3A_108 : vector<16xi32>
    %swap3A_110 = arith.constant 0 : i32
    %swap3A_111 = arith.index_cast %swap3A_110 : i32 to index
    %swap3A_112 = arith.constant 64 : index
    %swap3A_113 = tpu.vector_load %arg8[%swap3A_111, %swap3A_112] {strides = array<i32>} : memref<3x80xi32, #tpu.memory_space<vmem>>, vector<1x16xi32>,
    %swap3A_114 = vector.shape_cast %swap3A_113 : vector<1x16xi32> to vector<16xi32>
    %swap3A_115 = vector.shape_cast %shift_right_logical3A_109 : vector<16xi32> to vector<1x16xi32>
    tpu.vector_store %arg8[%swap3A_111, %swap3A_112], %swap3A_115 {strides = array<i32>} : memref<3x80xi32, #tpu.memory_space<vmem>>, vector<1x16xi32>,
    %dma_start3A = arith.constant 0 : i32
    %dma_start3A_116 = arith.constant 0 : i32
    %dma_start3A_117 = arith.constant 0 : i32
    %dma_start3A_118 = arith.constant 0 : i32
    %dma_start3A_119 = tpu.memref_slice %arg9[%dma_start3A_116, %dma_start3A_117, %dma_start3A_118] : memref<3x80x128xf32, #tpu.memory_space<vmem>> -> memref<1x80x128xf32, #tpu.memory_space<vmem>>
    %dma_start3A_120 = tpu.memref_squeeze %dma_start3A_119 : memref<1x80x128xf32, #tpu.memory_space<vmem>> -> memref<80x128xf32, #tpu.memory_space<vmem>>
    %dma_start3A_121 = arith.constant 0 : i32
    %dma_start3A_122 = tpu.memref_slice %arg7[%dma_start3A, %dma_start3A_121] : memref<3x80xi32, #tpu.memory_space<vmem>> -> memref<1x80xi32, #tpu.memory_space<vmem>>
    %dma_start3A_123 = tpu.memref_squeeze %dma_start3A_122 : memref<1x80xi32, #tpu.memory_space<vmem>> -> memref<80xi32, #tpu.memory_space<vmem>>
    %dma_start3A_124 = arith.constant 0 : i32
    %dma_start3A_125 = arith.constant 0 : i32
    %dma_start3A_126 = tpu.memref_slice %arg2[%dma_start3A_124, %dma_start3A_125] : memref<10000x128xf32, #tpu.memory_space<hbm>> -> memref<10000x128xf32, #tpu.memory_space<hbm>>
    tpu.enqueue_indirect_dma source(%dma_start3A_126 : memref<10000x128xf32, #tpu.memory_space<hbm>>) target(%dma_start3A_120 : memref<80x128xf32, #tpu.memory_space<vmem>>) offsets(%dma_start3A_123 : memref<80xi32, #tpu.memory_space<vmem>>) semaphore(%arg11 : memref<!tpu.dma_semaphore, #tpu.memory_space<semaphore_mem>>)
    %get3A_127 = arith.constant 1 : i32
    %get3A_128 = arith.index_cast %get3A_127 : i32 to index
    %get3A_129 = arith.constant 0 : index
    %get3A_130 = tpu.vector_load %arg6[%get3A_128, %get3A_129] {strides = array<i32>} : memref<125x80xi32, #tpu.memory_space<vmem>>, vector<1x16xi32>,
    %get3A_131 = vector.shape_cast %get3A_130 : vector<1x16xi32> to vector<16xi32>
    %and3A_132 = arith.constant 65535 : i32
    %and3A_133 = vector.broadcast %and3A_132 : i32 to vector<16xi32>
    %and3A_134 = arith.andi %get3A_131, %and3A_133 : vector<16xi32>
    %swap3A_135 = arith.constant 1 : i32
    %swap3A_136 = arith.index_cast %swap3A_135 : i32 to index
    %swap3A_137 = arith.constant 0 : index
    %swap3A_138 = tpu.vector_load %arg7[%swap3A_136, %swap3A_137] {strides = array<i32>} : memref<3x80xi32, #tpu.memory_space<vmem>>, vector<1x16xi32>,
    %swap3A_139 = vector.shape_cast %swap3A_138 : vector<1x16xi32> to vector<16xi32>
    %swap3A_140 = vector.shape_cast %and3A_134 : vector<16xi32> to vector<1x16xi32>
    tpu.vector_store %arg7[%swap3A_136, %swap3A_137], %swap3A_140 {strides = array<i32>} : memref<3x80xi32, #tpu.memory_space<vmem>>, vector<1x16xi32>,
    %shift_right_logical3A_141 = arith.constant 16 : i32
    %shift_right_logical3A_142 = vector.broadcast %shift_right_logical3A_141 : i32 to vector<16xi32>
    %shift_right_logical3A_143 = arith.shrui %get3A_131, %shift_right_logical3A_142 : vector<16xi32>
    %swap3A_144 = arith.constant 1 : i32
    %swap3A_145 = arith.index_cast %swap3A_144 : i32 to index
    %swap3A_146 = arith.constant 0 : index
    %swap3A_147 = tpu.vector_load %arg8[%swap3A_145, %swap3A_146] {strides = array<i32>} : memref<3x80xi32, #tpu.memory_space<vmem>>, vector<1x16xi32>,
    %swap3A_148 = vector.shape_cast %swap3A_147 : vector<1x16xi32> to vector<16xi32>
    %swap3A_149 = vector.shape_cast %shift_right_logical3A_143 : vector<16xi32> to vector<1x16xi32>
    tpu.vector_store %arg8[%swap3A_145, %swap3A_146], %swap3A_149 {strides = array<i32>} : memref<3x80xi32, #tpu.memory_space<vmem>>, vector<1x16xi32>,
    %get3A_150 = arith.constant 1 : i32
    %get3A_151 = arith.index_cast %get3A_150 : i32 to index
    %get3A_152 = arith.constant 16 : index
    %get3A_153 = tpu.vector_load %arg6[%get3A_151, %get3A_152] {strides = array<i32>} : memref<125x80xi32, #tpu.memory_space<vmem>>, vector<1x16xi32>,
    %get3A_154 = vector.shape_cast %get3A_153 : vector<1x16xi32> to vector<16xi32>
    %and3A_155 = arith.constant 65535 : i32
    %and3A_156 = vector.broadcast %and3A_155 : i32 to vector<16xi32>
    %and3A_157 = arith.andi %get3A_154, %and3A_156 : vector<16xi32>
    %swap3A_158 = arith.constant 1 : i32
    %swap3A_159 = arith.index_cast %swap3A_158 : i32 to index
    %swap3A_160 = arith.constant 16 : index
    %swap3A_161 = tpu.vector_load %arg7[%swap3A_159, %swap3A_160] {strides = array<i32>} : memref<3x80xi32, #tpu.memory_space<vmem>>, vector<1x16xi32>,
    %swap3A_162 = vector.shape_cast %swap3A_161 : vector<1x16xi32> to vector<16xi32>
    %swap3A_163 = vector.shape_cast %and3A_157 : vector<16xi32> to vector<1x16xi32>
    tpu.vector_store %arg7[%swap3A_159, %swap3A_160], %swap3A_163 {strides = array<i32>} : memref<3x80xi32, #tpu.memory_space<vmem>>, vector<1x16xi32>,
    %shift_right_logical3A_164 = arith.constant 16 : i32
    %shift_right_logical3A_165 = vector.broadcast %shift_right_logical3A_164 : i32 to vector<16xi32>
    %shift_right_logical3A_166 = arith.shrui %get3A_154, %shift_right_logical3A_165 : vector<16xi32>
    %swap3A_167 = arith.constant 1 : i32
    %swap3A_168 = arith.index_cast %swap3A_167 : i32 to index
    %swap3A_169 = arith.constant 16 : index
    %swap3A_170 = tpu.vector_load %arg8[%swap3A_168, %swap3A_169] {strides = array<i32>} : memref<3x80xi32, #tpu.memory_space<vmem>>, vector<1x16xi32>,
    %swap3A_171 = vector.shape_cast %swap3A_170 : vector<1x16xi32> to vector<16xi32>
    %swap3A_172 = vector.shape_cast %shift_right_logical3A_166 : vector<16xi32> to vector<1x16xi32>
    tpu.vector_store %arg8[%swap3A_168, %swap3A_169], %swap3A_172 {strides = array<i32>} : memref<3x80xi32, #tpu.memory_space<vmem>>, vector<1x16xi32>,
    %get3A_173 = arith.constant 1 : i32
    %get3A_174 = arith.index_cast %get3A_173 : i32 to index
    %get3A_175 = arith.constant 32 : index
    %get3A_176 = tpu.vector_load %arg6[%get3A_174, %get3A_175] {strides = array<i32>} : memref<125x80xi32, #tpu.memory_space<vmem>>, vector<1x16xi32>,
    %get3A_177 = vector.shape_cast %get3A_176 : vector<1x16xi32> to vector<16xi32>
    %and3A_178 = arith.constant 65535 : i32
    %and3A_179 = vector.broadcast %and3A_178 : i32 to vector<16xi32>
    %and3A_180 = arith.andi %get3A_177, %and3A_179 : vector<16xi32>
    %swap3A_181 = arith.constant 1 : i32
    %swap3A_182 = arith.index_cast %swap3A_181 : i32 to index
    %swap3A_183 = arith.constant 32 : index
    %swap3A_184 = tpu.vector_load %arg7[%swap3A_182, %swap3A_183] {strides = array<i32>} : memref<3x80xi32, #tpu.memory_space<vmem>>, vector<1x16xi32>,
    %swap3A_185 = vector.shape_cast %swap3A_184 : vector<1x16xi32> to vector<16xi32>
    %swap3A_186 = vector.shape_cast %and3A_180 : vector<16xi32> to vector<1x16xi32>
    tpu.vector_store %arg7[%swap3A_182, %swap3A_183], %swap3A_186 {strides = array<i32>} : memref<3x80xi32, #tpu.memory_space<vmem>>, vector<1x16xi32>,
    %shift_right_logical3A_187 = arith.constant 16 : i32
    %shift_right_logical3A_188 = vector.broadcast %shift_right_logical3A_187 : i32 to vector<16xi32>
    %shift_right_logical3A_189 = arith.shrui %get3A_177, %shift_right_logical3A_188 : vector<16xi32>
    %swap3A_190 = arith.constant 1 : i32
    %swap3A_191 = arith.index_cast %swap3A_190 : i32 to index
    %swap3A_192 = arith.constant 32 : index
    %swap3A_193 = tpu.vector_load %arg8[%swap3A_191, %swap3A_192] {strides = array<i32>} : memref<3x80xi32, #tpu.memory_space<vmem>>, vector<1x16xi32>,
    %swap3A_194 = vector.shape_cast %swap3A_193 : vector<1x16xi32> to vector<16xi32>
    %swap3A_195 = vector.shape_cast %shift_right_logical3A_189 : vector<16xi32> to vector<1x16xi32>
    tpu.vector_store %arg8[%swap3A_191, %swap3A_192], %swap3A_195 {strides = array<i32>} : memref<3x80xi32, #tpu.memory_space<vmem>>, vector<1x16xi32>,
    %get3A_196 = arith.constant 1 : i32
    %get3A_197 = arith.index_cast %get3A_196 : i32 to index
    %get3A_198 = arith.constant 48 : index
    %get3A_199 = tpu.vector_load %arg6[%get3A_197, %get3A_198] {strides = array<i32>} : memref<125x80xi32, #tpu.memory_space<vmem>>, vector<1x16xi32>,
    %get3A_200 = vector.shape_cast %get3A_199 : vector<1x16xi32> to vector<16xi32>
    %and3A_201 = arith.constant 65535 : i32
    %and3A_202 = vector.broadcast %and3A_201 : i32 to vector<16xi32>
    %and3A_203 = arith.andi %get3A_200, %and3A_202 : vector<16xi32>
    %swap3A_204 = arith.constant 1 : i32
    %swap3A_205 = arith.index_cast %swap3A_204 : i32 to index
    %swap3A_206 = arith.constant 48 : index
    %swap3A_207 = tpu.vector_load %arg7[%swap3A_205, %swap3A_206] {strides = array<i32>} : memref<3x80xi32, #tpu.memory_space<vmem>>, vector<1x16xi32>,
    %swap3A_208 = vector.shape_cast %swap3A_207 : vector<1x16xi32> to vector<16xi32>
    %swap3A_209 = vector.shape_cast %and3A_203 : vector<16xi32> to vector<1x16xi32>
    tpu.vector_store %arg7[%swap3A_205, %swap3A_206], %swap3A_209 {strides = array<i32>} : memref<3x80xi32, #tpu.memory_space<vmem>>, vector<1x16xi32>,
    %shift_right_logical3A_210 = arith.constant 16 : i32
    %shift_right_logical3A_211 = vector.broadcast %shift_right_logical3A_210 : i32 to vector<16xi32>
    %shift_right_logical3A_212 = arith.shrui %get3A_200, %shift_right_logical3A_211 : vector<16xi32>
    %swap3A_213 = arith.constant 1 : i32
    %swap3A_214 = arith.index_cast %swap3A_213 : i32 to index
    %swap3A_215 = arith.constant 48 : index
    %swap3A_216 = tpu.vector_load %arg8[%swap3A_214, %swap3A_215] {strides = array<i32>} : memref<3x80xi32, #tpu.memory_space<vmem>>, vector<1x16xi32>,
    %swap3A_217 = vector.shape_cast %swap3A_216 : vector<1x16xi32> to vector<16xi32>
    %swap3A_218 = vector.shape_cast %shift_right_logical3A_212 : vector<16xi32> to vector<1x16xi32>
    tpu.vector_store %arg8[%swap3A_214, %swap3A_215], %swap3A_218 {strides = array<i32>} : memref<3x80xi32, #tpu.memory_space<vmem>>, vector<1x16xi32>,
    %get3A_219 = arith.constant 1 : i32
    %get3A_220 = arith.index_cast %get3A_219 : i32 to index
    %get3A_221 = arith.constant 64 : index
    %get3A_222 = tpu.vector_load %arg6[%get3A_220, %get3A_221] {strides = array<i32>} : memref<125x80xi32, #tpu.memory_space<vmem>>, vector<1x16xi32>,
    %get3A_223 = vector.shape_cast %get3A_222 : vector<1x16xi32> to vector<16xi32>
    %and3A_224 = arith.constant 65535 : i32
    %and3A_225 = vector.broadcast %and3A_224 : i32 to vector<16xi32>
    %and3A_226 = arith.andi %get3A_223, %and3A_225 : vector<16xi32>
    %swap3A_227 = arith.constant 1 : i32
    %swap3A_228 = arith.index_cast %swap3A_227 : i32 to index
    %swap3A_229 = arith.constant 64 : index
    %swap3A_230 = tpu.vector_load %arg7[%swap3A_228, %swap3A_229] {strides = array<i32>} : memref<3x80xi32, #tpu.memory_space<vmem>>, vector<1x16xi32>,
    %swap3A_231 = vector.shape_cast %swap3A_230 : vector<1x16xi32> to vector<16xi32>
    %swap3A_232 = vector.shape_cast %and3A_226 : vector<16xi32> to vector<1x16xi32>
    tpu.vector_store %arg7[%swap3A_228, %swap3A_229], %swap3A_232 {strides = array<i32>} : memref<3x80xi32, #tpu.memory_space<vmem>>, vector<1x16xi32>,
    %shift_right_logical3A_233 = arith.constant 16 : i32
    %shift_right_logical3A_234 = vector.broadcast %shift_right_logical3A_233 : i32 to vector<16xi32>
    %shift_right_logical3A_235 = arith.shrui %get3A_223, %shift_right_logical3A_234 : vector<16xi32>
    %swap3A_236 = arith.constant 1 : i32
    %swap3A_237 = arith.index_cast %swap3A_236 : i32 to index
    %swap3A_238 = arith.constant 64 : index
    %swap3A_239 = tpu.vector_load %arg8[%swap3A_237, %swap3A_238] {strides = array<i32>} : memref<3x80xi32, #tpu.memory_space<vmem>>, vector<1x16xi32>,
    %swap3A_240 = vector.shape_cast %swap3A_239 : vector<1x16xi32> to vector<16xi32>
    %swap3A_241 = vector.shape_cast %shift_right_logical3A_235 : vector<16xi32> to vector<1x16xi32>
    tpu.vector_store %arg8[%swap3A_237, %swap3A_238], %swap3A_241 {strides = array<i32>} : memref<3x80xi32, #tpu.memory_space<vmem>>, vector<1x16xi32>,
    %dma_start3A_242 = arith.constant 1 : i32
    %dma_start3A_243 = arith.constant 1 : i32
    %dma_start3A_244 = arith.constant 0 : i32
    %dma_start3A_245 = arith.constant 0 : i32
    %dma_start3A_246 = tpu.memref_slice %arg9[%dma_start3A_243, %dma_start3A_244, %dma_start3A_245] : memref<3x80x128xf32, #tpu.memory_space<vmem>> -> memref<1x80x128xf32, #tpu.memory_space<vmem>>
    %dma_start3A_247 = tpu.memref_squeeze %dma_start3A_246 : memref<1x80x128xf32, #tpu.memory_space<vmem>> -> memref<80x128xf32, #tpu.memory_space<vmem>>
    %dma_start3A_248 = arith.constant 0 : i32
    %dma_start3A_249 = tpu.memref_slice %arg7[%dma_start3A_242, %dma_start3A_248] : memref<3x80xi32, #tpu.memory_space<vmem>> -> memref<1x80xi32, #tpu.memory_space<vmem>>
    %dma_start3A_250 = tpu.memref_squeeze %dma_start3A_249 : memref<1x80xi32, #tpu.memory_space<vmem>> -> memref<80xi32, #tpu.memory_space<vmem>>
    %dma_start3A_251 = arith.constant 0 : i32
    %dma_start3A_252 = arith.constant 0 : i32
    %dma_start3A_253 = tpu.memref_slice %arg2[%dma_start3A_251, %dma_start3A_252] : memref<10000x128xf32, #tpu.memory_space<hbm>> -> memref<10000x128xf32, #tpu.memory_space<hbm>>
    tpu.enqueue_indirect_dma source(%dma_start3A_253 : memref<10000x128xf32, #tpu.memory_space<hbm>>) target(%dma_start3A_247 : memref<80x128xf32, #tpu.memory_space<vmem>>) offsets(%dma_start3A_250 : memref<80xi32, #tpu.memory_space<vmem>>) semaphore(%arg11 : memref<!tpu.dma_semaphore, #tpu.memory_space<semaphore_mem>>)
    %scan3A = arith.constant 0 : i32
    %scan3A_254 = arith.constant 0 : i32
    %scan3A_255 = arith.constant 125 : i32
    %scan3A_256 = arith.addi %scan3A_254, %scan3A_255 : i32
    %scan3A_257 = arith.constant 1 : i32
    scf.for %scan3A_264 = %scan3A_254 to %scan3A_256 step %scan3A_257  : i32 {
      %rem3A = arith.constant 3 : i32
      %rem3A_265 = arith.remsi %scan3A_264, %rem3A : i32
      %add3A_266 = arith.constant 3 : i32
      %add3A_267 = arith.addi %scan3A_264, %add3A_266 : i32
      %sub3A = arith.constant 1 : i32
      %sub3A_268 = arith.subi %add3A_267, %sub3A : i32
      %rem3A_269 = arith.constant 3 : i32
      %rem3A_270 = arith.remsi %sub3A_268, %rem3A_269 : i32
      %dma_wait3A = arith.constant 0 : i32
      %dma_wait3A_271 = arith.constant 0 : i32
      %dma_wait3A_272 = tpu.memref_slice %arg9[%rem3A_265, %dma_wait3A, %dma_wait3A_271] : memref<3x80x128xf32, #tpu.memory_space<vmem>> -> memref<1x80x128xf32, #tpu.memory_space<vmem>>
      %dma_wait3A_273 = tpu.memref_squeeze %dma_wait3A_272 : memref<1x80x128xf32, #tpu.memory_space<vmem>> -> memref<80x128xf32, #tpu.memory_space<vmem>>
      %dma_wait3A_274 = arith.constant 0 : i32
      %dma_wait3A_275 = tpu.memref_slice %arg7[%rem3A_265, %dma_wait3A_274] : memref<3x80xi32, #tpu.memory_space<vmem>> -> memref<1x80xi32, #tpu.memory_space<vmem>>
      %dma_wait3A_276 = tpu.memref_squeeze %dma_wait3A_275 : memref<1x80xi32, #tpu.memory_space<vmem>> -> memref<80xi32, #tpu.memory_space<vmem>>
      %dma_wait3A_277 = arith.constant 0 : i32
      %dma_wait3A_278 = arith.constant 0 : i32
      %dma_wait3A_279 = tpu.memref_slice %arg2[%dma_wait3A_277, %dma_wait3A_278] : memref<10000x128xf32, #tpu.memory_space<hbm>> -> memref<10000x128xf32, #tpu.memory_space<hbm>>
      tpu.wait_indirect_dma semaphore(%arg11 : memref<!tpu.dma_semaphore, #tpu.memory_space<semaphore_mem>>) src(%dma_wait3A_279 : memref<10000x128xf32, #tpu.memory_space<hbm>>) dst(%dma_wait3A_273 : memref<80x128xf32, #tpu.memory_space<vmem>>)
      %add3A_280 = arith.constant 3 : i32
      %add3A_281 = arith.addi %scan3A_264, %add3A_280 : i32
      %sub3A_282 = arith.constant 1 : i32
      %sub3A_283 = arith.subi %add3A_281, %sub3A_282 : i32
      %lt3A = arith.constant 125 : i32
      %lt3A_284 = arith.cmpi slt, %sub3A_283, %lt3A : i32
      %convert_element_type3A = arith.extui %lt3A_284 : i1 to i32
      %cond3A = arith.constant 0 : i32
      %cond3A_285 = arith.cmpi ne, %convert_element_type3A, %cond3A : i32
      scf.if %cond3A_285 {
        %add3A_286 = arith.constant 3 : i32
        %add3A_287 = arith.addi %scan3A_264, %add3A_286 : i32
        %sub3A_288 = arith.constant 1 : i32
        %sub3A_289 = arith.subi %add3A_287, %sub3A_288 : i32
        %get3A_290 = arith.index_cast %sub3A_289 : i32 to index
        %get3A_291 = arith.constant 0 : index
        %get3A_292 = tpu.vector_load %arg6[%get3A_290, %get3A_291] {strides = array<i32>} : memref<125x80xi32, #tpu.memory_space<vmem>>, vector<1x16xi32>,
        %get3A_293 = vector.shape_cast %get3A_292 : vector<1x16xi32> to vector<16xi32>
        %and3A_294 = arith.constant 65535 : i32
        %and3A_295 = vector.broadcast %and3A_294 : i32 to vector<16xi32>
        %and3A_296 = arith.andi %get3A_293, %and3A_295 : vector<16xi32>
        %swap3A_297 = arith.index_cast %rem3A_270 : i32 to index
        %swap3A_298 = arith.constant 0 : index
        %swap3A_299 = tpu.vector_load %arg7[%swap3A_297, %swap3A_298] {strides = array<i32>} : memref<3x80xi32, #tpu.memory_space<vmem>>, vector<1x16xi32>,
        %swap3A_300 = vector.shape_cast %swap3A_299 : vector<1x16xi32> to vector<16xi32>
        %swap3A_301 = vector.shape_cast %and3A_296 : vector<16xi32> to vector<1x16xi32>
        tpu.vector_store %arg7[%swap3A_297, %swap3A_298], %swap3A_301 {strides = array<i32>} : memref<3x80xi32, #tpu.memory_space<vmem>>, vector<1x16xi32>,
        %shift_right_logical3A_302 = arith.constant 16 : i32
        %shift_right_logical3A_303 = vector.broadcast %shift_right_logical3A_302 : i32 to vector<16xi32>
        %shift_right_logical3A_304 = arith.shrui %get3A_293, %shift_right_logical3A_303 : vector<16xi32>
        %swap3A_305 = arith.index_cast %rem3A_270 : i32 to index
        %swap3A_306 = arith.constant 0 : index
        %swap3A_307 = tpu.vector_load %arg8[%swap3A_305, %swap3A_306] {strides = array<i32>} : memref<3x80xi32, #tpu.memory_space<vmem>>, vector<1x16xi32>,
        %swap3A_308 = vector.shape_cast %swap3A_307 : vector<1x16xi32> to vector<16xi32>
        %swap3A_309 = vector.shape_cast %shift_right_logical3A_304 : vector<16xi32> to vector<1x16xi32>
        tpu.vector_store %arg8[%swap3A_305, %swap3A_306], %swap3A_309 {strides = array<i32>} : memref<3x80xi32, #tpu.memory_space<vmem>>, vector<1x16xi32>,
        %get3A_310 = arith.index_cast %sub3A_289 : i32 to index
        %get3A_311 = arith.constant 16 : index
        %get3A_312 = tpu.vector_load %arg6[%get3A_310, %get3A_311] {strides = array<i32>} : memref<125x80xi32, #tpu.memory_space<vmem>>, vector<1x16xi32>,
        %get3A_313 = vector.shape_cast %get3A_312 : vector<1x16xi32> to vector<16xi32>
        %and3A_314 = arith.constant 65535 : i32
        %and3A_315 = vector.broadcast %and3A_314 : i32 to vector<16xi32>
        %and3A_316 = arith.andi %get3A_313, %and3A_315 : vector<16xi32>
        %swap3A_317 = arith.index_cast %rem3A_270 : i32 to index
        %swap3A_318 = arith.constant 16 : index
        %swap3A_319 = tpu.vector_load %arg7[%swap3A_317, %swap3A_318] {strides = array<i32>} : memref<3x80xi32, #tpu.memory_space<vmem>>, vector<1x16xi32>,
        %swap3A_320 = vector.shape_cast %swap3A_319 : vector<1x16xi32> to vector<16xi32>
        %swap3A_321 = vector.shape_cast %and3A_316 : vector<16xi32> to vector<1x16xi32>
        tpu.vector_store %arg7[%swap3A_317, %swap3A_318], %swap3A_321 {strides = array<i32>} : memref<3x80xi32, #tpu.memory_space<vmem>>, vector<1x16xi32>,
        %shift_right_logical3A_322 = arith.constant 16 : i32
        %shift_right_logical3A_323 = vector.broadcast %shift_right_logical3A_322 : i32 to vector<16xi32>
        %shift_right_logical3A_324 = arith.shrui %get3A_313, %shift_right_logical3A_323 : vector<16xi32>
        %swap3A_325 = arith.index_cast %rem3A_270 : i32 to index
        %swap3A_326 = arith.constant 16 : index
        %swap3A_327 = tpu.vector_load %arg8[%swap3A_325, %swap3A_326] {strides = array<i32>} : memref<3x80xi32, #tpu.memory_space<vmem>>, vector<1x16xi32>,
        %swap3A_328 = vector.shape_cast %swap3A_327 : vector<1x16xi32> to vector<16xi32>
        %swap3A_329 = vector.shape_cast %shift_right_logical3A_324 : vector<16xi32> to vector<1x16xi32>
        tpu.vector_store %arg8[%swap3A_325, %swap3A_326], %swap3A_329 {strides = array<i32>} : memref<3x80xi32, #tpu.memory_space<vmem>>, vector<1x16xi32>,
        %get3A_330 = arith.index_cast %sub3A_289 : i32 to index
        %get3A_331 = arith.constant 32 : index
        %get3A_332 = tpu.vector_load %arg6[%get3A_330, %get3A_331] {strides = array<i32>} : memref<125x80xi32, #tpu.memory_space<vmem>>, vector<1x16xi32>,
        %get3A_333 = vector.shape_cast %get3A_332 : vector<1x16xi32> to vector<16xi32>
        %and3A_334 = arith.constant 65535 : i32
        %and3A_335 = vector.broadcast %and3A_334 : i32 to vector<16xi32>
        %and3A_336 = arith.andi %get3A_333, %and3A_335 : vector<16xi32>
        %swap3A_337 = arith.index_cast %rem3A_270 : i32 to index
        %swap3A_338 = arith.constant 32 : index
        %swap3A_339 = tpu.vector_load %arg7[%swap3A_337, %swap3A_338] {strides = array<i32>} : memref<3x80xi32, #tpu.memory_space<vmem>>, vector<1x16xi32>,
        %swap3A_340 = vector.shape_cast %swap3A_339 : vector<1x16xi32> to vector<16xi32>
        %swap3A_341 = vector.shape_cast %and3A_336 : vector<16xi32> to vector<1x16xi32>
        tpu.vector_store %arg7[%swap3A_337, %swap3A_338], %swap3A_341 {strides = array<i32>} : memref<3x80xi32, #tpu.memory_space<vmem>>, vector<1x16xi32>,
        %shift_right_logical3A_342 = arith.constant 16 : i32
        %shift_right_logical3A_343 = vector.broadcast %shift_right_logical3A_342 : i32 to vector<16xi32>
        %shift_right_logical3A_344 = arith.shrui %get3A_333, %shift_right_logical3A_343 : vector<16xi32>
        %swap3A_345 = arith.index_cast %rem3A_270 : i32 to index
        %swap3A_346 = arith.constant 32 : index
        %swap3A_347 = tpu.vector_load %arg8[%swap3A_345, %swap3A_346] {strides = array<i32>} : memref<3x80xi32, #tpu.memory_space<vmem>>, vector<1x16xi32>,
        %swap3A_348 = vector.shape_cast %swap3A_347 : vector<1x16xi32> to vector<16xi32>
        %swap3A_349 = vector.shape_cast %shift_right_logical3A_344 : vector<16xi32> to vector<1x16xi32>
        tpu.vector_store %arg8[%swap3A_345, %swap3A_346], %swap3A_349 {strides = array<i32>} : memref<3x80xi32, #tpu.memory_space<vmem>>, vector<1x16xi32>,
        %get3A_350 = arith.index_cast %sub3A_289 : i32 to index
        %get3A_351 = arith.constant 48 : index
        %get3A_352 = tpu.vector_load %arg6[%get3A_350, %get3A_351] {strides = array<i32>} : memref<125x80xi32, #tpu.memory_space<vmem>>, vector<1x16xi32>,
        %get3A_353 = vector.shape_cast %get3A_352 : vector<1x16xi32> to vector<16xi32>
        %and3A_354 = arith.constant 65535 : i32
        %and3A_355 = vector.broadcast %and3A_354 : i32 to vector<16xi32>
        %and3A_356 = arith.andi %get3A_353, %and3A_355 : vector<16xi32>
        %swap3A_357 = arith.index_cast %rem3A_270 : i32 to index
        %swap3A_358 = arith.constant 48 : index
        %swap3A_359 = tpu.vector_load %arg7[%swap3A_357, %swap3A_358] {strides = array<i32>} : memref<3x80xi32, #tpu.memory_space<vmem>>, vector<1x16xi32>,
        %swap3A_360 = vector.shape_cast %swap3A_359 : vector<1x16xi32> to vector<16xi32>
        %swap3A_361 = vector.shape_cast %and3A_356 : vector<16xi32> to vector<1x16xi32>
        tpu.vector_store %arg7[%swap3A_357, %swap3A_358], %swap3A_361 {strides = array<i32>} : memref<3x80xi32, #tpu.memory_space<vmem>>, vector<1x16xi32>,
        %shift_right_logical3A_362 = arith.constant 16 : i32
        %shift_right_logical3A_363 = vector.broadcast %shift_right_logical3A_362 : i32 to vector<16xi32>
        %shift_right_logical3A_364 = arith.shrui %get3A_353, %shift_right_logical3A_363 : vector<16xi32>
        %swap3A_365 = arith.index_cast %rem3A_270 : i32 to index
        %swap3A_366 = arith.constant 48 : index
        %swap3A_367 = tpu.vector_load %arg8[%swap3A_365, %swap3A_366] {strides = array<i32>} : memref<3x80xi32, #tpu.memory_space<vmem>>, vector<1x16xi32>,
        %swap3A_368 = vector.shape_cast %swap3A_367 : vector<1x16xi32> to vector<16xi32>
        %swap3A_369 = vector.shape_cast %shift_right_logical3A_364 : vector<16xi32> to vector<1x16xi32>
        tpu.vector_store %arg8[%swap3A_365, %swap3A_366], %swap3A_369 {strides = array<i32>} : memref<3x80xi32, #tpu.memory_space<vmem>>, vector<1x16xi32>,
        %get3A_370 = arith.index_cast %sub3A_289 : i32 to index
        %get3A_371 = arith.constant 64 : index
        %get3A_372 = tpu.vector_load %arg6[%get3A_370, %get3A_371] {strides = array<i32>} : memref<125x80xi32, #tpu.memory_space<vmem>>, vector<1x16xi32>,
        %get3A_373 = vector.shape_cast %get3A_372 : vector<1x16xi32> to vector<16xi32>
        %and3A_374 = arith.constant 65535 : i32
        %and3A_375 = vector.broadcast %and3A_374 : i32 to vector<16xi32>
        %and3A_376 = arith.andi %get3A_373, %and3A_375 : vector<16xi32>
        %swap3A_377 = arith.index_cast %rem3A_270 : i32 to index
        %swap3A_378 = arith.constant 64 : index
        %swap3A_379 = tpu.vector_load %arg7[%swap3A_377, %swap3A_378] {strides = array<i32>} : memref<3x80xi32, #tpu.memory_space<vmem>>, vector<1x16xi32>,
        %swap3A_380 = vector.shape_cast %swap3A_379 : vector<1x16xi32> to vector<16xi32>
        %swap3A_381 = vector.shape_cast %and3A_376 : vector<16xi32> to vector<1x16xi32>
        tpu.vector_store %arg7[%swap3A_377, %swap3A_378], %swap3A_381 {strides = array<i32>} : memref<3x80xi32, #tpu.memory_space<vmem>>, vector<1x16xi32>,
        %shift_right_logical3A_382 = arith.constant 16 : i32
        %shift_right_logical3A_383 = vector.broadcast %shift_right_logical3A_382 : i32 to vector<16xi32>
        %shift_right_logical3A_384 = arith.shrui %get3A_373, %shift_right_logical3A_383 : vector<16xi32>
        %swap3A_385 = arith.index_cast %rem3A_270 : i32 to index
        %swap3A_386 = arith.constant 64 : index
        %swap3A_387 = tpu.vector_load %arg8[%swap3A_385, %swap3A_386] {strides = array<i32>} : memref<3x80xi32, #tpu.memory_space<vmem>>, vector<1x16xi32>,
        %swap3A_388 = vector.shape_cast %swap3A_387 : vector<1x16xi32> to vector<16xi32>
        %swap3A_389 = vector.shape_cast %shift_right_logical3A_384 : vector<16xi32> to vector<1x16xi32>
        tpu.vector_store %arg8[%swap3A_385, %swap3A_386], %swap3A_389 {strides = array<i32>} : memref<3x80xi32, #tpu.memory_space<vmem>>, vector<1x16xi32>,
        %dma_start3A_390 = arith.constant 0 : i32
        %dma_start3A_391 = arith.constant 0 : i32
        %dma_start3A_392 = tpu.memref_slice %arg9[%rem3A_270, %dma_start3A_390, %dma_start3A_391] : memref<3x80x128xf32, #tpu.memory_space<vmem>> -> memref<1x80x128xf32, #tpu.memory_space<vmem>>
        %dma_start3A_393 = tpu.memref_squeeze %dma_start3A_392 : memref<1x80x128xf32, #tpu.memory_space<vmem>> -> memref<80x128xf32, #tpu.memory_space<vmem>>
        %dma_start3A_394 = arith.constant 0 : i32
        %dma_start3A_395 = tpu.memref_slice %arg7[%rem3A_270, %dma_start3A_394] : memref<3x80xi32, #tpu.memory_space<vmem>> -> memref<1x80xi32, #tpu.memory_space<vmem>>
        %dma_start3A_396 = tpu.memref_squeeze %dma_start3A_395 : memref<1x80xi32, #tpu.memory_space<vmem>> -> memref<80xi32, #tpu.memory_space<vmem>>
        %dma_start3A_397 = arith.constant 0 : i32
        %dma_start3A_398 = arith.constant 0 : i32
        %dma_start3A_399 = tpu.memref_slice %arg2[%dma_start3A_397, %dma_start3A_398] : memref<10000x128xf32, #tpu.memory_space<hbm>> -> memref<10000x128xf32, #tpu.memory_space<hbm>>
        tpu.enqueue_indirect_dma source(%dma_start3A_399 : memref<10000x128xf32, #tpu.memory_space<hbm>>) target(%dma_start3A_393 : memref<80x128xf32, #tpu.memory_space<vmem>>) offsets(%dma_start3A_396 : memref<80xi32, #tpu.memory_space<vmem>>) semaphore(%arg11 : memref<!tpu.dma_semaphore, #tpu.memory_space<semaphore_mem>>)
      } else {
      }
      "tpu.region"() ({
        %run_scoped3A = tpu.sem_alloc : memref<!tpu.dma_semaphore, #tpu.memory_space<semaphore_mem>>
        %dma_start3A_286 = arith.constant 0 : i32
        %dma_start3A_287 = arith.constant 0 : i32
        %dma_start3A_288 = tpu.memref_slice %arg9[%rem3A_265, %dma_start3A_286, %dma_start3A_287] : memref<3x80x128xf32, #tpu.memory_space<vmem>> -> memref<1x80x128xf32, #tpu.memory_space<vmem>>
        %dma_start3A_289 = tpu.memref_squeeze %dma_start3A_288 : memref<1x80x128xf32, #tpu.memory_space<vmem>> -> memref<80x128xf32, #tpu.memory_space<vmem>>
        %dma_start3A_290 = arith.constant 0 : i32
        %dma_start3A_291 = tpu.memref_slice %arg8[%rem3A_265, %dma_start3A_290] : memref<3x80xi32, #tpu.memory_space<vmem>> -> memref<1x80xi32, #tpu.memory_space<vmem>>
        %dma_start3A_292 = tpu.memref_squeeze %dma_start3A_291 : memref<1x80xi32, #tpu.memory_space<vmem>> -> memref<80xi32, #tpu.memory_space<vmem>>
        %dma_start3A_293 = arith.constant 0 : i32
        %dma_start3A_294 = arith.constant 0 : i32
        %dma_start3A_295 = tpu.memref_slice %arg10[%dma_start3A_293, %dma_start3A_294] : memref<10112x128xf32, #tpu.memory_space<vmem_shared>> -> memref<10112x128xf32, #tpu.memory_space<vmem_shared>>
        tpu.enqueue_indirect_dma source(%dma_start3A_289 : memref<80x128xf32, #tpu.memory_space<vmem>>) target(%dma_start3A_295 : memref<10112x128xf32, #tpu.memory_space<vmem_shared>>) offsets(%dma_start3A_292 : memref<80xi32, #tpu.memory_space<vmem>>) semaphore(%run_scoped3A : memref<!tpu.dma_semaphore, #tpu.memory_space<semaphore_mem>>) {add = true}
        %dma_wait3A_296 = arith.constant 0 : i32
        %dma_wait3A_297 = arith.constant 0 : i32
        %dma_wait3A_298 = tpu.memref_slice %arg9[%rem3A_265, %dma_wait3A_296, %dma_wait3A_297] : memref<3x80x128xf32, #tpu.memory_space<vmem>> -> memref<1x80x128xf32, #tpu.memory_space<vmem>>
        %dma_wait3A_299 = tpu.memref_squeeze %dma_wait3A_298 : memref<1x80x128xf32, #tpu.memory_space<vmem>> -> memref<80x128xf32, #tpu.memory_space<vmem>>
        %dma_wait3A_300 = arith.constant 0 : i32
        %dma_wait3A_301 = tpu.memref_slice %arg8[%rem3A_265, %dma_wait3A_300] : memref<3x80xi32, #tpu.memory_space<vmem>> -> memref<1x80xi32, #tpu.memory_space<vmem>>
        %dma_wait3A_302 = tpu.memref_squeeze %dma_wait3A_301 : memref<1x80xi32, #tpu.memory_space<vmem>> -> memref<80xi32, #tpu.memory_space<vmem>>
        %dma_wait3A_303 = arith.constant 0 : i32
        %dma_wait3A_304 = arith.constant 0 : i32
        %dma_wait3A_305 = tpu.memref_slice %arg10[%dma_wait3A_303, %dma_wait3A_304] : memref<10112x128xf32, #tpu.memory_space<vmem_shared>> -> memref<10112x128xf32, #tpu.memory_space<vmem_shared>>
        tpu.wait_indirect_dma semaphore(%run_scoped3A : memref<!tpu.dma_semaphore, #tpu.memory_space<semaphore_mem>>) src(%dma_wait3A_299 : memref<80x128xf32, #tpu.memory_space<vmem>>) dst(%dma_wait3A_305 : memref<10112x128xf32, #tpu.memory_space<vmem_shared>>)
        tpu.yield
      }) : () -> ()
    }
    %scan3A_258 = arith.constant 125 : i32
    %barrier3A_259 = arith.constant 0 : index
    tpu.barrier barrier_id(%barrier3A_259)
    %mul3A_260 = arith.constant 632 : i32
    %mul3A_261 = arith.muli %arg1, %mul3A_260 : i32
    %mul3A_262 = arith.constant 632 : i32
    %mul3A_263 = arith.muli %arg1, %mul3A_262 : i32
    "tpu.region"() ({
      %run_scoped3A = tpu.sem_alloc : memref<!tpu.dma_semaphore, #tpu.memory_space<semaphore_mem>>
      %dma_start3A_264 = arith.constant 0 : i32
      %dma_start3A_265 = tpu.memref_slice %arg5[%arg0, %mul3A_263, %dma_start3A_264] : memref<2x10112x128xf32, #tpu.memory_space<hbm>> -> memref<1x632x128xf32, #tpu.memory_space<hbm>>
      %dma_start3A_266 = tpu.memref_squeeze %dma_start3A_265 : memref<1x632x128xf32, #tpu.memory_space<hbm>> -> memref<632x128xf32, #tpu.memory_space<hbm>>
      %dma_start3A_267 = arith.constant 0 : i32
      %dma_start3A_268 = tpu.memref_slice %arg10[%mul3A_261, %dma_start3A_267] : memref<10112x128xf32, #tpu.memory_space<vmem_shared>> -> memref<632x128xf32, #tpu.memory_space<vmem_shared>>
      tpu.enqueue_dma source(%dma_start3A_268 : memref<632x128xf32, #tpu.memory_space<vmem_shared>>) target(%dma_start3A_266 : memref<632x128xf32, #tpu.memory_space<hbm>>) target_semaphore(%run_scoped3A : memref<!tpu.dma_semaphore, #tpu.memory_space<semaphore_mem>>)
      %dma_wait3A = arith.constant 0 : i32
      %dma_wait3A_269 = tpu.memref_slice %arg5[%arg0, %mul3A_263, %dma_wait3A] : memref<2x10112x128xf32, #tpu.memory_space<hbm>> -> memref<1x632x128xf32, #tpu.memory_space<hbm>>
      %dma_wait3A_270 = tpu.memref_squeeze %dma_wait3A_269 : memref<1x632x128xf32, #tpu.memory_space<hbm>> -> memref<632x128xf32, #tpu.memory_space<hbm>>
      %dma_wait3A_271 = arith.constant 0 : i32
      %dma_wait3A_272 = tpu.memref_slice %arg10[%mul3A_261, %dma_wait3A_271] : memref<10112x128xf32, #tpu.memory_space<vmem_shared>> -> memref<632x128xf32, #tpu.memory_space<vmem_shared>>
      tpu.wait_dma2 semaphore(%run_scoped3A : memref<!tpu.dma_semaphore, #tpu.memory_space<semaphore_mem>>) src(%dma_wait3A_272 : memref<632x128xf32, #tpu.memory_space<vmem_shared>>) dst(%dma_wait3A_270 : memref<632x128xf32, #tpu.memory_space<hbm>>)
      tpu.yield
    }) : () -> ()
    return
  }
}

#map = affine_map<(d0, d1) -> (0, 0)>
#map1 = affine_map<(d0, d1) -> (0, 0, 0)>
module attributes {stable_mosaic.version = 14 : i64} {
  func.func @_sc_agg_body(%arg0: i32, %arg1: i32, %arg2: memref<10000x128xf32, #tpu.memory_space<hbm>>, %arg3: memref<32x125x80xi32, #tpu.memory_space<hbm>>, %arg4: memref<10112x128xf32, #tpu.memory_space<hbm>>, %arg5: memref<2x10112x128xf32, #tpu.memory_space<hbm>>, %arg6: memref<125x80xi32, #tpu.memory_space<vmem>>, %arg7: memref<3x80xi32, #tpu.memory_space<vmem>>, %arg8: memref<3x80xi32, #tpu.memory_space<vmem>>, %arg9: memref<3x80x128xf32, #tpu.memory_space<vmem>>, %arg10: memref<10112x128xf32, #tpu.memory_space<vmem_shared>>, %arg11: memref<!tpu.dma_semaphore, #tpu.memory_space<semaphore_mem>>) attributes {dimension_semantics = [#tpu.dimension_semantics<core_parallel>, #tpu.dimension_semantics<subcore_parallel>], iteration_bounds = array<i64: 2, 16>, scalar_prefetch = 0 : i64, scratch_operands = 6 : i64, tpu.core_type = #tpu.core_type<sc_vector_subcore>, window_params = [{transform_indices = #map}, {transform_indices = #map1}, {transform_indices = #map}, {transform_indices = #map1}]} {
    %mul3A = arith.constant 632 : i32
    %mul3A_0 = arith.muli %arg1, %mul3A : i32
    %mul3A_1 = arith.constant 632 : i32
    %mul3A_2 = arith.muli %arg1, %mul3A_1 : i32
    "tpu.region"() ({
      %run_scoped3A = tpu.sem_alloc : memref<!tpu.dma_semaphore, #tpu.memory_space<semaphore_mem>>
      %dma_start3A_264 = arith.constant 0 : i32
      %dma_start3A_265 = tpu.memref_slice %arg10[%mul3A_2, %dma_start3A_264] : memref<10112x128xf32, #tpu.memory_space<vmem_shared>> -> memref<632x128xf32, #tpu.memory_space<vmem_shared>>
      %dma_start3A_266 = arith.constant 0 : i32
      %dma_start3A_267 = tpu.memref_slice %arg4[%mul3A_0, %dma_start3A_266] : memref<10112x128xf32, #tpu.memory_space<hbm>> -> memref<632x128xf32, #tpu.memory_space<hbm>>
      tpu.enqueue_dma source(%dma_start3A_267 : memref<632x128xf32, #tpu.memory_space<hbm>>) target(%dma_start3A_265 : memref<632x128xf32, #tpu.memory_space<vmem_shared>>) target_semaphore(%run_scoped3A : memref<!tpu.dma_semaphore, #tpu.memory_space<semaphore_mem>>)
      %dma_wait3A = arith.constant 0 : i32
      %dma_wait3A_268 = tpu.memref_slice %arg10[%mul3A_2, %dma_wait3A] : memref<10112x128xf32, #tpu.memory_space<vmem_shared>> -> memref<632x128xf32, #tpu.memory_space<vmem_shared>>
      %dma_wait3A_269 = arith.constant 0 : i32
      %dma_wait3A_270 = tpu.memref_slice %arg4[%mul3A_0, %dma_wait3A_269] : memref<10112x128xf32, #tpu.memory_space<hbm>> -> memref<632x128xf32, #tpu.memory_space<hbm>>
      tpu.wait_dma2 semaphore(%run_scoped3A : memref<!tpu.dma_semaphore, #tpu.memory_space<semaphore_mem>>) src(%dma_wait3A_270 : memref<632x128xf32, #tpu.memory_space<hbm>>) dst(%dma_wait3A_268 : memref<632x128xf32, #tpu.memory_space<vmem_shared>>)
      tpu.yield
    }) : () -> ()
    %mul3A_3 = arith.constant 2 : i32
    %mul3A_4 = arith.muli %arg1, %mul3A_3 : i32
    %add3A = arith.addi %mul3A_4, %arg0 : i32
    "tpu.region"() ({
      %run_scoped3A = tpu.sem_alloc : memref<!tpu.dma_semaphore, #tpu.memory_space<semaphore_mem>>
      %dma_start3A_264 = arith.constant 0 : i32
      %dma_start3A_265 = arith.constant 0 : i32
      %dma_start3A_266 = tpu.memref_slice %arg3[%add3A, %dma_start3A_264, %dma_start3A_265] : memref<32x125x80xi32, #tpu.memory_space<hbm>> -> memref<1x125x80xi32, #tpu.memory_space<hbm>>
      %dma_start3A_267 = tpu.memref_squeeze %dma_start3A_266 : memref<1x125x80xi32, #tpu.memory_space<hbm>> -> memref<125x80xi32, #tpu.memory_space<hbm>>
      %dma_start3A_268 = arith.constant 0 : i32
      %dma_start3A_269 = arith.constant 0 : i32
      %dma_start3A_270 = tpu.memref_slice %arg3[%add3A, %dma_start3A_268, %dma_start3A_269] : memref<32x125x80xi32, #tpu.memory_space<hbm>> -> memref<1x125x80xi32, #tpu.memory_space<hbm>>
      %dma_start3A_271 = tpu.memref_squeeze %dma_start3A_270 : memref<1x125x80xi32, #tpu.memory_space<hbm>> -> memref<125x80xi32, #tpu.memory_space<hbm>>
      tpu.enqueue_dma source(%dma_start3A_271 : memref<125x80xi32, #tpu.memory_space<hbm>>) target(%arg6 : memref<125x80xi32, #tpu.memory_space<vmem>>) target_semaphore(%run_scoped3A : memref<!tpu.dma_semaphore, #tpu.memory_space<semaphore_mem>>)
      %dma_wait3A = arith.constant 0 : i32
      %dma_wait3A_272 = arith.constant 0 : i32
      %dma_wait3A_273 = tpu.memref_slice %arg3[%add3A, %dma_wait3A, %dma_wait3A_272] : memref<32x125x80xi32, #tpu.memory_space<hbm>> -> memref<1x125x80xi32, #tpu.memory_space<hbm>>
      %dma_wait3A_274 = tpu.memref_squeeze %dma_wait3A_273 : memref<1x125x80xi32, #tpu.memory_space<hbm>> -> memref<125x80xi32, #tpu.memory_space<hbm>>
      %dma_wait3A_275 = arith.constant 0 : i32
      %dma_wait3A_276 = arith.constant 0 : i32
      %dma_wait3A_277 = tpu.memref_slice %arg3[%add3A, %dma_wait3A_275, %dma_wait3A_276] : memref<32x125x80xi32, #tpu.memory_space<hbm>> -> memref<1x125x80xi32, #tpu.memory_space<hbm>>
      %dma_wait3A_278 = tpu.memref_squeeze %dma_wait3A_277 : memref<1x125x80xi32, #tpu.memory_space<hbm>> -> memref<125x80xi32, #tpu.memory_space<hbm>>
      tpu.wait_dma2 semaphore(%run_scoped3A : memref<!tpu.dma_semaphore, #tpu.memory_space<semaphore_mem>>) src(%dma_wait3A_278 : memref<125x80xi32, #tpu.memory_space<hbm>>) dst(%arg6 : memref<125x80xi32, #tpu.memory_space<vmem>>)
      tpu.yield
    }) : () -> ()
    %barrier3A = arith.constant 0 : index
    tpu.barrier barrier_id(%barrier3A)
    %get3A = arith.constant 0 : i32
    %get3A_5 = arith.index_cast %get3A : i32 to index
    %get3A_6 = arith.constant 0 : index
    %get3A_7 = tpu.vector_load %arg6[%get3A_5, %get3A_6] {strides = array<i32>} : memref<125x80xi32, #tpu.memory_space<vmem>>, vector<1x16xi32>,
    %get3A_8 = vector.shape_cast %get3A_7 : vector<1x16xi32> to vector<16xi32>
    %and3A = arith.constant 65535 : i32
    %and3A_9 = vector.broadcast %and3A : i32 to vector<16xi32>
    %and3A_10 = arith.andi %get3A_8, %and3A_9 : vector<16xi32>
    %swap3A = arith.constant 0 : i32
    %swap3A_11 = arith.index_cast %swap3A : i32 to index
    %swap3A_12 = arith.constant 0 : index
    %swap3A_13 = tpu.vector_load %arg7[%swap3A_11, %swap3A_12] {strides = array<i32>} : memref<3x80xi32, #tpu.memory_space<vmem>>, vector<1x16xi32>,
    %swap3A_14 = vector.shape_cast %swap3A_13 : vector<1x16xi32> to vector<16xi32>
    %swap3A_15 = vector.shape_cast %and3A_10 : vector<16xi32> to vector<1x16xi32>
    tpu.vector_store %arg7[%swap3A_11, %swap3A_12], %swap3A_15 {strides = array<i32>} : memref<3x80xi32, #tpu.memory_space<vmem>>, vector<1x16xi32>,
    %shift_right_logical3A = arith.constant 16 : i32
    %shift_right_logical3A_16 = vector.broadcast %shift_right_logical3A : i32 to vector<16xi32>
    %shift_right_logical3A_17 = arith.shrui %get3A_8, %shift_right_logical3A_16 : vector<16xi32>
    %swap3A_18 = arith.constant 0 : i32
    %swap3A_19 = arith.index_cast %swap3A_18 : i32 to index
    %swap3A_20 = arith.constant 0 : index
    %swap3A_21 = tpu.vector_load %arg8[%swap3A_19, %swap3A_20] {strides = array<i32>} : memref<3x80xi32, #tpu.memory_space<vmem>>, vector<1x16xi32>,
    %swap3A_22 = vector.shape_cast %swap3A_21 : vector<1x16xi32> to vector<16xi32>
    %swap3A_23 = vector.shape_cast %shift_right_logical3A_17 : vector<16xi32> to vector<1x16xi32>
    tpu.vector_store %arg8[%swap3A_19, %swap3A_20], %swap3A_23 {strides = array<i32>} : memref<3x80xi32, #tpu.memory_space<vmem>>, vector<1x16xi32>,
    %get3A_24 = arith.constant 0 : i32
    %get3A_25 = arith.index_cast %get3A_24 : i32 to index
    %get3A_26 = arith.constant 16 : index
    %get3A_27 = tpu.vector_load %arg6[%get3A_25, %get3A_26] {strides = array<i32>} : memref<125x80xi32, #tpu.memory_space<vmem>>, vector<1x16xi32>,
    %get3A_28 = vector.shape_cast %get3A_27 : vector<1x16xi32> to vector<16xi32>
    %and3A_29 = arith.constant 65535 : i32
    %and3A_30 = vector.broadcast %and3A_29 : i32 to vector<16xi32>
    %and3A_31 = arith.andi %get3A_28, %and3A_30 : vector<16xi32>
    %swap3A_32 = arith.constant 0 : i32
    %swap3A_33 = arith.index_cast %swap3A_32 : i32 to index
    %swap3A_34 = arith.constant 16 : index
    %swap3A_35 = tpu.vector_load %arg7[%swap3A_33, %swap3A_34] {strides = array<i32>} : memref<3x80xi32, #tpu.memory_space<vmem>>, vector<1x16xi32>,
    %swap3A_36 = vector.shape_cast %swap3A_35 : vector<1x16xi32> to vector<16xi32>
    %swap3A_37 = vector.shape_cast %and3A_31 : vector<16xi32> to vector<1x16xi32>
    tpu.vector_store %arg7[%swap3A_33, %swap3A_34], %swap3A_37 {strides = array<i32>} : memref<3x80xi32, #tpu.memory_space<vmem>>, vector<1x16xi32>,
    %shift_right_logical3A_38 = arith.constant 16 : i32
    %shift_right_logical3A_39 = vector.broadcast %shift_right_logical3A_38 : i32 to vector<16xi32>
    %shift_right_logical3A_40 = arith.shrui %get3A_28, %shift_right_logical3A_39 : vector<16xi32>
    %swap3A_41 = arith.constant 0 : i32
    %swap3A_42 = arith.index_cast %swap3A_41 : i32 to index
    %swap3A_43 = arith.constant 16 : index
    %swap3A_44 = tpu.vector_load %arg8[%swap3A_42, %swap3A_43] {strides = array<i32>} : memref<3x80xi32, #tpu.memory_space<vmem>>, vector<1x16xi32>,
    %swap3A_45 = vector.shape_cast %swap3A_44 : vector<1x16xi32> to vector<16xi32>
    %swap3A_46 = vector.shape_cast %shift_right_logical3A_40 : vector<16xi32> to vector<1x16xi32>
    tpu.vector_store %arg8[%swap3A_42, %swap3A_43], %swap3A_46 {strides = array<i32>} : memref<3x80xi32, #tpu.memory_space<vmem>>, vector<1x16xi32>,
    %get3A_47 = arith.constant 0 : i32
    %get3A_48 = arith.index_cast %get3A_47 : i32 to index
    %get3A_49 = arith.constant 32 : index
    %get3A_50 = tpu.vector_load %arg6[%get3A_48, %get3A_49] {strides = array<i32>} : memref<125x80xi32, #tpu.memory_space<vmem>>, vector<1x16xi32>,
    %get3A_51 = vector.shape_cast %get3A_50 : vector<1x16xi32> to vector<16xi32>
    %and3A_52 = arith.constant 65535 : i32
    %and3A_53 = vector.broadcast %and3A_52 : i32 to vector<16xi32>
    %and3A_54 = arith.andi %get3A_51, %and3A_53 : vector<16xi32>
    %swap3A_55 = arith.constant 0 : i32
    %swap3A_56 = arith.index_cast %swap3A_55 : i32 to index
    %swap3A_57 = arith.constant 32 : index
    %swap3A_58 = tpu.vector_load %arg7[%swap3A_56, %swap3A_57] {strides = array<i32>} : memref<3x80xi32, #tpu.memory_space<vmem>>, vector<1x16xi32>,
    %swap3A_59 = vector.shape_cast %swap3A_58 : vector<1x16xi32> to vector<16xi32>
    %swap3A_60 = vector.shape_cast %and3A_54 : vector<16xi32> to vector<1x16xi32>
    tpu.vector_store %arg7[%swap3A_56, %swap3A_57], %swap3A_60 {strides = array<i32>} : memref<3x80xi32, #tpu.memory_space<vmem>>, vector<1x16xi32>,
    %shift_right_logical3A_61 = arith.constant 16 : i32
    %shift_right_logical3A_62 = vector.broadcast %shift_right_logical3A_61 : i32 to vector<16xi32>
    %shift_right_logical3A_63 = arith.shrui %get3A_51, %shift_right_logical3A_62 : vector<16xi32>
    %swap3A_64 = arith.constant 0 : i32
    %swap3A_65 = arith.index_cast %swap3A_64 : i32 to index
    %swap3A_66 = arith.constant 32 : index
    %swap3A_67 = tpu.vector_load %arg8[%swap3A_65, %swap3A_66] {strides = array<i32>} : memref<3x80xi32, #tpu.memory_space<vmem>>, vector<1x16xi32>,
    %swap3A_68 = vector.shape_cast %swap3A_67 : vector<1x16xi32> to vector<16xi32>
    %swap3A_69 = vector.shape_cast %shift_right_logical3A_63 : vector<16xi32> to vector<1x16xi32>
    tpu.vector_store %arg8[%swap3A_65, %swap3A_66], %swap3A_69 {strides = array<i32>} : memref<3x80xi32, #tpu.memory_space<vmem>>, vector<1x16xi32>,
    %get3A_70 = arith.constant 0 : i32
    %get3A_71 = arith.index_cast %get3A_70 : i32 to index
    %get3A_72 = arith.constant 48 : index
    %get3A_73 = tpu.vector_load %arg6[%get3A_71, %get3A_72] {strides = array<i32>} : memref<125x80xi32, #tpu.memory_space<vmem>>, vector<1x16xi32>,
    %get3A_74 = vector.shape_cast %get3A_73 : vector<1x16xi32> to vector<16xi32>
    %and3A_75 = arith.constant 65535 : i32
    %and3A_76 = vector.broadcast %and3A_75 : i32 to vector<16xi32>
    %and3A_77 = arith.andi %get3A_74, %and3A_76 : vector<16xi32>
    %swap3A_78 = arith.constant 0 : i32
    %swap3A_79 = arith.index_cast %swap3A_78 : i32 to index
    %swap3A_80 = arith.constant 48 : index
    %swap3A_81 = tpu.vector_load %arg7[%swap3A_79, %swap3A_80] {strides = array<i32>} : memref<3x80xi32, #tpu.memory_space<vmem>>, vector<1x16xi32>,
    %swap3A_82 = vector.shape_cast %swap3A_81 : vector<1x16xi32> to vector<16xi32>
    %swap3A_83 = vector.shape_cast %and3A_77 : vector<16xi32> to vector<1x16xi32>
    tpu.vector_store %arg7[%swap3A_79, %swap3A_80], %swap3A_83 {strides = array<i32>} : memref<3x80xi32, #tpu.memory_space<vmem>>, vector<1x16xi32>,
    %shift_right_logical3A_84 = arith.constant 16 : i32
    %shift_right_logical3A_85 = vector.broadcast %shift_right_logical3A_84 : i32 to vector<16xi32>
    %shift_right_logical3A_86 = arith.shrui %get3A_74, %shift_right_logical3A_85 : vector<16xi32>
    %swap3A_87 = arith.constant 0 : i32
    %swap3A_88 = arith.index_cast %swap3A_87 : i32 to index
    %swap3A_89 = arith.constant 48 : index
    %swap3A_90 = tpu.vector_load %arg8[%swap3A_88, %swap3A_89] {strides = array<i32>} : memref<3x80xi32, #tpu.memory_space<vmem>>, vector<1x16xi32>,
    %swap3A_91 = vector.shape_cast %swap3A_90 : vector<1x16xi32> to vector<16xi32>
    %swap3A_92 = vector.shape_cast %shift_right_logical3A_86 : vector<16xi32> to vector<1x16xi32>
    tpu.vector_store %arg8[%swap3A_88, %swap3A_89], %swap3A_92 {strides = array<i32>} : memref<3x80xi32, #tpu.memory_space<vmem>>, vector<1x16xi32>,
    %get3A_93 = arith.constant 0 : i32
    %get3A_94 = arith.index_cast %get3A_93 : i32 to index
    %get3A_95 = arith.constant 64 : index
    %get3A_96 = tpu.vector_load %arg6[%get3A_94, %get3A_95] {strides = array<i32>} : memref<125x80xi32, #tpu.memory_space<vmem>>, vector<1x16xi32>,
    %get3A_97 = vector.shape_cast %get3A_96 : vector<1x16xi32> to vector<16xi32>
    %and3A_98 = arith.constant 65535 : i32
    %and3A_99 = vector.broadcast %and3A_98 : i32 to vector<16xi32>
    %and3A_100 = arith.andi %get3A_97, %and3A_99 : vector<16xi32>
    %swap3A_101 = arith.constant 0 : i32
    %swap3A_102 = arith.index_cast %swap3A_101 : i32 to index
    %swap3A_103 = arith.constant 64 : index
    %swap3A_104 = tpu.vector_load %arg7[%swap3A_102, %swap3A_103] {strides = array<i32>} : memref<3x80xi32, #tpu.memory_space<vmem>>, vector<1x16xi32>,
    %swap3A_105 = vector.shape_cast %swap3A_104 : vector<1x16xi32> to vector<16xi32>
    %swap3A_106 = vector.shape_cast %and3A_100 : vector<16xi32> to vector<1x16xi32>
    tpu.vector_store %arg7[%swap3A_102, %swap3A_103], %swap3A_106 {strides = array<i32>} : memref<3x80xi32, #tpu.memory_space<vmem>>, vector<1x16xi32>,
    %shift_right_logical3A_107 = arith.constant 16 : i32
    %shift_right_logical3A_108 = vector.broadcast %shift_right_logical3A_107 : i32 to vector<16xi32>
    %shift_right_logical3A_109 = arith.shrui %get3A_97, %shift_right_logical3A_108 : vector<16xi32>
    %swap3A_110 = arith.constant 0 : i32
    %swap3A_111 = arith.index_cast %swap3A_110 : i32 to index
    %swap3A_112 = arith.constant 64 : index
    %swap3A_113 = tpu.vector_load %arg8[%swap3A_111, %swap3A_112] {strides = array<i32>} : memref<3x80xi32, #tpu.memory_space<vmem>>, vector<1x16xi32>,
    %swap3A_114 = vector.shape_cast %swap3A_113 : vector<1x16xi32> to vector<16xi32>
    %swap3A_115 = vector.shape_cast %shift_right_logical3A_109 : vector<16xi32> to vector<1x16xi32>
    tpu.vector_store %arg8[%swap3A_111, %swap3A_112], %swap3A_115 {strides = array<i32>} : memref<3x80xi32, #tpu.memory_space<vmem>>, vector<1x16xi32>,
    %dma_start3A = arith.constant 0 : i32
    %dma_start3A_116 = arith.constant 0 : i32
    %dma_start3A_117 = arith.constant 0 : i32
    %dma_start3A_118 = arith.constant 0 : i32
    %dma_start3A_119 = tpu.memref_slice %arg9[%dma_start3A_116, %dma_start3A_117, %dma_start3A_118] : memref<3x80x128xf32, #tpu.memory_space<vmem>> -> memref<1x80x128xf32, #tpu.memory_space<vmem>>
    %dma_start3A_120 = tpu.memref_squeeze %dma_start3A_119 : memref<1x80x128xf32, #tpu.memory_space<vmem>> -> memref<80x128xf32, #tpu.memory_space<vmem>>
    %dma_start3A_121 = arith.constant 0 : i32
    %dma_start3A_122 = tpu.memref_slice %arg7[%dma_start3A, %dma_start3A_121] : memref<3x80xi32, #tpu.memory_space<vmem>> -> memref<1x80xi32, #tpu.memory_space<vmem>>
    %dma_start3A_123 = tpu.memref_squeeze %dma_start3A_122 : memref<1x80xi32, #tpu.memory_space<vmem>> -> memref<80xi32, #tpu.memory_space<vmem>>
    %dma_start3A_124 = arith.constant 0 : i32
    %dma_start3A_125 = arith.constant 0 : i32
    %dma_start3A_126 = tpu.memref_slice %arg2[%dma_start3A_124, %dma_start3A_125] : memref<10000x128xf32, #tpu.memory_space<hbm>> -> memref<10000x128xf32, #tpu.memory_space<hbm>>
    tpu.enqueue_indirect_dma source(%dma_start3A_126 : memref<10000x128xf32, #tpu.memory_space<hbm>>) target(%dma_start3A_120 : memref<80x128xf32, #tpu.memory_space<vmem>>) offsets(%dma_start3A_123 : memref<80xi32, #tpu.memory_space<vmem>>) semaphore(%arg11 : memref<!tpu.dma_semaphore, #tpu.memory_space<semaphore_mem>>)
    %get3A_127 = arith.constant 1 : i32
    %get3A_128 = arith.index_cast %get3A_127 : i32 to index
    %get3A_129 = arith.constant 0 : index
    %get3A_130 = tpu.vector_load %arg6[%get3A_128, %get3A_129] {strides = array<i32>} : memref<125x80xi32, #tpu.memory_space<vmem>>, vector<1x16xi32>,
    %get3A_131 = vector.shape_cast %get3A_130 : vector<1x16xi32> to vector<16xi32>
    %and3A_132 = arith.constant 65535 : i32
    %and3A_133 = vector.broadcast %and3A_132 : i32 to vector<16xi32>
    %and3A_134 = arith.andi %get3A_131, %and3A_133 : vector<16xi32>
    %swap3A_135 = arith.constant 1 : i32
    %swap3A_136 = arith.index_cast %swap3A_135 : i32 to index
    %swap3A_137 = arith.constant 0 : index
    %swap3A_138 = tpu.vector_load %arg7[%swap3A_136, %swap3A_137] {strides = array<i32>} : memref<3x80xi32, #tpu.memory_space<vmem>>, vector<1x16xi32>,
    %swap3A_139 = vector.shape_cast %swap3A_138 : vector<1x16xi32> to vector<16xi32>
    %swap3A_140 = vector.shape_cast %and3A_134 : vector<16xi32> to vector<1x16xi32>
    tpu.vector_store %arg7[%swap3A_136, %swap3A_137], %swap3A_140 {strides = array<i32>} : memref<3x80xi32, #tpu.memory_space<vmem>>, vector<1x16xi32>,
    %shift_right_logical3A_141 = arith.constant 16 : i32
    %shift_right_logical3A_142 = vector.broadcast %shift_right_logical3A_141 : i32 to vector<16xi32>
    %shift_right_logical3A_143 = arith.shrui %get3A_131, %shift_right_logical3A_142 : vector<16xi32>
    %swap3A_144 = arith.constant 1 : i32
    %swap3A_145 = arith.index_cast %swap3A_144 : i32 to index
    %swap3A_146 = arith.constant 0 : index
    %swap3A_147 = tpu.vector_load %arg8[%swap3A_145, %swap3A_146] {strides = array<i32>} : memref<3x80xi32, #tpu.memory_space<vmem>>, vector<1x16xi32>,
    %swap3A_148 = vector.shape_cast %swap3A_147 : vector<1x16xi32> to vector<16xi32>
    %swap3A_149 = vector.shape_cast %shift_right_logical3A_143 : vector<16xi32> to vector<1x16xi32>
    tpu.vector_store %arg8[%swap3A_145, %swap3A_146], %swap3A_149 {strides = array<i32>} : memref<3x80xi32, #tpu.memory_space<vmem>>, vector<1x16xi32>,
    %get3A_150 = arith.constant 1 : i32
    %get3A_151 = arith.index_cast %get3A_150 : i32 to index
    %get3A_152 = arith.constant 16 : index
    %get3A_153 = tpu.vector_load %arg6[%get3A_151, %get3A_152] {strides = array<i32>} : memref<125x80xi32, #tpu.memory_space<vmem>>, vector<1x16xi32>,
    %get3A_154 = vector.shape_cast %get3A_153 : vector<1x16xi32> to vector<16xi32>
    %and3A_155 = arith.constant 65535 : i32
    %and3A_156 = vector.broadcast %and3A_155 : i32 to vector<16xi32>
    %and3A_157 = arith.andi %get3A_154, %and3A_156 : vector<16xi32>
    %swap3A_158 = arith.constant 1 : i32
    %swap3A_159 = arith.index_cast %swap3A_158 : i32 to index
    %swap3A_160 = arith.constant 16 : index
    %swap3A_161 = tpu.vector_load %arg7[%swap3A_159, %swap3A_160] {strides = array<i32>} : memref<3x80xi32, #tpu.memory_space<vmem>>, vector<1x16xi32>,
    %swap3A_162 = vector.shape_cast %swap3A_161 : vector<1x16xi32> to vector<16xi32>
    %swap3A_163 = vector.shape_cast %and3A_157 : vector<16xi32> to vector<1x16xi32>
    tpu.vector_store %arg7[%swap3A_159, %swap3A_160], %swap3A_163 {strides = array<i32>} : memref<3x80xi32, #tpu.memory_space<vmem>>, vector<1x16xi32>,
    %shift_right_logical3A_164 = arith.constant 16 : i32
    %shift_right_logical3A_165 = vector.broadcast %shift_right_logical3A_164 : i32 to vector<16xi32>
    %shift_right_logical3A_166 = arith.shrui %get3A_154, %shift_right_logical3A_165 : vector<16xi32>
    %swap3A_167 = arith.constant 1 : i32
    %swap3A_168 = arith.index_cast %swap3A_167 : i32 to index
    %swap3A_169 = arith.constant 16 : index
    %swap3A_170 = tpu.vector_load %arg8[%swap3A_168, %swap3A_169] {strides = array<i32>} : memref<3x80xi32, #tpu.memory_space<vmem>>, vector<1x16xi32>,
    %swap3A_171 = vector.shape_cast %swap3A_170 : vector<1x16xi32> to vector<16xi32>
    %swap3A_172 = vector.shape_cast %shift_right_logical3A_166 : vector<16xi32> to vector<1x16xi32>
    tpu.vector_store %arg8[%swap3A_168, %swap3A_169], %swap3A_172 {strides = array<i32>} : memref<3x80xi32, #tpu.memory_space<vmem>>, vector<1x16xi32>,
    %get3A_173 = arith.constant 1 : i32
    %get3A_174 = arith.index_cast %get3A_173 : i32 to index
    %get3A_175 = arith.constant 32 : index
    %get3A_176 = tpu.vector_load %arg6[%get3A_174, %get3A_175] {strides = array<i32>} : memref<125x80xi32, #tpu.memory_space<vmem>>, vector<1x16xi32>,
    %get3A_177 = vector.shape_cast %get3A_176 : vector<1x16xi32> to vector<16xi32>
    %and3A_178 = arith.constant 65535 : i32
    %and3A_179 = vector.broadcast %and3A_178 : i32 to vector<16xi32>
    %and3A_180 = arith.andi %get3A_177, %and3A_179 : vector<16xi32>
    %swap3A_181 = arith.constant 1 : i32
    %swap3A_182 = arith.index_cast %swap3A_181 : i32 to index
    %swap3A_183 = arith.constant 32 : index
    %swap3A_184 = tpu.vector_load %arg7[%swap3A_182, %swap3A_183] {strides = array<i32>} : memref<3x80xi32, #tpu.memory_space<vmem>>, vector<1x16xi32>,
    %swap3A_185 = vector.shape_cast %swap3A_184 : vector<1x16xi32> to vector<16xi32>
    %swap3A_186 = vector.shape_cast %and3A_180 : vector<16xi32> to vector<1x16xi32>
    tpu.vector_store %arg7[%swap3A_182, %swap3A_183], %swap3A_186 {strides = array<i32>} : memref<3x80xi32, #tpu.memory_space<vmem>>, vector<1x16xi32>,
    %shift_right_logical3A_187 = arith.constant 16 : i32
    %shift_right_logical3A_188 = vector.broadcast %shift_right_logical3A_187 : i32 to vector<16xi32>
    %shift_right_logical3A_189 = arith.shrui %get3A_177, %shift_right_logical3A_188 : vector<16xi32>
    %swap3A_190 = arith.constant 1 : i32
    %swap3A_191 = arith.index_cast %swap3A_190 : i32 to index
    %swap3A_192 = arith.constant 32 : index
    %swap3A_193 = tpu.vector_load %arg8[%swap3A_191, %swap3A_192] {strides = array<i32>} : memref<3x80xi32, #tpu.memory_space<vmem>>, vector<1x16xi32>,
    %swap3A_194 = vector.shape_cast %swap3A_193 : vector<1x16xi32> to vector<16xi32>
    %swap3A_195 = vector.shape_cast %shift_right_logical3A_189 : vector<16xi32> to vector<1x16xi32>
    tpu.vector_store %arg8[%swap3A_191, %swap3A_192], %swap3A_195 {strides = array<i32>} : memref<3x80xi32, #tpu.memory_space<vmem>>, vector<1x16xi32>,
    %get3A_196 = arith.constant 1 : i32
    %get3A_197 = arith.index_cast %get3A_196 : i32 to index
    %get3A_198 = arith.constant 48 : index
    %get3A_199 = tpu.vector_load %arg6[%get3A_197, %get3A_198] {strides = array<i32>} : memref<125x80xi32, #tpu.memory_space<vmem>>, vector<1x16xi32>,
    %get3A_200 = vector.shape_cast %get3A_199 : vector<1x16xi32> to vector<16xi32>
    %and3A_201 = arith.constant 65535 : i32
    %and3A_202 = vector.broadcast %and3A_201 : i32 to vector<16xi32>
    %and3A_203 = arith.andi %get3A_200, %and3A_202 : vector<16xi32>
    %swap3A_204 = arith.constant 1 : i32
    %swap3A_205 = arith.index_cast %swap3A_204 : i32 to index
    %swap3A_206 = arith.constant 48 : index
    %swap3A_207 = tpu.vector_load %arg7[%swap3A_205, %swap3A_206] {strides = array<i32>} : memref<3x80xi32, #tpu.memory_space<vmem>>, vector<1x16xi32>,
    %swap3A_208 = vector.shape_cast %swap3A_207 : vector<1x16xi32> to vector<16xi32>
    %swap3A_209 = vector.shape_cast %and3A_203 : vector<16xi32> to vector<1x16xi32>
    tpu.vector_store %arg7[%swap3A_205, %swap3A_206], %swap3A_209 {strides = array<i32>} : memref<3x80xi32, #tpu.memory_space<vmem>>, vector<1x16xi32>,
    %shift_right_logical3A_210 = arith.constant 16 : i32
    %shift_right_logical3A_211 = vector.broadcast %shift_right_logical3A_210 : i32 to vector<16xi32>
    %shift_right_logical3A_212 = arith.shrui %get3A_200, %shift_right_logical3A_211 : vector<16xi32>
    %swap3A_213 = arith.constant 1 : i32
    %swap3A_214 = arith.index_cast %swap3A_213 : i32 to index
    %swap3A_215 = arith.constant 48 : index
    %swap3A_216 = tpu.vector_load %arg8[%swap3A_214, %swap3A_215] {strides = array<i32>} : memref<3x80xi32, #tpu.memory_space<vmem>>, vector<1x16xi32>,
    %swap3A_217 = vector.shape_cast %swap3A_216 : vector<1x16xi32> to vector<16xi32>
    %swap3A_218 = vector.shape_cast %shift_right_logical3A_212 : vector<16xi32> to vector<1x16xi32>
    tpu.vector_store %arg8[%swap3A_214, %swap3A_215], %swap3A_218 {strides = array<i32>} : memref<3x80xi32, #tpu.memory_space<vmem>>, vector<1x16xi32>,
    %get3A_219 = arith.constant 1 : i32
    %get3A_220 = arith.index_cast %get3A_219 : i32 to index
    %get3A_221 = arith.constant 64 : index
    %get3A_222 = tpu.vector_load %arg6[%get3A_220, %get3A_221] {strides = array<i32>} : memref<125x80xi32, #tpu.memory_space<vmem>>, vector<1x16xi32>,
    %get3A_223 = vector.shape_cast %get3A_222 : vector<1x16xi32> to vector<16xi32>
    %and3A_224 = arith.constant 65535 : i32
    %and3A_225 = vector.broadcast %and3A_224 : i32 to vector<16xi32>
    %and3A_226 = arith.andi %get3A_223, %and3A_225 : vector<16xi32>
    %swap3A_227 = arith.constant 1 : i32
    %swap3A_228 = arith.index_cast %swap3A_227 : i32 to index
    %swap3A_229 = arith.constant 64 : index
    %swap3A_230 = tpu.vector_load %arg7[%swap3A_228, %swap3A_229] {strides = array<i32>} : memref<3x80xi32, #tpu.memory_space<vmem>>, vector<1x16xi32>,
    %swap3A_231 = vector.shape_cast %swap3A_230 : vector<1x16xi32> to vector<16xi32>
    %swap3A_232 = vector.shape_cast %and3A_226 : vector<16xi32> to vector<1x16xi32>
    tpu.vector_store %arg7[%swap3A_228, %swap3A_229], %swap3A_232 {strides = array<i32>} : memref<3x80xi32, #tpu.memory_space<vmem>>, vector<1x16xi32>,
    %shift_right_logical3A_233 = arith.constant 16 : i32
    %shift_right_logical3A_234 = vector.broadcast %shift_right_logical3A_233 : i32 to vector<16xi32>
    %shift_right_logical3A_235 = arith.shrui %get3A_223, %shift_right_logical3A_234 : vector<16xi32>
    %swap3A_236 = arith.constant 1 : i32
    %swap3A_237 = arith.index_cast %swap3A_236 : i32 to index
    %swap3A_238 = arith.constant 64 : index
    %swap3A_239 = tpu.vector_load %arg8[%swap3A_237, %swap3A_238] {strides = array<i32>} : memref<3x80xi32, #tpu.memory_space<vmem>>, vector<1x16xi32>,
    %swap3A_240 = vector.shape_cast %swap3A_239 : vector<1x16xi32> to vector<16xi32>
    %swap3A_241 = vector.shape_cast %shift_right_logical3A_235 : vector<16xi32> to vector<1x16xi32>
    tpu.vector_store %arg8[%swap3A_237, %swap3A_238], %swap3A_241 {strides = array<i32>} : memref<3x80xi32, #tpu.memory_space<vmem>>, vector<1x16xi32>,
    %dma_start3A_242 = arith.constant 1 : i32
    %dma_start3A_243 = arith.constant 1 : i32
    %dma_start3A_244 = arith.constant 0 : i32
    %dma_start3A_245 = arith.constant 0 : i32
    %dma_start3A_246 = tpu.memref_slice %arg9[%dma_start3A_243, %dma_start3A_244, %dma_start3A_245] : memref<3x80x128xf32, #tpu.memory_space<vmem>> -> memref<1x80x128xf32, #tpu.memory_space<vmem>>
    %dma_start3A_247 = tpu.memref_squeeze %dma_start3A_246 : memref<1x80x128xf32, #tpu.memory_space<vmem>> -> memref<80x128xf32, #tpu.memory_space<vmem>>
    %dma_start3A_248 = arith.constant 0 : i32
    %dma_start3A_249 = tpu.memref_slice %arg7[%dma_start3A_242, %dma_start3A_248] : memref<3x80xi32, #tpu.memory_space<vmem>> -> memref<1x80xi32, #tpu.memory_space<vmem>>
    %dma_start3A_250 = tpu.memref_squeeze %dma_start3A_249 : memref<1x80xi32, #tpu.memory_space<vmem>> -> memref<80xi32, #tpu.memory_space<vmem>>
    %dma_start3A_251 = arith.constant 0 : i32
    %dma_start3A_252 = arith.constant 0 : i32
    %dma_start3A_253 = tpu.memref_slice %arg2[%dma_start3A_251, %dma_start3A_252] : memref<10000x128xf32, #tpu.memory_space<hbm>> -> memref<10000x128xf32, #tpu.memory_space<hbm>>
    tpu.enqueue_indirect_dma source(%dma_start3A_253 : memref<10000x128xf32, #tpu.memory_space<hbm>>) target(%dma_start3A_247 : memref<80x128xf32, #tpu.memory_space<vmem>>) offsets(%dma_start3A_250 : memref<80xi32, #tpu.memory_space<vmem>>) semaphore(%arg11 : memref<!tpu.dma_semaphore, #tpu.memory_space<semaphore_mem>>)
    %scan3A = arith.constant 0 : i32
    %scan3A_254 = arith.constant 0 : i32
    %scan3A_255 = arith.constant 125 : i32
    %scan3A_256 = arith.addi %scan3A_254, %scan3A_255 : i32
    %scan3A_257 = arith.constant 1 : i32
    scf.for %scan3A_264 = %scan3A_254 to %scan3A_256 step %scan3A_257  : i32 {
      %rem3A = arith.constant 3 : i32
      %rem3A_265 = arith.remsi %scan3A_264, %rem3A : i32
      %add3A_266 = arith.constant 3 : i32
      %add3A_267 = arith.addi %scan3A_264, %add3A_266 : i32
      %sub3A = arith.constant 1 : i32
      %sub3A_268 = arith.subi %add3A_267, %sub3A : i32
      %rem3A_269 = arith.constant 3 : i32
      %rem3A_270 = arith.remsi %sub3A_268, %rem3A_269 : i32
      %dma_wait3A = arith.constant 0 : i32
      %dma_wait3A_271 = arith.constant 0 : i32
      %dma_wait3A_272 = tpu.memref_slice %arg9[%rem3A_265, %dma_wait3A, %dma_wait3A_271] : memref<3x80x128xf32, #tpu.memory_space<vmem>> -> memref<1x80x128xf32, #tpu.memory_space<vmem>>
      %dma_wait3A_273 = tpu.memref_squeeze %dma_wait3A_272 : memref<1x80x128xf32, #tpu.memory_space<vmem>> -> memref<80x128xf32, #tpu.memory_space<vmem>>
      %dma_wait3A_274 = arith.constant 0 : i32
      %dma_wait3A_275 = tpu.memref_slice %arg7[%rem3A_265, %dma_wait3A_274] : memref<3x80xi32, #tpu.memory_space<vmem>> -> memref<1x80xi32, #tpu.memory_space<vmem>>
      %dma_wait3A_276 = tpu.memref_squeeze %dma_wait3A_275 : memref<1x80xi32, #tpu.memory_space<vmem>> -> memref<80xi32, #tpu.memory_space<vmem>>
      %dma_wait3A_277 = arith.constant 0 : i32
      %dma_wait3A_278 = arith.constant 0 : i32
      %dma_wait3A_279 = tpu.memref_slice %arg2[%dma_wait3A_277, %dma_wait3A_278] : memref<10000x128xf32, #tpu.memory_space<hbm>> -> memref<10000x128xf32, #tpu.memory_space<hbm>>
      tpu.wait_indirect_dma semaphore(%arg11 : memref<!tpu.dma_semaphore, #tpu.memory_space<semaphore_mem>>) src(%dma_wait3A_279 : memref<10000x128xf32, #tpu.memory_space<hbm>>) dst(%dma_wait3A_273 : memref<80x128xf32, #tpu.memory_space<vmem>>)
      %add3A_280 = arith.constant 3 : i32
      %add3A_281 = arith.addi %scan3A_264, %add3A_280 : i32
      %sub3A_282 = arith.constant 1 : i32
      %sub3A_283 = arith.subi %add3A_281, %sub3A_282 : i32
      %lt3A = arith.constant 125 : i32
      %lt3A_284 = arith.cmpi slt, %sub3A_283, %lt3A : i32
      %convert_element_type3A = arith.extui %lt3A_284 : i1 to i32
      %cond3A = arith.constant 0 : i32
      %cond3A_285 = arith.cmpi ne, %convert_element_type3A, %cond3A : i32
      scf.if %cond3A_285 {
        %add3A_286 = arith.constant 3 : i32
        %add3A_287 = arith.addi %scan3A_264, %add3A_286 : i32
        %sub3A_288 = arith.constant 1 : i32
        %sub3A_289 = arith.subi %add3A_287, %sub3A_288 : i32
        %get3A_290 = arith.index_cast %sub3A_289 : i32 to index
        %get3A_291 = arith.constant 0 : index
        %get3A_292 = tpu.vector_load %arg6[%get3A_290, %get3A_291] {strides = array<i32>} : memref<125x80xi32, #tpu.memory_space<vmem>>, vector<1x16xi32>,
        %get3A_293 = vector.shape_cast %get3A_292 : vector<1x16xi32> to vector<16xi32>
        %and3A_294 = arith.constant 65535 : i32
        %and3A_295 = vector.broadcast %and3A_294 : i32 to vector<16xi32>
        %and3A_296 = arith.andi %get3A_293, %and3A_295 : vector<16xi32>
        %swap3A_297 = arith.index_cast %rem3A_270 : i32 to index
        %swap3A_298 = arith.constant 0 : index
        %swap3A_299 = tpu.vector_load %arg7[%swap3A_297, %swap3A_298] {strides = array<i32>} : memref<3x80xi32, #tpu.memory_space<vmem>>, vector<1x16xi32>,
        %swap3A_300 = vector.shape_cast %swap3A_299 : vector<1x16xi32> to vector<16xi32>
        %swap3A_301 = vector.shape_cast %and3A_296 : vector<16xi32> to vector<1x16xi32>
        tpu.vector_store %arg7[%swap3A_297, %swap3A_298], %swap3A_301 {strides = array<i32>} : memref<3x80xi32, #tpu.memory_space<vmem>>, vector<1x16xi32>,
        %shift_right_logical3A_302 = arith.constant 16 : i32
        %shift_right_logical3A_303 = vector.broadcast %shift_right_logical3A_302 : i32 to vector<16xi32>
        %shift_right_logical3A_304 = arith.shrui %get3A_293, %shift_right_logical3A_303 : vector<16xi32>
        %swap3A_305 = arith.index_cast %rem3A_270 : i32 to index
        %swap3A_306 = arith.constant 0 : index
        %swap3A_307 = tpu.vector_load %arg8[%swap3A_305, %swap3A_306] {strides = array<i32>} : memref<3x80xi32, #tpu.memory_space<vmem>>, vector<1x16xi32>,
        %swap3A_308 = vector.shape_cast %swap3A_307 : vector<1x16xi32> to vector<16xi32>
        %swap3A_309 = vector.shape_cast %shift_right_logical3A_304 : vector<16xi32> to vector<1x16xi32>
        tpu.vector_store %arg8[%swap3A_305, %swap3A_306], %swap3A_309 {strides = array<i32>} : memref<3x80xi32, #tpu.memory_space<vmem>>, vector<1x16xi32>,
        %get3A_310 = arith.index_cast %sub3A_289 : i32 to index
        %get3A_311 = arith.constant 16 : index
        %get3A_312 = tpu.vector_load %arg6[%get3A_310, %get3A_311] {strides = array<i32>} : memref<125x80xi32, #tpu.memory_space<vmem>>, vector<1x16xi32>,
        %get3A_313 = vector.shape_cast %get3A_312 : vector<1x16xi32> to vector<16xi32>
        %and3A_314 = arith.constant 65535 : i32
        %and3A_315 = vector.broadcast %and3A_314 : i32 to vector<16xi32>
        %and3A_316 = arith.andi %get3A_313, %and3A_315 : vector<16xi32>
        %swap3A_317 = arith.index_cast %rem3A_270 : i32 to index
        %swap3A_318 = arith.constant 16 : index
        %swap3A_319 = tpu.vector_load %arg7[%swap3A_317, %swap3A_318] {strides = array<i32>} : memref<3x80xi32, #tpu.memory_space<vmem>>, vector<1x16xi32>,
        %swap3A_320 = vector.shape_cast %swap3A_319 : vector<1x16xi32> to vector<16xi32>
        %swap3A_321 = vector.shape_cast %and3A_316 : vector<16xi32> to vector<1x16xi32>
        tpu.vector_store %arg7[%swap3A_317, %swap3A_318], %swap3A_321 {strides = array<i32>} : memref<3x80xi32, #tpu.memory_space<vmem>>, vector<1x16xi32>,
        %shift_right_logical3A_322 = arith.constant 16 : i32
        %shift_right_logical3A_323 = vector.broadcast %shift_right_logical3A_322 : i32 to vector<16xi32>
        %shift_right_logical3A_324 = arith.shrui %get3A_313, %shift_right_logical3A_323 : vector<16xi32>
        %swap3A_325 = arith.index_cast %rem3A_270 : i32 to index
        %swap3A_326 = arith.constant 16 : index
        %swap3A_327 = tpu.vector_load %arg8[%swap3A_325, %swap3A_326] {strides = array<i32>} : memref<3x80xi32, #tpu.memory_space<vmem>>, vector<1x16xi32>,
        %swap3A_328 = vector.shape_cast %swap3A_327 : vector<1x16xi32> to vector<16xi32>
        %swap3A_329 = vector.shape_cast %shift_right_logical3A_324 : vector<16xi32> to vector<1x16xi32>
        tpu.vector_store %arg8[%swap3A_325, %swap3A_326], %swap3A_329 {strides = array<i32>} : memref<3x80xi32, #tpu.memory_space<vmem>>, vector<1x16xi32>,
        %get3A_330 = arith.index_cast %sub3A_289 : i32 to index
        %get3A_331 = arith.constant 32 : index
        %get3A_332 = tpu.vector_load %arg6[%get3A_330, %get3A_331] {strides = array<i32>} : memref<125x80xi32, #tpu.memory_space<vmem>>, vector<1x16xi32>,
        %get3A_333 = vector.shape_cast %get3A_332 : vector<1x16xi32> to vector<16xi32>
        %and3A_334 = arith.constant 65535 : i32
        %and3A_335 = vector.broadcast %and3A_334 : i32 to vector<16xi32>
        %and3A_336 = arith.andi %get3A_333, %and3A_335 : vector<16xi32>
        %swap3A_337 = arith.index_cast %rem3A_270 : i32 to index
        %swap3A_338 = arith.constant 32 : index
        %swap3A_339 = tpu.vector_load %arg7[%swap3A_337, %swap3A_338] {strides = array<i32>} : memref<3x80xi32, #tpu.memory_space<vmem>>, vector<1x16xi32>,
        %swap3A_340 = vector.shape_cast %swap3A_339 : vector<1x16xi32> to vector<16xi32>
        %swap3A_341 = vector.shape_cast %and3A_336 : vector<16xi32> to vector<1x16xi32>
        tpu.vector_store %arg7[%swap3A_337, %swap3A_338], %swap3A_341 {strides = array<i32>} : memref<3x80xi32, #tpu.memory_space<vmem>>, vector<1x16xi32>,
        %shift_right_logical3A_342 = arith.constant 16 : i32
        %shift_right_logical3A_343 = vector.broadcast %shift_right_logical3A_342 : i32 to vector<16xi32>
        %shift_right_logical3A_344 = arith.shrui %get3A_333, %shift_right_logical3A_343 : vector<16xi32>
        %swap3A_345 = arith.index_cast %rem3A_270 : i32 to index
        %swap3A_346 = arith.constant 32 : index
        %swap3A_347 = tpu.vector_load %arg8[%swap3A_345, %swap3A_346] {strides = array<i32>} : memref<3x80xi32, #tpu.memory_space<vmem>>, vector<1x16xi32>,
        %swap3A_348 = vector.shape_cast %swap3A_347 : vector<1x16xi32> to vector<16xi32>
        %swap3A_349 = vector.shape_cast %shift_right_logical3A_344 : vector<16xi32> to vector<1x16xi32>
        tpu.vector_store %arg8[%swap3A_345, %swap3A_346], %swap3A_349 {strides = array<i32>} : memref<3x80xi32, #tpu.memory_space<vmem>>, vector<1x16xi32>,
        %get3A_350 = arith.index_cast %sub3A_289 : i32 to index
        %get3A_351 = arith.constant 48 : index
        %get3A_352 = tpu.vector_load %arg6[%get3A_350, %get3A_351] {strides = array<i32>} : memref<125x80xi32, #tpu.memory_space<vmem>>, vector<1x16xi32>,
        %get3A_353 = vector.shape_cast %get3A_352 : vector<1x16xi32> to vector<16xi32>
        %and3A_354 = arith.constant 65535 : i32
        %and3A_355 = vector.broadcast %and3A_354 : i32 to vector<16xi32>
        %and3A_356 = arith.andi %get3A_353, %and3A_355 : vector<16xi32>
        %swap3A_357 = arith.index_cast %rem3A_270 : i32 to index
        %swap3A_358 = arith.constant 48 : index
        %swap3A_359 = tpu.vector_load %arg7[%swap3A_357, %swap3A_358] {strides = array<i32>} : memref<3x80xi32, #tpu.memory_space<vmem>>, vector<1x16xi32>,
        %swap3A_360 = vector.shape_cast %swap3A_359 : vector<1x16xi32> to vector<16xi32>
        %swap3A_361 = vector.shape_cast %and3A_356 : vector<16xi32> to vector<1x16xi32>
        tpu.vector_store %arg7[%swap3A_357, %swap3A_358], %swap3A_361 {strides = array<i32>} : memref<3x80xi32, #tpu.memory_space<vmem>>, vector<1x16xi32>,
        %shift_right_logical3A_362 = arith.constant 16 : i32
        %shift_right_logical3A_363 = vector.broadcast %shift_right_logical3A_362 : i32 to vector<16xi32>
        %shift_right_logical3A_364 = arith.shrui %get3A_353, %shift_right_logical3A_363 : vector<16xi32>
        %swap3A_365 = arith.index_cast %rem3A_270 : i32 to index
        %swap3A_366 = arith.constant 48 : index
        %swap3A_367 = tpu.vector_load %arg8[%swap3A_365, %swap3A_366] {strides = array<i32>} : memref<3x80xi32, #tpu.memory_space<vmem>>, vector<1x16xi32>,
        %swap3A_368 = vector.shape_cast %swap3A_367 : vector<1x16xi32> to vector<16xi32>
        %swap3A_369 = vector.shape_cast %shift_right_logical3A_364 : vector<16xi32> to vector<1x16xi32>
        tpu.vector_store %arg8[%swap3A_365, %swap3A_366], %swap3A_369 {strides = array<i32>} : memref<3x80xi32, #tpu.memory_space<vmem>>, vector<1x16xi32>,
        %get3A_370 = arith.index_cast %sub3A_289 : i32 to index
        %get3A_371 = arith.constant 64 : index
        %get3A_372 = tpu.vector_load %arg6[%get3A_370, %get3A_371] {strides = array<i32>} : memref<125x80xi32, #tpu.memory_space<vmem>>, vector<1x16xi32>,
        %get3A_373 = vector.shape_cast %get3A_372 : vector<1x16xi32> to vector<16xi32>
        %and3A_374 = arith.constant 65535 : i32
        %and3A_375 = vector.broadcast %and3A_374 : i32 to vector<16xi32>
        %and3A_376 = arith.andi %get3A_373, %and3A_375 : vector<16xi32>
        %swap3A_377 = arith.index_cast %rem3A_270 : i32 to index
        %swap3A_378 = arith.constant 64 : index
        %swap3A_379 = tpu.vector_load %arg7[%swap3A_377, %swap3A_378] {strides = array<i32>} : memref<3x80xi32, #tpu.memory_space<vmem>>, vector<1x16xi32>,
        %swap3A_380 = vector.shape_cast %swap3A_379 : vector<1x16xi32> to vector<16xi32>
        %swap3A_381 = vector.shape_cast %and3A_376 : vector<16xi32> to vector<1x16xi32>
        tpu.vector_store %arg7[%swap3A_377, %swap3A_378], %swap3A_381 {strides = array<i32>} : memref<3x80xi32, #tpu.memory_space<vmem>>, vector<1x16xi32>,
        %shift_right_logical3A_382 = arith.constant 16 : i32
        %shift_right_logical3A_383 = vector.broadcast %shift_right_logical3A_382 : i32 to vector<16xi32>
        %shift_right_logical3A_384 = arith.shrui %get3A_373, %shift_right_logical3A_383 : vector<16xi32>
        %swap3A_385 = arith.index_cast %rem3A_270 : i32 to index
        %swap3A_386 = arith.constant 64 : index
        %swap3A_387 = tpu.vector_load %arg8[%swap3A_385, %swap3A_386] {strides = array<i32>} : memref<3x80xi32, #tpu.memory_space<vmem>>, vector<1x16xi32>,
        %swap3A_388 = vector.shape_cast %swap3A_387 : vector<1x16xi32> to vector<16xi32>
        %swap3A_389 = vector.shape_cast %shift_right_logical3A_384 : vector<16xi32> to vector<1x16xi32>
        tpu.vector_store %arg8[%swap3A_385, %swap3A_386], %swap3A_389 {strides = array<i32>} : memref<3x80xi32, #tpu.memory_space<vmem>>, vector<1x16xi32>,
        %dma_start3A_390 = arith.constant 0 : i32
        %dma_start3A_391 = arith.constant 0 : i32
        %dma_start3A_392 = tpu.memref_slice %arg9[%rem3A_270, %dma_start3A_390, %dma_start3A_391] : memref<3x80x128xf32, #tpu.memory_space<vmem>> -> memref<1x80x128xf32, #tpu.memory_space<vmem>>
        %dma_start3A_393 = tpu.memref_squeeze %dma_start3A_392 : memref<1x80x128xf32, #tpu.memory_space<vmem>> -> memref<80x128xf32, #tpu.memory_space<vmem>>
        %dma_start3A_394 = arith.constant 0 : i32
        %dma_start3A_395 = tpu.memref_slice %arg7[%rem3A_270, %dma_start3A_394] : memref<3x80xi32, #tpu.memory_space<vmem>> -> memref<1x80xi32, #tpu.memory_space<vmem>>
        %dma_start3A_396 = tpu.memref_squeeze %dma_start3A_395 : memref<1x80xi32, #tpu.memory_space<vmem>> -> memref<80xi32, #tpu.memory_space<vmem>>
        %dma_start3A_397 = arith.constant 0 : i32
        %dma_start3A_398 = arith.constant 0 : i32
        %dma_start3A_399 = tpu.memref_slice %arg2[%dma_start3A_397, %dma_start3A_398] : memref<10000x128xf32, #tpu.memory_space<hbm>> -> memref<10000x128xf32, #tpu.memory_space<hbm>>
        tpu.enqueue_indirect_dma source(%dma_start3A_399 : memref<10000x128xf32, #tpu.memory_space<hbm>>) target(%dma_start3A_393 : memref<80x128xf32, #tpu.memory_space<vmem>>) offsets(%dma_start3A_396 : memref<80xi32, #tpu.memory_space<vmem>>) semaphore(%arg11 : memref<!tpu.dma_semaphore, #tpu.memory_space<semaphore_mem>>)
      } else {
      }
      "tpu.region"() ({
        %run_scoped3A = tpu.sem_alloc : memref<!tpu.dma_semaphore, #tpu.memory_space<semaphore_mem>>
        %dma_start3A_286 = arith.constant 0 : i32
        %dma_start3A_287 = arith.constant 0 : i32
        %dma_start3A_288 = tpu.memref_slice %arg9[%rem3A_265, %dma_start3A_286, %dma_start3A_287] : memref<3x80x128xf32, #tpu.memory_space<vmem>> -> memref<1x80x128xf32, #tpu.memory_space<vmem>>
        %dma_start3A_289 = tpu.memref_squeeze %dma_start3A_288 : memref<1x80x128xf32, #tpu.memory_space<vmem>> -> memref<80x128xf32, #tpu.memory_space<vmem>>
        %dma_start3A_290 = arith.constant 0 : i32
        %dma_start3A_291 = tpu.memref_slice %arg8[%rem3A_265, %dma_start3A_290] : memref<3x80xi32, #tpu.memory_space<vmem>> -> memref<1x80xi32, #tpu.memory_space<vmem>>
        %dma_start3A_292 = tpu.memref_squeeze %dma_start3A_291 : memref<1x80xi32, #tpu.memory_space<vmem>> -> memref<80xi32, #tpu.memory_space<vmem>>
        %dma_start3A_293 = arith.constant 0 : i32
        %dma_start3A_294 = arith.constant 0 : i32
        %dma_start3A_295 = tpu.memref_slice %arg10[%dma_start3A_293, %dma_start3A_294] : memref<10112x128xf32, #tpu.memory_space<vmem_shared>> -> memref<10112x128xf32, #tpu.memory_space<vmem_shared>>
        tpu.enqueue_indirect_dma source(%dma_start3A_289 : memref<80x128xf32, #tpu.memory_space<vmem>>) target(%dma_start3A_295 : memref<10112x128xf32, #tpu.memory_space<vmem_shared>>) offsets(%dma_start3A_292 : memref<80xi32, #tpu.memory_space<vmem>>) semaphore(%run_scoped3A : memref<!tpu.dma_semaphore, #tpu.memory_space<semaphore_mem>>) {add = true}
        %dma_wait3A_296 = arith.constant 0 : i32
        %dma_wait3A_297 = arith.constant 0 : i32
        %dma_wait3A_298 = tpu.memref_slice %arg9[%rem3A_265, %dma_wait3A_296, %dma_wait3A_297] : memref<3x80x128xf32, #tpu.memory_space<vmem>> -> memref<1x80x128xf32, #tpu.memory_space<vmem>>
        %dma_wait3A_299 = tpu.memref_squeeze %dma_wait3A_298 : memref<1x80x128xf32, #tpu.memory_space<vmem>> -> memref<80x128xf32, #tpu.memory_space<vmem>>
        %dma_wait3A_300 = arith.constant 0 : i32
        %dma_wait3A_301 = tpu.memref_slice %arg8[%rem3A_265, %dma_wait3A_300] : memref<3x80xi32, #tpu.memory_space<vmem>> -> memref<1x80xi32, #tpu.memory_space<vmem>>
        %dma_wait3A_302 = tpu.memref_squeeze %dma_wait3A_301 : memref<1x80xi32, #tpu.memory_space<vmem>> -> memref<80xi32, #tpu.memory_space<vmem>>
        %dma_wait3A_303 = arith.constant 0 : i32
        %dma_wait3A_304 = arith.constant 0 : i32
        %dma_wait3A_305 = tpu.memref_slice %arg10[%dma_wait3A_303, %dma_wait3A_304] : memref<10112x128xf32, #tpu.memory_space<vmem_shared>> -> memref<10112x128xf32, #tpu.memory_space<vmem_shared>>
        tpu.wait_indirect_dma semaphore(%run_scoped3A : memref<!tpu.dma_semaphore, #tpu.memory_space<semaphore_mem>>) src(%dma_wait3A_299 : memref<80x128xf32, #tpu.memory_space<vmem>>) dst(%dma_wait3A_305 : memref<10112x128xf32, #tpu.memory_space<vmem_shared>>)
        tpu.yield
      }) : () -> ()
    }
    %scan3A_258 = arith.constant 125 : i32
    %barrier3A_259 = arith.constant 0 : index
    tpu.barrier barrier_id(%barrier3A_259)
    %mul3A_260 = arith.constant 632 : i32
    %mul3A_261 = arith.muli %arg1, %mul3A_260 : i32
    %mul3A_262 = arith.constant 632 : i32
    %mul3A_263 = arith.muli %arg1, %mul3A_262 : i32
    "tpu.region"() ({
      %run_scoped3A = tpu.sem_alloc : memref<!tpu.dma_semaphore, #tpu.memory_space<semaphore_mem>>
      %dma_start3A_264 = arith.constant 0 : i32
      %dma_start3A_265 = tpu.memref_slice %arg5[%arg0, %mul3A_263, %dma_start3A_264] : memref<2x10112x128xf32, #tpu.memory_space<hbm>> -> memref<1x632x128xf32, #tpu.memory_space<hbm>>
      %dma_start3A_266 = tpu.memref_squeeze %dma_start3A_265 : memref<1x632x128xf32, #tpu.memory_space<hbm>> -> memref<632x128xf32, #tpu.memory_space<hbm>>
      %dma_start3A_267 = arith.constant 0 : i32
      %dma_start3A_268 = tpu.memref_slice %arg10[%mul3A_261, %dma_start3A_267] : memref<10112x128xf32, #tpu.memory_space<vmem_shared>> -> memref<632x128xf32, #tpu.memory_space<vmem_shared>>
      tpu.enqueue_dma source(%dma_start3A_268 : memref<632x128xf32, #tpu.memory_space<vmem_shared>>) target(%dma_start3A_266 : memref<632x128xf32, #tpu.memory_space<hbm>>) target_semaphore(%run_scoped3A : memref<!tpu.dma_semaphore, #tpu.memory_space<semaphore_mem>>)
      %dma_wait3A = arith.constant 0 : i32
      %dma_wait3A_269 = tpu.memref_slice %arg5[%arg0, %mul3A_263, %dma_wait3A] : memref<2x10112x128xf32, #tpu.memory_space<hbm>> -> memref<1x632x128xf32, #tpu.memory_space<hbm>>
      %dma_wait3A_270 = tpu.memref_squeeze %dma_wait3A_269 : memref<1x632x128xf32, #tpu.memory_space<hbm>> -> memref<632x128xf32, #tpu.memory_space<hbm>>
      %dma_wait3A_271 = arith.constant 0 : i32
      %dma_wait3A_272 = tpu.memref_slice %arg10[%mul3A_261, %dma_wait3A_271] : memref<10112x128xf32, #tpu.memory_space<vmem_shared>> -> memref<632x128xf32, #tpu.memory_space<vmem_shared>>
      tpu.wait_dma2 semaphore(%run_scoped3A : memref<!tpu.dma_semaphore, #tpu.memory_space<semaphore_mem>>) src(%dma_wait3A_272 : memref<632x128xf32, #tpu.memory_space<vmem_shared>>) dst(%dma_wait3A_270 : memref<632x128xf32, #tpu.memory_space<hbm>>)
      tpu.yield
    }) : () -> ()
    return
  }
}

module attributes {stable_mosaic.version = 14 : i64} {
  func.func @_layer_body(%arg0: memref<10000x128xf32, #tpu.memory_space<vmem>>, %arg1: memref<2x10112x128xf32, #tpu.memory_space<vmem>>, %arg2: memref<128x128xf32, #tpu.memory_space<vmem>>, %arg3: memref<1x128xf32, #tpu.memory_space<vmem>>, %arg4: memref<128x128xf32, #tpu.memory_space<vmem>>, %arg5: memref<1x128xf32, #tpu.memory_space<vmem>>, %arg6: memref<1x128xf32, #tpu.memory_space<vmem>>, %arg7: memref<1x128xf32, #tpu.memory_space<vmem>>, %arg8: memref<10000x128xf32, #tpu.memory_space<vmem>>) attributes {dimension_semantics = [], scalar_prefetch = 0 : i64, scratch_operands = 0 : i64, tpu.core_type = #tpu.core_type<tc>} {
    %get3A = arith.constant 0 : index
    %get3A_0 = arith.constant 0 : index
    %get3A_1 = vector.load %arg0[%get3A, %get3A_0] : memref<10000x128xf32, #tpu.memory_space<vmem>>, vector<10000x128xf32>
    %get3A_2 = arith.constant 0 : index
    %get3A_3 = arith.constant 0 : index
    %get3A_4 = arith.constant 0 : index
    %get3A_5 = vector.load %arg1[%get3A_2, %get3A_3, %get3A_4] : memref<2x10112x128xf32, #tpu.memory_space<vmem>>, vector<1x10000x128xf32>
    %get3A_6 = vector.shape_cast %get3A_5 : vector<1x10000x128xf32> to vector<10000x128xf32>
    %add3A = arith.addf %get3A_1, %get3A_6 : vector<10000x128xf32>
    %get3A_7 = arith.constant 1 : index
    %get3A_8 = arith.constant 0 : index
    %get3A_9 = arith.constant 0 : index
    %get3A_10 = vector.load %arg1[%get3A_7, %get3A_8, %get3A_9] : memref<2x10112x128xf32, #tpu.memory_space<vmem>>, vector<1x10000x128xf32>
    %get3A_11 = vector.shape_cast %get3A_10 : vector<1x10000x128xf32> to vector<10000x128xf32>
    %add3A_12 = arith.addf %add3A, %get3A_11 : vector<10000x128xf32>
    %get3A_13 = arith.constant 0 : index
    %get3A_14 = arith.constant 0 : index
    %get3A_15 = vector.load %arg2[%get3A_13, %get3A_14] : memref<128x128xf32, #tpu.memory_space<vmem>>, vector<128x128xf32>
    %dot_general3A = arith.constant dense<0.000000e+00> : vector<10000x128xf32>
    %dot_general3A_16 = tpu.matmul %add3A_12, %get3A_15, %dot_general3A {dimension_numbers = #tpu.dot_dimension_numbers<[1], [0], [0], [1], [0, 0, 1, 1], [], []>, transpose_lhs_hint = false} : vector<10000x128xf32>, vector<128x128xf32>, vector<10000x128xf32> -> vector<10000x128xf32>
    %get3A_17 = arith.constant 0 : index
    %get3A_18 = arith.constant 0 : index
    %get3A_19 = vector.load %arg3[%get3A_17, %get3A_18] : memref<1x128xf32, #tpu.memory_space<vmem>>, vector<1x128xf32>
    %add3A_20 = vector.broadcast %get3A_19 : vector<1x128xf32> to vector<10000x128xf32>
    %add3A_21 = arith.addf %dot_general3A_16, %add3A_20 : vector<10000x128xf32>
    %max3A = arith.constant 0.000000e+00 : f32
    %max3A_22 = vector.broadcast %max3A : f32 to vector<10000x128xf32>
    %max3A_23 = arith.maximumf %add3A_21, %max3A_22 : vector<10000x128xf32>
    %get3A_24 = arith.constant 0 : index
    %get3A_25 = arith.constant 0 : index
    %get3A_26 = vector.load %arg4[%get3A_24, %get3A_25] : memref<128x128xf32, #tpu.memory_space<vmem>>, vector<128x128xf32>
    %dot_general3A_27 = arith.constant dense<0.000000e+00> : vector<10000x128xf32>
    %dot_general3A_28 = tpu.matmul %max3A_23, %get3A_26, %dot_general3A_27 {dimension_numbers = #tpu.dot_dimension_numbers<[1], [0], [0], [1], [0, 0, 1, 1], [], []>, transpose_lhs_hint = false} : vector<10000x128xf32>, vector<128x128xf32>, vector<10000x128xf32> -> vector<10000x128xf32>
    %get3A_29 = arith.constant 0 : index
    %get3A_30 = arith.constant 0 : index
    %get3A_31 = vector.load %arg5[%get3A_29, %get3A_30] : memref<1x128xf32, #tpu.memory_space<vmem>>, vector<1x128xf32>
    %add3A_32 = vector.broadcast %get3A_31 : vector<1x128xf32> to vector<10000x128xf32>
    %add3A_33 = arith.addf %dot_general3A_28, %add3A_32 : vector<10000x128xf32>
    %reduce_sum3A = arith.constant dense<0.000000e+00> : vector<128xf32>
    %reduce_sum3A_34 = vector.multi_reduction <add>, %add3A_33, %reduce_sum3A [0] : vector<10000x128xf32> to vector<128xf32>
    %broadcast_in_dim3A = vector.shape_cast %reduce_sum3A_34 : vector<128xf32> to vector<1x128xf32>
    %div3A = arith.constant 1.000000e+04 : f32
    %div3A_35 = vector.broadcast %div3A : f32 to vector<1x128xf32>
    %div3A_36 = arith.divf %broadcast_in_dim3A, %div3A_35 : vector<1x128xf32>
    %sub3A = vector.broadcast %div3A_36 : vector<1x128xf32> to vector<10000x128xf32>
    %sub3A_37 = arith.subf %add3A_33, %sub3A : vector<10000x128xf32>
    %mul3A = arith.mulf %sub3A_37, %sub3A_37 : vector<10000x128xf32>
    %reduce_sum3A_38 = arith.constant dense<0.000000e+00> : vector<128xf32>
    %reduce_sum3A_39 = vector.multi_reduction <add>, %mul3A, %reduce_sum3A_38 [0] : vector<10000x128xf32> to vector<128xf32>
    %broadcast_in_dim3A_40 = vector.shape_cast %reduce_sum3A_39 : vector<128xf32> to vector<1x128xf32>
    %div3A_41 = arith.constant 1.000000e+04 : f32
    %div3A_42 = vector.broadcast %div3A_41 : f32 to vector<1x128xf32>
    %div3A_43 = arith.divf %broadcast_in_dim3A_40, %div3A_42 : vector<1x128xf32>
    %add3A_44 = arith.constant 9.99999974E-6 : f32
    %add3A_45 = vector.broadcast %add3A_44 : f32 to vector<1x128xf32>
    %add3A_46 = arith.addf %div3A_43, %add3A_45 : vector<1x128xf32>
    %rsqrt3A = math.rsqrt %add3A_46 : vector<1x128xf32>
    %mul3A_47 = vector.broadcast %rsqrt3A : vector<1x128xf32> to vector<10000x128xf32>
    %mul3A_48 = arith.mulf %sub3A_37, %mul3A_47 : vector<10000x128xf32>
    %get3A_49 = arith.constant 0 : index
    %get3A_50 = arith.constant 0 : index
    %get3A_51 = vector.load %arg6[%get3A_49, %get3A_50] : memref<1x128xf32, #tpu.memory_space<vmem>>, vector<1x128xf32>
    %mul3A_52 = vector.broadcast %get3A_51 : vector<1x128xf32> to vector<10000x128xf32>
    %mul3A_53 = arith.mulf %mul3A_48, %mul3A_52 : vector<10000x128xf32>
    %get3A_54 = arith.constant 0 : index
    %get3A_55 = arith.constant 0 : index
    %get3A_56 = vector.load %arg7[%get3A_54, %get3A_55] : memref<1x128xf32, #tpu.memory_space<vmem>>, vector<1x128xf32>
    %add3A_57 = vector.broadcast %get3A_56 : vector<1x128xf32> to vector<10000x128xf32>
    %add3A_58 = arith.addf %mul3A_53, %add3A_57 : vector<10000x128xf32>
    %max3A_59 = arith.constant 0.000000e+00 : f32
    %max3A_60 = vector.broadcast %max3A_59 : f32 to vector<10000x128xf32>
    %max3A_61 = arith.maximumf %add3A_58, %max3A_60 : vector<10000x128xf32>
    %swap3A = arith.constant 0 : index
    %swap3A_62 = arith.constant 0 : index
    %swap3A_63 = vector.load %arg8[%swap3A, %swap3A_62] : memref<10000x128xf32, #tpu.memory_space<vmem>>, vector<10000x128xf32>
    tpu.vector_store %arg8[%swap3A, %swap3A_62], %max3A_61 {strides = array<i32>} : memref<10000x128xf32, #tpu.memory_space<vmem>>, vector<10000x128xf32>,
    return
  }
}

module attributes {stable_mosaic.version = 14 : i64} {
  func.func @_pool_body(%arg0: memref<10000x128xf32, #tpu.memory_space<vmem>>, %arg1: memref<1x10000xi32, #tpu.memory_space<vmem>>, %arg2: memref<64x128xf32, #tpu.memory_space<vmem>>) attributes {dimension_semantics = [], scalar_prefetch = 0 : i64, scratch_operands = 0 : i64, tpu.core_type = #tpu.core_type<tc>} {
    %get3A = arith.constant 0 : index
    %get3A_0 = arith.constant 0 : index
    %get3A_1 = vector.load %arg1[%get3A, %get3A_0] : memref<1x10000xi32, #tpu.memory_space<vmem>>, vector<1x10000xi32>
    %iota3A = tpu.iota {dimensions = array<i32: 0>} : vector<64x10000xi32>
    %eq3A = vector.broadcast %get3A_1 : vector<1x10000xi32> to vector<64x10000xi32>
    %eq3A_2 = arith.cmpi eq, %eq3A, %iota3A : vector<64x10000xi32>
    %jit3A = arith.constant 1.000000e+00 : f32
    %jit3A_3 = arith.constant 0.000000e+00 : f32
    %broadcast_in_dim3A = vector.broadcast %jit3A : f32 to vector<64x10000xf32>
    %broadcast_in_dim3A_4 = vector.broadcast %jit3A_3 : f32 to vector<64x10000xf32>
    %select_n3A = arith.select %eq3A_2, %broadcast_in_dim3A, %broadcast_in_dim3A_4 : vector<64x10000xi1>, vector<64x10000xf32>
    %reduce_sum3A = arith.constant dense<0.000000e+00> : vector<64xf32>
    %reduce_sum3A_5 = vector.multi_reduction <add>, %select_n3A, %reduce_sum3A [1] : vector<64x10000xf32> to vector<64xf32>
    %broadcast_in_dim3A_6 = vector.shape_cast %reduce_sum3A_5 : vector<64xf32> to vector<64x1xf32>
    %max3A = arith.constant 1.000000e+00 : f32
    %max3A_7 = vector.broadcast %max3A : f32 to vector<64x1xf32>
    %max3A_8 = arith.maximumf %broadcast_in_dim3A_6, %max3A_7 : vector<64x1xf32>
    %div3A = arith.constant 1.000000e+00 : f32
    %div3A_9 = vector.broadcast %div3A : f32 to vector<64x1xf32>
    %div3A_10 = arith.divf %div3A_9, %max3A_8 : vector<64x1xf32>
    %get3A_11 = arith.constant 0 : index
    %get3A_12 = arith.constant 0 : index
    %get3A_13 = vector.load %arg0[%get3A_11, %get3A_12] : memref<10000x128xf32, #tpu.memory_space<vmem>>, vector<10000x128xf32>
    %dot_general3A = arith.constant dense<0.000000e+00> : vector<64x128xf32>
    %dot_general3A_14 = tpu.matmul %select_n3A, %get3A_13, %dot_general3A {dimension_numbers = #tpu.dot_dimension_numbers<[1], [0], [0], [1], [0, 0, 1, 1], [], []>, transpose_lhs_hint = false} : vector<64x10000xf32>, vector<10000x128xf32>, vector<64x128xf32> -> vector<64x128xf32>
    %mul3A = vector.broadcast %div3A_10 : vector<64x1xf32> to vector<64x128xf32>
    %mul3A_15 = arith.mulf %dot_general3A_14, %mul3A : vector<64x128xf32>
    %swap3A = arith.constant 0 : index
    %swap3A_16 = arith.constant 0 : index
    %swap3A_17 = vector.load %arg2[%swap3A, %swap3A_16] : memref<64x128xf32, #tpu.memory_space<vmem>>, vector<64x128xf32>
    tpu.vector_store %arg2[%swap3A, %swap3A_16], %mul3A_15 {strides = array<i32>} : memref<64x128xf32, #tpu.memory_space<vmem>>, vector<64x128xf32>,
    return
  }
}

module attributes {stable_mosaic.version = 14 : i64} {
  func.func @_head_body(%arg0: memref<64x128xf32, #tpu.memory_space<vmem>>, %arg1: memref<64x128xf32, #tpu.memory_space<vmem>>, %arg2: memref<64x128xf32, #tpu.memory_space<vmem>>, %arg3: memref<384x64xf32, #tpu.memory_space<vmem>>, %arg4: memref<1x64xf32, #tpu.memory_space<vmem>>, %arg5: memref<64x64xf32, #tpu.memory_space<vmem>>) attributes {dimension_semantics = [], scalar_prefetch = 0 : i64, scratch_operands = 0 : i64, tpu.core_type = #tpu.core_type<tc>} {
    %get3A = arith.constant 0 : index
    %get3A_0 = arith.constant 0 : index
    %get3A_1 = vector.load %arg0[%get3A, %get3A_0] : memref<64x128xf32, #tpu.memory_space<vmem>>, vector<64x128xf32>
    %get3A_2 = arith.constant 0 : index
    %get3A_3 = arith.constant 0 : index
    %get3A_4 = vector.load %arg1[%get3A_2, %get3A_3] : memref<64x128xf32, #tpu.memory_space<vmem>>, vector<64x128xf32>
    %get3A_5 = arith.constant 0 : index
    %get3A_6 = arith.constant 0 : index
    %get3A_7 = vector.load %arg2[%get3A_5, %get3A_6] : memref<64x128xf32, #tpu.memory_space<vmem>>, vector<64x128xf32>
    %concatenate3A = tpu.concatenate %get3A_1, %get3A_4, %get3A_7 in 1 : vector<64x128xf32>, vector<64x128xf32>, vector<64x128xf32> -> vector<64x384xf32>
    %get3A_8 = arith.constant 0 : index
    %get3A_9 = arith.constant 0 : index
    %get3A_10 = vector.load %arg3[%get3A_8, %get3A_9] : memref<384x64xf32, #tpu.memory_space<vmem>>, vector<384x64xf32>
    %dot_general3A = arith.constant dense<0.000000e+00> : vector<64x64xf32>
    %dot_general3A_11 = tpu.matmul %concatenate3A, %get3A_10, %dot_general3A {dimension_numbers = #tpu.dot_dimension_numbers<[1], [0], [0], [1], [0, 0, 1, 1], [], []>, transpose_lhs_hint = false} : vector<64x384xf32>, vector<384x64xf32>, vector<64x64xf32> -> vector<64x64xf32>
    %get3A_12 = arith.constant 0 : index
    %get3A_13 = arith.constant 0 : index
    %get3A_14 = vector.load %arg4[%get3A_12, %get3A_13] : memref<1x64xf32, #tpu.memory_space<vmem>>, vector<1x64xf32>
    %add3A = vector.broadcast %get3A_14 : vector<1x64xf32> to vector<64x64xf32>
    %add3A_15 = arith.addf %dot_general3A_11, %add3A : vector<64x64xf32>
    %mul3A = arith.mulf %add3A_15, %add3A_15 : vector<64x64xf32>
    %reduce_sum3A = arith.constant dense<0.000000e+00> : vector<64xf32>
    %reduce_sum3A_16 = vector.multi_reduction <add>, %mul3A, %reduce_sum3A [1] : vector<64x64xf32> to vector<64xf32>
    %broadcast_in_dim3A = vector.shape_cast %reduce_sum3A_16 : vector<64xf32> to vector<64x1xf32>
    %sqrt3A = math.sqrt %broadcast_in_dim3A : vector<64x1xf32>
    %max3A = arith.constant 9.99999996E-13 : f32
    %max3A_17 = vector.broadcast %max3A : f32 to vector<64x1xf32>
    %max3A_18 = arith.maximumf %sqrt3A, %max3A_17 : vector<64x1xf32>
    %div3A = vector.broadcast %max3A_18 : vector<64x1xf32> to vector<64x64xf32>
    %div3A_19 = arith.divf %add3A_15, %div3A : vector<64x64xf32>
    %swap3A = arith.constant 0 : index
    %swap3A_20 = arith.constant 0 : index
    %swap3A_21 = vector.load %arg5[%swap3A, %swap3A_20] : memref<64x64xf32, #tpu.memory_space<vmem>>, vector<64x64xf32>
    tpu.vector_store %arg5[%swap3A, %swap3A_20], %div3A_19 {strides = array<i32>} : memref<64x64xf32, #tpu.memory_space<vmem>>, vector<64x64xf32>,
    return
  }
}

</mosaic_0001>

<sc_bundles>
// kernel: kernel.12.cloned.1.call-start
scs
__scs_entry_jumppad:
0x0: {  	(pc) =	sbr.rel $0x88, $3  }
0x1: {  	(tag) =	ssettag $0x0;
	lr =	simm.s32 $0x1  }
0x2: {  	[smem:$0x3F8A] =	sst lr;
	_ =	strace $0xD0000000  }
0x3: {  	_ = 	snop  }
0x4: {  	_ = 	snop  }
0x5: {  	_ = 	snop  }
0x6: {  	_ = 	snop  }
0x7: {  	_ = 	snop  }
__scs_overlays_trampoline_lowered:
0x8: {  	[smem:$0x3F99] =	sst s0  }
0x9: {  	[smem:$0x3F9A] =	sst s1  }
0xa: {  	[smem:$0x3F9B] =	sst s2  }
0xb: {  	[smem:$0x3F9C] =	sst s3  }
0xc: {  	[smem:$0x3F9D] =	sst s4  }
0xd: {  	[smem:$0x3F9E] =	sst s5  }
0xe: {  	[smem:$0x3F9F] =	sst s6  }
0xf: {  	[smem:$0x3FA0] =	sst s7  }
0x10: {  	[smem:$0x3FA1] =	sst s8  }
0x11: {  	[smem:$0x3FA2] =	sst s9;
	s0 =	simm.s32 @!p0 $0x0  }
0x12: {  	s1 =	sld [smem:$0x3F88];
	s0 =	simm.s32 @p0 $0x1  }
0x13: {  	[smem:$0x3FA3] =	sst s0;
	s0 =	simm.s32 @!p1 $0x0  }
0x14: {  	s2 =	sld [smem:$0x3F87];
	s0 =	simm.s32 @p1 $0x1  }
0x15: {  	[smem:$0x3FA4] =	sst s0;
	s0 =	simm.s32 @!p2 $0x0  }
0x16: {  	s3 =	sld [smem:$0x3FDB];
	s0 =	simm.s32 @p2 $0x1  }
0x17: {  	s4 =	simm.s32 $0x1BF5;
	[smem:$0x3FA6] =	sst s0  }
0x18: {  	s0 =	sld [smem:$0x3F89];
	_ =	swait.ge [sflag:s4], $0x0  }
0x19: {  	s7 =	sld [smem:$0x3F8A]  }
0x1a: {  	s8 =	sadd.s32 $0xFFFFE003, lr  }
0x1b: {  	s9 =	sadd.s32 $0xFFFFFEF7, lr;
	s5 =	simm.s32 $0xFFFFFFFF;
	p2 =	slt.u32 s8, $0xFFFFF086  }
0x1c: {  	p1 =	slt.u32 s9, $0xF7A;
	s5 =	simm.s32 @!p2 $0x0  }
0x1d: {  	s5 =	simm.s32 @p1 $0x1;
	p0 =	seq.s32 s7, s2  }
0x1e: {  	s7 =	smul.u32 @!p0 $0xF7A, s2;
	p2 =	seq.s32 @!p0 s5, $0x0  }
0x1f: {  	s9 =	smul.u32 $0xF7A, s1;
	s8 =	simm.s32 @!p0 $0x1BF5;
	p2 =	por !p2, p0  }
0x20: {  	[sflag:s8] =	ssyncset.s32 @!p0 $0xFFFFF086;
	s6 =	sadd.s32 @!p0 s3, s7;
	s7 =	simm.s32 @!p0 $0x108  }
0x21: {  	s3 =	sadd.s32 s3, s9;
	s6 =	sadd.s32 @!p0 $0x88, s6;
	s7 =	simm.s32 @p2 $0x1082  }
0x22: {  	[simem:s7], [sflag:s8] =	dma.local @!p0 [hbm:s6], $0xF7A  }
0x23: {  	s9 =	sor.u32 $0xD0000000, s2;
	s6 =	simm.s32 $0x108;
	_ =	swait.ge @!p0 [sflag:s8], $0x0  }
0x24: {  	s3 =	sadd.s32 $0x88, s3;
	s6 =	simm.s32 @!p1 $0x1082;
	[sflag:s4] =	ssyncset.s32 $0xFFFFF086  }
0x25: {  	[simem:s6], [sflag:s4] =	dma.local [hbm:s3], $0xF7A  }
0x26: {  	[smem:$0x3F8A] =	sst s1;
	(tag) =	ssettag s2;
	_ =	strace s9  }
0x27: {  	s1 =	sld [smem:$0x3F9A]  }
0x28: {  	s2 =	sld [smem:$0x3F9B]  }
0x29: {  	s4 =	sld [smem:$0x3F9D]  }
0x2a: {  	p0 =	seq.s32 s5, $0x0;
	s5 =	sld [smem:$0x3F9E]  }
0x2b: {  	s6 =	sld [smem:$0x3F9F]  }
0x2c: {  	s7 =	sld [smem:$0x3FA0]  }
0x2d: {  	s3 =	simm.s32 $0x108;
	s8 =	sld [smem:$0x3FA1]  }
0x2e: {  	s3 =	simm.s32 @!p0 $0x1082;
	s9 =	sld [smem:$0x3FA2]  }
0x2f: {  	lr =	sadd.s32 s0, s3;
	s0 =	sld [smem:$0x3F99]  }
0x30: {  	s3 =	sld [smem:$0x3F9C]  }
0x31: {  	[smem:$0x3FA5] =	sst s10  }
0x32: {  	s10 =	sld [smem:$0x3FA3];
	_ =	sdelay $0x3  }
0x33: {  	p0 =	seq.s32 s10, $0x1;
	s10 =	sld [smem:$0x3FA5];
	_ =	sdelay $0x3  }
0x34: {  	[smem:$0x3FA5] =	sst s10  }
0x35: {  	s10 =	sld [smem:$0x3FA4];
	_ =	sdelay $0x3  }
0x36: {  	p1 =	seq.s32 s10, $0x1;
	s10 =	sld [smem:$0x3FA5];
	_ =	sdelay $0x3  }
0x37: {  	[smem:$0x3FA5] =	sst s10  }
0x38: {  	s10 =	sld [smem:$0x3FA6]  }
0x39: {  	_ = 	snop;
	(pc) =	sbr.ind lr, $3  }
0x3a: {  	_ = 	snop  }
0x3b: {  	_ = 	snop  }
0x3c: {  	p2 =	seq.s32 s10, $0x1;
	s10 =	sld [smem:$0x3FA5]  }
0x3d: {  	_ =	shalt  }
0x3e: {  	_ =	shalt  }
0x3f: {  	_ =	shalt  }
0x40: {  	_ =	shalt  }
0x41: {  	_ =	shalt  }
0x42: {  	_ =	shalt  }
0x43: {  	_ =	shalt  }
0x44: {  	_ =	shalt  }
0x45: {  	_ =	shalt  }
0x46: {  	_ =	shalt  }
0x47: {  	_ =	shalt  }
0x48: {  	_ =	shalt  }
0x49: {  	_ =	shalt  }
0x4a: {  	_ =	shalt  }
0x4b: {  	_ =	shalt  }
0x4c: {  	_ =	shalt  }
0x4d: {  	_ =	shalt  }
0x4e: {  	_ =	shalt  }
0x4f: {  	_ =	shalt  }
0x50: {  	_ =	shalt  }
0x51: {  	_ =	shalt  }
0x52: {  	_ =	shalt  }
0x53: {  	_ =	shalt  }
0x54: {  	_ =	shalt  }
0x55: {  	_ =	shalt  }
0x56: {  	_ =	shalt  }
0x57: {  	_ =	shalt  }
0x58: {  	_ =	shalt  }
0x59: {  	_ =	shalt  }
0x5a: {  	_ =	shalt  }
0x5b: {  	_ =	shalt  }
0x5c: {  	_ =	shalt  }
0x5d: {  	_ =	shalt  }
0x5e: {  	_ =	shalt  }
0x5f: {  	_ =	shalt  }
0x60: {  	_ =	shalt  }
0x61: {  	_ =	shalt  }
0x62: {  	_ =	shalt  }
0x63: {  	_ =	shalt  }
0x64: {  	_ =	shalt  }
0x65: {  	_ =	shalt  }
0x66: {  	_ =	shalt  }
0x67: {  	_ =	shalt  }
0x68: {  	_ =	shalt  }
0x69: {  	_ =	shalt  }
0x6a: {  	_ =	shalt  }
0x6b: {  	_ =	shalt  }
0x6c: {  	_ =	shalt  }
0x6d: {  	_ =	shalt  }
0x6e: {  	_ =	shalt  }
0x6f: {  	_ =	shalt  }
0x70: {  	_ =	shalt  }
0x71: {  	_ =	shalt  }
0x72: {  	_ =	shalt  }
0x73: {  	_ =	shalt  }
0x74: {  	_ =	shalt  }
0x75: {  	_ =	shalt  }
0x76: {  	_ =	shalt  }
0x77: {  	_ =	shalt  }
0x78: {  	_ =	shalt  }
0x79: {  	_ =	shalt  }
0x7a: {  	_ =	shalt  }
0x7b: {  	_ =	shalt  }
0x7c: {  	_ =	shalt  }
0x7d: {  	_ =	shalt  }
0x7e: {  	_ =	shalt  }
0x7f: {  	_ =	shalt  }
0x80: {  	_ =	shalt  }
0x81: {  	_ =	shalt  }
0x82: {  	_ =	shalt  }
0x83: {  	_ =	shalt  }
0x84: {  	_ =	shalt  }
0x85: {  	_ =	shalt  }
0x86: {  	_ =	shalt  }
0x87: {  	_ =	shalt  }
.Lfunc_end0:
.L_simem_size_0:
called_computation_lowered:
.L_overlay_start_0:
0x88: {  	s2 =	sld [smem:$0x3FD9]  }
0x89: {  	s3 =	sld [smem:$0x3FFE];
	_ =	sdelay $0x1  }
0x8a: {  	s1 =	srdreg.scid  }
0x8b: {  	s0 =	sand.u32 $0x1, s1  }
0x8c: {  	s17 =	sshll.u32 s0, $0xA;
	s2 =	sadd.s32 s3, s2  }
0x8d: {  	s2 =	sadd.s32 s2, s17  }
0x8e: {  	[smem:$0x3FB1] =	sst s2  }
0x8f: {  	_ = 	snop  }
0x90: {  	s2 =	sld [smem:$0x3FC9];
	(tm) =	ssettm $0x1  }
0x91: {  	s18 =	sld [smem:$0x3FFB];
	_ =	sdelay $0x3  }
0x92: {  	_ =	strace s18  }
0x93: {  	s3 =	sld [smem:$0x3FFC];
	_ =	sdelay $0x3  }
0x94: {  	_ =	strace s3  }
0x95: {  	s3 =	sld [smem:$0x3FFD];
	_ =	sdelay $0x3  }
0x96: {  	_ =	strace s3  }
0x97: {  	_ =	strace $0x8FFFFFFF  }
0x98: {  	s19 =	sld [smem:$0x3FDB];
	_ =	sdelay $0x1  }
0x99: {  	s4 =	simm.s32 $_scs_section_size  }
0x9a: {  	s5 =	simm.s32 $_size__tile_overlayer_lowered;
	s6 =	simm.s32 $_tile_overlayer_lowered  }
0x9b: {  	s22 =	simm.s32 $0x1BFF;
	s21 =	sshll.u32 s6, $0x1;
	s3 =	sadd.s32 s4, s19  }
0x9c: {  	s7 =	simm.s32 $0x0;
	s20 =	sshll.u32 s5, $0x1;
	s5 =	sadd.s32 s21, s3  }
0x9d: {  	[timem:s7], [sflag:s22] =	dma.local [hbm:s5], s20  }
0x9e: {  	_ =	swait.ge [sflag:s22], s20  }
0x9f: {  	s4 =	ssub.s32 $0x0, s20;
	[sflag:s22] =	ssyncset.done $0x0  }
0xa0: {  	[sflag:s22] =	ssyncadd.s32 s4;
	_ =	sdelay $0x1  }
0xa1: {  	s23 =	simm.s32 $0x1B8B  }
0xa2: {  	_ =	swait.ge [sflag:s23], $0x1  }
0xa3: {  	[sflag:s23] =	ssyncset.done $0x0  }
0xa4: {  	s25 =	simm.s32 $0x1B8E;
	s24 =	sld [smem:$0x3FFE];
	[sflag:s23] =	ssyncadd.s32 $0xFFFFFFFF  }
0xa5: {  	s26 =	simm.s32 $execute0_lowered;
	[smem:$0x3FD2] =	sst s25  }
0xa6: {  	s5 =	sshll.u32 s26, $0x1;
	_ =	strace $0x80000046;
	[dreg:$0x1] =	wrdreg $0xFFFFFFFF  }
0xa7: {  	s28 =	simm.s32 $_size_execute0_lowered;
	s3 =	sadd.s32 s3, s5;
	[dreg:$0x0] =	wrdreg $0x0  }
0xa8: {  	s5 =	sshll.u32 s28, $0x1;
	[dreg:$0x2] =	wrdreg s3  }
0xa9: {  	[dreg:$0x3] =	wrdreg s5  }
0xaa: {  	[dreg:$0x4] =	wrdreg $0xC0  }
0xab: {  	_ =	task [dreg:s7], $0x5FFFF  }
0xac: {  	[dreg:$0x1] =	wrdreg $0xFFFFFFFF  }
0xad: {  	[dreg:$0x0] =	wrdreg $0x60  }
0xae: {  	[dreg:$0x2] =	wrdreg s2  }
0xaf: {  	[dreg:$0x3] =	wrdreg s24  }
0xb0: {  	[dreg:$0x4] =	wrdreg $0xBC000  }
0xb1: {  	[dreg:$0x5] =	wrdreg $0x9  }
0xb2: {  	_ =	task.clear_ibuf [dreg:s7], $0x6FFFF;
	_ =	strace $0x90000046  }
0xb3: {  	s29 =	simm.s32 $0x9;
	_ =	strace $0x80000048  }
0xb4: {  	_ =	swait.ge [sflag:s29], $0x1  }
0xb5: {  	[sflag:s29] =	ssyncadd.s32 $0xFFFFFFFF  }
0xb6: {  	_ =	strace $0x90000048  }
0xb7: {  	_ =	sfence  }
0xb8: {  	s30 =	sld [smem:$0x0];
	_ =	sdelay $0x2  }
0xb9: {  	s31 =	sshll.u32 s1, $0xD;
	s1 =	sshrl.u32 s1, $0x2  }
0xba: {  	s3 =	sand.u32 $0x4000, s31;
	s1 =	sadd.s32 s1, s30  }
0xbb: {  	s0 =	sor.u32 s3, s0;
	s1 =	sshll.u32 s1, $0x11  }
0xbc: {  	s0 =	sor.u32 s1, s0  }
0xbd: {  	s0 =	sadd.s32 $0x8F2B, s0  }
0xbe: {  	[sflag:s0] =	ssyncadd.remote.s32 $0x1  }
0xbf: {  	_ =	sfence.sel $0xFFFF  }
0xc0: {  	[dreg:$0x0] =	wrdreg $0xFFFFFFFF;
	(pc) =	sbr.abs _section_cstart, $3  }
0xc1: {  	[dreg:$0x1] =	wrdreg $0xFFFFFFFF  }
0xc2: {  	_ =	task.clear_ibuf [dreg:s7], $0x2FFFF;
	_ =	strace $0x9FFFFFFF  }
0xc3: {  	(tm) =	ssettm $0x7FFFFFFF  }
tec
execute0_lowered:
.L_overlay_start_1:
0x0: {  	(tag) =	ssettag $0x1  }
0x1: {  	s1 =	rddreg [dreg:$0x0]  }
0x2: {  	s5 =	rddreg [dreg:$0x1]  }
0x3: {  	s3 =	rddreg [dreg:$0x2]  }
0x4: {  	s6 =	srdreg.scid;
	s0 =	stileid.u32  }
0x5: {  	s4 =	simm.s32 $0x0;
	s14 =	simm.s32 $0x4400;
	s15 =	simm.s32 $0x4080  }
0x6: {  	s16 =	simm.s32 $0x6C00;
	s17 =	simm.s32 $0x1;
	s18 =	simm.s32 $0x0  }
0x7: {  	s6 =	sand.u32 $0x1, s6;
	s7 =	smul.u32 $0x13C00, s0;
	[smem:$0x7FF] =	sst s4  }
0x8: {  	s28 =	smul.u32 $0x4F000, s0;
	s30 =	sshll.u32 s0, $0x6;
	s31 =	sshll.u32 s0, $0xC  }
0x9: {  	s8 =	sshll.u32 s6, $0xB;
	s9 =	smul.u32 $0x13C000, s6;
	_ =	strace $0x80000047  }
0xa: {  	s6 =	ssub.s32 $0x2, s6;
	s8 =	sadd.s32 s8, s5;
	s10 =	sshrl.u32 s7, $0x3  }
0xb: {  	s11 =	sshrl.u32 s6, $0x1;
	s29 =	sshrl.u32 s28, $0x2;
	s7 =	sadd.s32 s7, s9  }
0xc: {  	s10 =	sadd.s32 s10, s5;
	s11 =	ssub.s32 s6, s11;
	s13 =	sadd.s32 s29, s3  }
0xd: {  	s6 =	sor.u32 $0x1C02, s30;
	s7 =	sshrl.u32 s7, $0x3;
	s9 =	smax.u32 s11, $0x1  }
0xe: {  	s11 =	simm.s32 $0x2;
	s12 =	sadd.s32 s7, s5;
	s5 =	sadd.s32 $0x10C00, s10  }
0xf: {  	s7 =	sadd.s32 s31, s8;
	s10 =	sshrl.u32 s13, $0x3;
	s13 =	simm.s32 $0x4000  }
0x10: {  	s7 =	sadd.s32 $0xC00, s7;
	s8 =	sadd.s32 $0x38400, s12;
	s12 =	simm.s32 $0x50  }
.LBB2_1:
0x11: {  	[spmem:s10], [sflag:s6] =	dma.local [hbm:s5], $0x2780  }
0x12: {  	_ =	swait.ge [sflag:s11], $0x2780  }
0x13: {  	[sflag:s11] =	ssyncset.done $0x0  }
0x14: {  	[sflag:s11] =	ssyncadd.s32 $0xFFFFD880  }
0x15: {  	[tilespmem:s4], [sflag:$0x2] =	stream.linear.gather [hbm4b:s7+s4], $0x3E80, $0x38;
	[tilespmem:$0x1F800] =	vst v63  }
0x16: {  	_ =	swait.ge [sflag:s11], $0x3E80  }
0x17: {  	[sflag:s11] =	ssyncset.done $0x0  }
0x18: {  	[sflag:s11] =	ssyncadd.s32 $0xFFFFC180  }
0x19: {  	[bflag:$0x0] =	sbarrier.arrive $0xFFFF  }
0x1a: {  	v0 =	vld [tilespmem:$0x0];
	_ =	sdelay $0x1  }
0x1b: {  	v1 =	vld [tilespmem:$0x10];
	_ =	sdelay $0x1  }
0x1c: {  	v2 =	vld [tilespmem:$0x20]  }
0x1d: {  	v3 =	vand.u32 $0xFFFF, v0  }
0x1e: {  	v40 =	vld [tilespmem:$0x30];
	v0 =	vshrl.u32 v0, $0x10;
	[tilespmem:$0x4000] =	vst v3  }
0x1f: {  	v41 =	vand.u32 $0xFFFF, v1;
	[tilespmem:$0x4200] =	vst v0  }
0x20: {  	v43 =	vld [tilespmem:$0x40];
	v42 =	vshrl.u32 v1, $0x10;
	[tilespmem:$0x4010] =	vst v41  }
0x21: {  	v44 =	vand.u32 $0xFFFF, v2;
	[tilespmem:$0x4210] =	vst v42  }
0x22: {  	v45 =	vshrl.u32 v2, $0x10;
	[tilespmem:$0x4020] =	vst v44  }
0x23: {  	v46 =	vand.u32 $0xFFFF, v40;
	[tilespmem:$0x4220] =	vst v45  }
0x24: {  	v47 =	vshrl.u32 v40, $0x10;
	[tilespmem:$0x4030] =	vst v46  }
0x25: {  	v48 =	vand.u32 $0xFFFF, v43;
	[tilespmem:$0x4230] =	vst v47  }
0x26: {  	v49 =	vshrl.u32 v43, $0x10;
	[tilespmem:$0x4040] =	vst v48  }
0x27: {  	[tilespmem:$0x4240] =	vst v49  }
0x28: {  	[tilespmem:s14], [sflag:$0x1] =	stream.indirect.gather [hbm4b:s1+s12], $0x80, s13, s12, $0xb8;
	[tilespmem:$0x1F800] =	vst v63  }
0x29: {  	v50 =	vld [tilespmem:$0x80];
	_ =	sdelay $0x1  }
0x2a: {  	v51 =	vld [tilespmem:$0x90];
	_ =	sdelay $0x1  }
0x2b: {  	v52 =	vld [tilespmem:$0xA0]  }
0x2c: {  	v53 =	vand.u32 $0xFFFF, v50  }
0x2d: {  	v54 =	vld [tilespmem:$0xB0];
	v0 =	vshrl.u32 v50, $0x10;
	[tilespmem:$0x4080] =	vst v53  }
0x2e: {  	v55 =	vand.u32 $0xFFFF, v51;
	[tilespmem:$0x4280] =	vst v0  }
0x2f: {  	v57 =	vld [tilespmem:$0xC0];
	v56 =	vshrl.u32 v51, $0x10;
	[tilespmem:$0x4090] =	vst v55  }
0x30: {  	v58 =	vand.u32 $0xFFFF, v52;
	[tilespmem:$0x4290] =	vst v56  }
0x31: {  	v59 =	vshrl.u32 v52, $0x10;
	[tilespmem:$0x40A0] =	vst v58  }
0x32: {  	v60 =	vand.u32 $0xFFFF, v54;
	[tilespmem:$0x42A0] =	vst v59  }
0x33: {  	v61 =	vshrl.u32 v54, $0x10;
	[tilespmem:$0x40B0] =	vst v60  }
0x34: {  	p0 =	por $0x0, $0x0;
	v62 =	vand.u32 $0xFFFF, v57;
	[tilespmem:$0x42B0] =	vst v61  }
0x35: {  	s19 =	simm.s32 @!p0 $0x2;
	v63 =	vshrl.u32 v57, $0x10;
	[tilespmem:$0x40C0] =	vst v62  }
0x36: {  	s19 =	smul.u32 @!p0 $0xAB, s19;
	[tilespmem:$0x42C0] =	vst v63  }
0x37: {  	[tilespmem:s16], [sflag:$0x1] =	stream.indirect.gather [hbm4b:s1+s12], $0x80, s15, s12, $0xb8;
	[tilespmem:$0x1F800] =	vst v63  }
0x38: {  	_ =	swait.ge [sflag:s17], $0x2800  }
0x39: {  	s19 =	sshrl.u32 @!p0 s19, $0x9;
	[sflag:s17] =	ssyncset.done $0x0  }
0x3a: {  	s20 =	simm.s32 $0x140;
	s19 =	sand.u32 @!p0 $0x7F, s19;
	[sflag:s17] =	ssyncadd.s32 $0xFFFFD800  }
0x3b: {  	s19 =	smul.u32 @!p0 $0x3, s19;
	v0 =	vld @!p0 [tilespmem:s20+$0xFFFFFFC0];
	_ =	sdelay $0x1  }
0x3c: {  	s19 =	ssub.s32 @!p0 $0x2, s19  }
0x3d: {  	s19 =	sand.u32 @!p0 $0xFF, s19  }
0x3e: {  	s21 =	sshll.u32 @!p0 s19, $0x7  }
0x3f: {  	s22 =	sor.u32 @!p0 $0x4000, s21;
	v1 =	vand.u32 @!p0 $0xFFFF, v0  }
0x40: {  	s23 =	sor.u32 @!p0 $0x4200, s21;
	v0 =	vshrl.u32 @!p0 v0, $0x10;
	[tilespmem:s22+$0x0] =	vst @!p0 v1  }
0x41: {  	[tilespmem:s23+$0x0] =	vst @!p0 v0  }
0x42: {  	v0 =	vld @!p0 [tilespmem:s20+$0xFFFFFFD0];
	_ =	sdelay $0x4  }
0x43: {  	s23 =	sor.u32 @!p0 $0x4010, s21;
	v1 =	vand.u32 @!p0 $0xFFFF, v0  }
0x44: {  	v0 =	vshrl.u32 @!p0 v0, $0x10;
	[tilespmem:s23+$0x0] =	vst @!p0 v1;
	s23 =	sor.u32 @!p0 $0x4210, s21  }
0x45: {  	[tilespmem:s23+$0x0] =	vst @!p0 v0  }
0x46: {  	v0 =	vld @!p0 [tilespmem:s20+$0xFFFFFFE0];
	_ =	sdelay $0x4  }
0x47: {  	s23 =	sor.u32 @!p0 $0x4020, s21;
	v1 =	vand.u32 @!p0 $0xFFFF, v0  }
0x48: {  	v0 =	vshrl.u32 @!p0 v0, $0x10;
	[tilespmem:s23+$0x0] =	vst @!p0 v1;
	s23 =	sor.u32 @!p0 $0x4220, s21  }
0x49: {  	[tilespmem:s23+$0x0] =	vst @!p0 v0  }
0x4a: {  	v0 =	vld @!p0 [tilespmem:s20+$0xFFFFFFF0];
	_ =	sdelay $0x4  }
0x4b: {  	s23 =	sor.u32 @!p0 $0x4030, s21;
	v1 =	vand.u32 @!p0 $0xFFFF, v0  }
0x4c: {  	v0 =	vshrl.u32 @!p0 v0, $0x10;
	[tilespmem:s23+$0x0] =	vst @!p0 v1;
	s23 =	sor.u32 @!p0 $0x4230, s21  }
0x4d: {  	s26 =	smul.u32 $0xAB, s4;
	[tilespmem:s23+$0x0] =	vst @!p0 v0  }
0x4e: {  	v0 =	vld @!p0 [tilespmem:s20+$0x0]  }
0x4f: {  	s28 =	sshrl.u32 s26, $0x9  }
0x50: {  	s19 =	smul.u32 @!p0 $0xA000, s19;
	s20 =	sand.u32 $0x7F, s28  }
0x51: {  	s20 =	smul.u32 $0x3, s20;
	_ =	sdelay $0x1  }
0x52: {  	s19 =	sshrl.u32 @!p0 s19, $0x2;
	s23 =	sor.u32 @!p0 $0x4040, s21;
	s20 =	ssub.s32 $0x0, s20;
	v1 =	vand.u32 @!p0 $0xFFFF, v0  }
0x53: {  	s19 =	sadd.s32 @!p0 $0x4400, s19;
	s21 =	sor.u32 @!p0 $0x4240, s21;
	s20 =	sand.u32 $0xFF, s20;
	v0 =	vshrl.u32 @!p0 v0, $0x10;
	[tilespmem:s23+$0x0] =	vst @!p0 v1  }
0x54: {  	s29 =	smul.u32 $0xA000, s20;
	s30 =	sshll.u32 s20, $0x7;
	[tilespmem:s21+$0x0] =	vst @!p0 v0;
	s21 =	simm.s32 @!p0 $0x50  }
0x55: {  	[tilespmem:s19], [sflag:$0x1] =	stream.indirect.gather @!p0 [hbm4b:s1+s21], $0x80, s22, s21, $0xb8;
	[tilespmem:$0x1F800] =	vst v63  }
0x56: {  	s31 =	sshrl.u32 s29, $0x2;
	s19 =	sadd.s32 $0x4200, s30  }
0x57: {  	s20 =	sadd.s32 $0x4400, s31;
	s21 =	simm.s32 $0x2;
	p0 =	por $0x0, $0x0  }
0x58: {  	[spmem:s3] =	stream.indirect.scatter.add.f32 [tilespmem:s20], [sflag:$0x2], $0x80, s19, s12, $0xb8;
	[tilespmem:$0x1F800] =	vst v63  }
0x59: {  	s19 =	simm.s32 $0x1;
	s20 =	simm.s32 $0x1C0;
	_ =	swait.ge [sflag:s11], $0x2800  }
.LBB2_2:
0x5a: {  	s23 =	sadd.s32 @!p0 $0x2, s19  }
0x5b: {  	[sflag:s11] =	ssyncset.done $0x0;
	s22 =	smov.u32 s21;
	s21 =	sadd.s32 $0x1, s21  }
0x5c: {  	p1 =	sne.s32 s21, $0x7D;
	s24 =	smul.u32 @!p0 $0xAB, s23;
	[sflag:s11] =	ssyncadd.s32 $0xFFFFD800  }
0x5d: {  	_ =	swait.ge [sflag:s17], $0x2800  }
0x5e: {  	[sflag:s17] =	ssyncset.done $0x0;
	s24 =	sshrl.u32 @!p0 s24, $0x9  }
0x5f: {  	[sflag:s17] =	ssyncadd.s32 $0xFFFFD800;
	s24 =	sand.u32 @!p0 $0x7F, s24  }
0x60: {  	s24 =	smul.u32 @!p0 $0x3, s24;
	v0 =	vld @!p0 [tilespmem:s20+$0xFFFFFFC0];
	_ =	sdelay $0x1  }
0x61: {  	s23 =	ssub.s32 @!p0 s23, s24  }
0x62: {  	s23 =	sand.u32 @!p0 $0xFF, s23  }
0x63: {  	s24 =	sshll.u32 @!p0 s23, $0x7;
	s25 =	smul.u32 @!p0 $0xA000, s23  }
0x64: {  	v1 =	vand.u32 @!p0 $0xFFFF, v0;
	s23 =	sor.u32 @!p0 $0x4000, s24;
	v0 =	vshrl.u32 @!p0 v0, $0x10;
	s26 =	sor.u32 @!p0 $0x4200, s24;
	s28 =	sor.u32 @!p0 $0x4010, s24  }
0x65: {  	s29 =	sor.u32 @!p0 $0x4210, s24;
	s30 =	sor.u32 @!p0 $0x4020, s24;
	s31 =	sor.u32 @!p0 $0x4220, s24;
	[tilespmem:s23+$0x0] =	vst @!p0 v1  }
0x66: {  	s0 =	sor.u32 @!p0 $0x4230, s24;
	s2 =	sor.u32 @!p0 $0x4040, s24;
	[tilespmem:s26+$0x0] =	vst @!p0 v0;
	s26 =	sor.u32 @!p0 $0x4030, s24  }
0x67: {  	s25 =	sshrl.u32 @!p0 s25, $0x2;
	s24 =	sor.u32 @!p0 $0x4240, s24;
	v0 =	vld @!p0 [tilespmem:s20+$0xFFFFFFD0]  }
0x68: {  	s25 =	sadd.s32 @!p0 $0x4400, s25;
	_ =	sdelay $0x3  }
0x69: {  	v1 =	vand.u32 @!p0 $0xFFFF, v0;
	v0 =	vshrl.u32 @!p0 v0, $0x10  }
0x6a: {  	[tilespmem:s28+$0x0] =	vst @!p0 v1  }
0x6b: {  	[tilespmem:s29+$0x0] =	vst @!p0 v0  }
0x6c: {  	v0 =	vld @!p0 [tilespmem:s20+$0xFFFFFFE0];
	_ =	sdelay $0x4  }
0x6d: {  	v1 =	vand.u32 @!p0 $0xFFFF, v0;
	v0 =	vshrl.u32 @!p0 v0, $0x10  }
0x6e: {  	[tilespmem:s30+$0x0] =	vst @!p0 v1  }
0x6f: {  	[tilespmem:s31+$0x0] =	vst @!p0 v0  }
0x70: {  	v0 =	vld @!p0 [tilespmem:s20+$0xFFFFFFF0];
	_ =	sdelay $0x4  }
0x71: {  	v1 =	vand.u32 @!p0 $0xFFFF, v0;
	v0 =	vshrl.u32 @!p0 v0, $0x10  }
0x72: {  	s28 =	smul.u32 $0xAB, s19;
	[tilespmem:s26+$0x0] =	vst @!p0 v1  }
0x73: {  	[tilespmem:s0+$0x0] =	vst @!p0 v0  }
0x74: {  	s0 =	sshrl.u32 s28, $0x9;
	v0 =	vld @!p0 [tilespmem:s20+$0x0]  }
0x75: {  	s0 =	sand.u32 $0x7F, s0  }
0x76: {  	s0 =	smul.u32 $0x3, s0;
	_ =	sdelay $0x1  }
0x77: {  	s0 =	ssub.s32 s19, s0;
	s19 =	smov.u32 s22  }
0x78: {  	s0 =	sand.u32 $0xFF, s0;
	v1 =	vand.u32 @!p0 $0xFFFF, v0;
	v0 =	vshrl.u32 @!p0 v0, $0x10  }
0x79: {  	s22 =	smul.u32 $0xA000, s0;
	s0 =	sshll.u32 s0, $0x7;
	[tilespmem:s2+$0x0] =	vst @!p0 v1  }
0x7a: {  	s2 =	simm.s32 @!p0 $0x50;
	[tilespmem:s24+$0x0] =	vst @!p0 v0  }
0x7b: {  	[tilespmem:s25], [sflag:$0x1] =	stream.indirect.gather @!p0 [hbm4b:s1+s2], $0x80, s23, s2, $0xb8;
	[tilespmem:$0x1F800] =	vst v63  }
.Ltmp0:
0x7c: {  	_ = 	snop;
	(pc) =	sbr.rel @p1 .LBB2_2-.Ltmp0, $4  }
0x7d: {  	s0 =	sadd.s32 $0x4200, s0;
	s2 =	sshrl.u32 s22, $0x2  }
0x7e: {  	s2 =	sadd.s32 $0x4400, s2  }
0x7f: {  	[spmem:s3] =	stream.indirect.scatter.add.f32 [tilespmem:s2], [sflag:$0x2], $0x80, s0, s12, $0xb8;
	[tilespmem:$0x1F800] =	vst v63  }
0x80: {  	s20 =	sadd.s32 $0x80, s20;
	p0 =	sgt.u32 s19, $0x7A;
	_ =	swait.ge [sflag:s11], $0x2800  }
0x81: {  	s0 =	sadd.s32 @!p0 $0x2, s19;
	[sflag:s11] =	ssyncset.done $0x0  }
0x82: {  	s2 =	smul.u32 @!p0 $0xAB, s0;
	[sflag:s11] =	ssyncadd.s32 $0xFFFFD800  }
0x83: {  	_ =	swait.ge [sflag:s17], $0x2800  }
0x84: {  	[sflag:s17] =	ssyncset.done $0x0;
	s2 =	sshrl.u32 @!p0 s2, $0x9  }
0x85: {  	[sflag:s17] =	ssyncadd.s32 $0xFFFFD800;
	s2 =	sand.u32 @!p0 $0x7F, s2  }
0x86: {  	s2 =	smul.u32 @!p0 $0x3, s2;
	v0 =	vld @!p0 [tilespmem:s20+$0xFFFFFFC0];
	_ =	sdelay $0x1  }
0x87: {  	s0 =	ssub.s32 @!p0 s0, s2  }
0x88: {  	s0 =	sand.u32 @!p0 $0xFF, s0  }
0x89: {  	s2 =	sshll.u32 @!p0 s0, $0x7  }
0x8a: {  	v1 =	vand.u32 @!p0 $0xFFFF, v0;
	s21 =	sor.u32 @!p0 $0x4000, s2  }
0x8b: {  	v0 =	vshrl.u32 @!p0 v0, $0x10;
	s22 =	sor.u32 @!p0 $0x4200, s2;
	[tilespmem:s21+$0x0] =	vst @!p0 v1  }
0x8c: {  	[tilespmem:s22+$0x0] =	vst @!p0 v0  }
0x8d: {  	v0 =	vld @!p0 [tilespmem:s20+$0xFFFFFFD0];
	_ =	sdelay $0x4  }
0x8e: {  	s22 =	sor.u32 @!p0 $0x4010, s2;
	v1 =	vand.u32 @!p0 $0xFFFF, v0  }
0x8f: {  	s23 =	sor.u32 @!p0 $0x4210, s2;
	v0 =	vshrl.u32 @!p0 v0, $0x10;
	[tilespmem:s22+$0x0] =	vst @!p0 v1  }
0x90: {  	[tilespmem:s23+$0x0] =	vst @!p0 v0  }
0x91: {  	v0 =	vld @!p0 [tilespmem:s20+$0xFFFFFFE0];
	_ =	sdelay $0x4  }
0x92: {  	s22 =	sor.u32 @!p0 $0x4020, s2;
	v1 =	vand.u32 @!p0 $0xFFFF, v0  }
0x93: {  	s23 =	sor.u32 @!p0 $0x4220, s2;
	v0 =	vshrl.u32 @!p0 v0, $0x10;
	[tilespmem:s22+$0x0] =	vst @!p0 v1  }
0x94: {  	[tilespmem:s23+$0x0] =	vst @!p0 v0  }
0x95: {  	v0 =	vld @!p0 [tilespmem:s20+$0xFFFFFFF0];
	_ =	sdelay $0x4  }
0x96: {  	s25 =	smul.u32 $0xAB, s19;
	s22 =	sor.u32 @!p0 $0x4030, s2;
	v1 =	vand.u32 @!p0 $0xFFFF, v0  }
0x97: {  	s23 =	sor.u32 @!p0 $0x4230, s2;
	v0 =	vshrl.u32 @!p0 v0, $0x10;
	[tilespmem:s22+$0x0] =	vst @!p0 v1  }
0x98: {  	s26 =	sshrl.u32 s25, $0x9;
	[tilespmem:s23+$0x0] =	vst @!p0 v0  }
0x99: {  	v0 =	vld @!p0 [tilespmem:s20+$0x0];
	s20 =	sand.u32 $0x7F, s26  }
0x9a: {  	s20 =	smul.u32 $0x3, s20;
	_ =	sdelay $0x1  }
0x9b: {  	s0 =	smul.u32 @!p0 $0xA000, s0;
	s28 =	ssub.s32 s19, s20  }
0x9c: {  	s19 =	sand.u32 $0xFF, s28  }
0x9d: {  	s0 =	sshrl.u32 @!p0 s0, $0x2;
	s22 =	sor.u32 @!p0 $0x4040, s2;
	v1 =	vand.u32 @!p0 $0xFFFF, v0;
	s29 =	smul.u32 $0xA000, s19  }
0x9e: {  	s0 =	sadd.s32 @!p0 $0x4400, s0;
	s2 =	sor.u32 @!p0 $0x4240, s2;
	v0 =	vshrl.u32 @!p0 v0, $0x10;
	[tilespmem:s22+$0x0] =	vst @!p0 v1  }
0x9f: {  	s30 =	sshll.u32 s19, $0x7;
	[tilespmem:s2+$0x0] =	vst @!p0 v0;
	s2 =	simm.s32 @!p0 $0x50;
	s31 =	sshrl.u32 s29, $0x2  }
0xa0: {  	[tilespmem:s0], [sflag:$0x1] =	stream.indirect.gather @!p0 [hbm4b:s1+s2], $0x80, s21, s2, $0xb8;
	[tilespmem:$0x1F800] =	vst v63  }
0xa1: {  	s0 =	sadd.s32 $0x4200, s30;
	s2 =	sadd.s32 $0x4400, s31  }
0xa2: {  	[spmem:s3] =	stream.indirect.scatter.add.f32 [tilespmem:s2], [sflag:$0x2], $0x80, s0, s12, $0xb8;
	[tilespmem:$0x1F800] =	vst v63  }
0xa3: {  	_ =	swait.ge [sflag:s11], $0x2800  }
0xa4: {  	s18 =	sadd.s32 $0x1, s18;
	[sflag:s11] =	ssyncset.done $0x0  }
0xa5: {  	p0 =	sne.s32 s18, s9;
	[sflag:s11] =	ssyncadd.s32 $0xFFFFD800  }
.Ltmp1:
0xa6: {  	[bflag:$0x0] =	sbarrier.arrive $0xFFFF;
	(pc) =	sbr.rel @p0 .LBB2_1-.Ltmp1, $4  }
0xa7: {  	[hbm:s8], [sflag:s6] =	dma.local [spmem:s10], $0x2780  }
0xa8: {  	_ =	swait.ge [sflag:s11], $0x2780  }
0xa9: {  	[sflag:s11] =	ssyncset.done $0x0  }
0xaa: {  	[sflag:s11] =	ssyncadd.s32 $0xFFFFD880  }
0xab: {  	_ =	sfence.sel $0x180000  }
0xac: {  	[bflag:$0x0] =	sbarrier.arrive $0xFFFF  }
0xad: {  	_ =	strace $0x90000047  }
0xae: {  	s0 =	stileid.u32;
	[bflag:$0x2] =	sbarrier.arrive $0xFFFF  }
0xaf: {  	p0 =	sne.s32 s0, $0x0;
	s0 =	rddreg [dreg:$0x3]  }
0xb0: {  	s0 =	sadd.s32 @!p0 $0x100000, s0  }
0xb1: {  	[sflag:s0] =	ssyncadd.tile.s32 @!p0 $0x1;
	_ =	shalt  }
.Lfunc_end2:
_tile_overlayer_lowered:
.L_overlay_start_2:
0xb2: {  	(tag) =	ssettag $0x2  }
0xb3: {  	s0 =	rddreg [dreg:$0x0];
	s2 =	stileid.u32  }
0xb4: {  	s1 =	rddreg [dreg:$0x1];
	p0 =	sne.s32 s2, $0x0  }
0xb5: {  	s3 =	rddreg [dreg:$0x2];
	[bflag:$0x3] =	sbarrier.arrive $0xFFFF;
	s2 =	simm.s32 @!p0 $0x1C02  }
0xb6: {  	[timem:s3], [sflag:s2] =	dma.local @!p0 [hbm:s0], s1  }
0xb7: {  	s0 =	simm.s32 @!p0 $0x2  }
0xb8: {  	_ =	swait.ge @!p0 [sflag:s0], s1  }
0xb9: {  	s1 =	ssub.s32 @!p0 $0x0, s1;
	[sflag:s0] =	ssyncset.done @!p0 $0x0  }
0xba: {  	[sflag:s0] =	ssyncadd.s32 @!p0 s1  }
0xbb: {  	[bflag:$0x3] =	sbarrier.arrive $0xFFFF  }
0xbc: {  	_ =	shalt  }

// kernel: kernel.15.cloned.1.call-start
scs
__scs_entry_jumppad:
0x0: {  	(pc) =	sbr.rel $0x88, $3  }
0x1: {  	(tag) =	ssettag $0x0;
	lr =	simm.s32 $0x1  }
0x2: {  	[smem:$0x3F8A] =	sst lr;
	_ =	strace $0xD0000000  }
0x3: {  	_ = 	snop  }
0x4: {  	_ = 	snop  }
0x5: {  	_ = 	snop  }
0x6: {  	_ = 	snop  }
0x7: {  	_ = 	snop  }
__scs_overlays_trampoline_lowered:
0x8: {  	[smem:$0x3F99] =	sst s0  }
0x9: {  	[smem:$0x3F9A] =	sst s1  }
0xa: {  	[smem:$0x3F9B] =	sst s2  }
0xb: {  	[smem:$0x3F9C] =	sst s3  }
0xc: {  	[smem:$0x3F9D] =	sst s4  }
0xd: {  	[smem:$0x3F9E] =	sst s5  }
0xe: {  	[smem:$0x3F9F] =	sst s6  }
0xf: {  	[smem:$0x3FA0] =	sst s7  }
0x10: {  	[smem:$0x3FA1] =	sst s8  }
0x11: {  	[smem:$0x3FA2] =	sst s9;
	s0 =	simm.s32 @!p0 $0x0  }
0x12: {  	s1 =	sld [smem:$0x3F88];
	s0 =	simm.s32 @p0 $0x1  }
0x13: {  	[smem:$0x3FA3] =	sst s0;
	s0 =	simm.s32 @!p1 $0x0  }
0x14: {  	s2 =	sld [smem:$0x3F87];
	s0 =	simm.s32 @p1 $0x1  }
0x15: {  	[smem:$0x3FA4] =	sst s0;
	s0 =	simm.s32 @!p2 $0x0  }
0x16: {  	s3 =	sld [smem:$0x3FDB];
	s0 =	simm.s32 @p2 $0x1  }
0x17: {  	s4 =	simm.s32 $0x1BF5;
	[smem:$0x3FA6] =	sst s0  }
0x18: {  	s0 =	sld [smem:$0x3F89];
	_ =	swait.ge [sflag:s4], $0x0  }
0x19: {  	s7 =	sld [smem:$0x3F8A]  }
0x1a: {  	s8 =	sadd.s32 $0xFFFFE003, lr  }
0x1b: {  	s9 =	sadd.s32 $0xFFFFFEF7, lr;
	s5 =	simm.s32 $0xFFFFFFFF;
	p2 =	slt.u32 s8, $0xFFFFF086  }
0x1c: {  	p1 =	slt.u32 s9, $0xF7A;
	s5 =	simm.s32 @!p2 $0x0  }
0x1d: {  	s5 =	simm.s32 @p1 $0x1;
	p0 =	seq.s32 s7, s2  }
0x1e: {  	s7 =	smul.u32 @!p0 $0xF7A, s2;
	p2 =	seq.s32 @!p0 s5, $0x0  }
0x1f: {  	s9 =	smul.u32 $0xF7A, s1;
	s8 =	simm.s32 @!p0 $0x1BF5;
	p2 =	por !p2, p0  }
0x20: {  	[sflag:s8] =	ssyncset.s32 @!p0 $0xFFFFF086;
	s6 =	sadd.s32 @!p0 s3, s7;
	s7 =	simm.s32 @!p0 $0x108  }
0x21: {  	s3 =	sadd.s32 s3, s9;
	s6 =	sadd.s32 @!p0 $0x88, s6;
	s7 =	simm.s32 @p2 $0x1082  }
0x22: {  	[simem:s7], [sflag:s8] =	dma.local @!p0 [hbm:s6], $0xF7A  }
0x23: {  	s9 =	sor.u32 $0xD0000000, s2;
	s6 =	simm.s32 $0x108;
	_ =	swait.ge @!p0 [sflag:s8], $0x0  }
0x24: {  	s3 =	sadd.s32 $0x88, s3;
	s6 =	simm.s32 @!p1 $0x1082;
	[sflag:s4] =	ssyncset.s32 $0xFFFFF086  }
0x25: {  	[simem:s6], [sflag:s4] =	dma.local [hbm:s3], $0xF7A  }
0x26: {  	[smem:$0x3F8A] =	sst s1;
	(tag) =	ssettag s2;
	_ =	strace s9  }
0x27: {  	s1 =	sld [smem:$0x3F9A]  }
0x28: {  	s2 =	sld [smem:$0x3F9B]  }
0x29: {  	s4 =	sld [smem:$0x3F9D]  }
0x2a: {  	p0 =	seq.s32 s5, $0x0;
	s5 =	sld [smem:$0x3F9E]  }
0x2b: {  	s6 =	sld [smem:$0x3F9F]  }
0x2c: {  	s7 =	sld [smem:$0x3FA0]  }
0x2d: {  	s3 =	simm.s32 $0x108;
	s8 =	sld [smem:$0x3FA1]  }
0x2e: {  	s3 =	simm.s32 @!p0 $0x1082;
	s9 =	sld [smem:$0x3FA2]  }
0x2f: {  	lr =	sadd.s32 s0, s3;
	s0 =	sld [smem:$0x3F99]  }
0x30: {  	s3 =	sld [smem:$0x3F9C]  }
0x31: {  	[smem:$0x3FA5] =	sst s10  }
0x32: {  	s10 =	sld [smem:$0x3FA3];
	_ =	sdelay $0x3  }
0x33: {  	p0 =	seq.s32 s10, $0x1;
	s10 =	sld [smem:$0x3FA5];
	_ =	sdelay $0x3  }
0x34: {  	[smem:$0x3FA5] =	sst s10  }
0x35: {  	s10 =	sld [smem:$0x3FA4];
	_ =	sdelay $0x3  }
0x36: {  	p1 =	seq.s32 s10, $0x1;
	s10 =	sld [smem:$0x3FA5];
	_ =	sdelay $0x3  }
0x37: {  	[smem:$0x3FA5] =	sst s10  }
0x38: {  	s10 =	sld [smem:$0x3FA6]  }
0x39: {  	_ = 	snop;
	(pc) =	sbr.ind lr, $3  }
0x3a: {  	_ = 	snop  }
0x3b: {  	_ = 	snop  }
0x3c: {  	p2 =	seq.s32 s10, $0x1;
	s10 =	sld [smem:$0x3FA5]  }
0x3d: {  	_ =	shalt  }
0x3e: {  	_ =	shalt  }
0x3f: {  	_ =	shalt  }
0x40: {  	_ =	shalt  }
0x41: {  	_ =	shalt  }
0x42: {  	_ =	shalt  }
0x43: {  	_ =	shalt  }
0x44: {  	_ =	shalt  }
0x45: {  	_ =	shalt  }
0x46: {  	_ =	shalt  }
0x47: {  	_ =	shalt  }
0x48: {  	_ =	shalt  }
0x49: {  	_ =	shalt  }
0x4a: {  	_ =	shalt  }
0x4b: {  	_ =	shalt  }
0x4c: {  	_ =	shalt  }
0x4d: {  	_ =	shalt  }
0x4e: {  	_ =	shalt  }
0x4f: {  	_ =	shalt  }
0x50: {  	_ =	shalt  }
0x51: {  	_ =	shalt  }
0x52: {  	_ =	shalt  }
0x53: {  	_ =	shalt  }
0x54: {  	_ =	shalt  }
0x55: {  	_ =	shalt  }
0x56: {  	_ =	shalt  }
0x57: {  	_ =	shalt  }
0x58: {  	_ =	shalt  }
0x59: {  	_ =	shalt  }
0x5a: {  	_ =	shalt  }
0x5b: {  	_ =	shalt  }
0x5c: {  	_ =	shalt  }
0x5d: {  	_ =	shalt  }
0x5e: {  	_ =	shalt  }
0x5f: {  	_ =	shalt  }
0x60: {  	_ =	shalt  }
0x61: {  	_ =	shalt  }
0x62: {  	_ =	shalt  }
0x63: {  	_ =	shalt  }
0x64: {  	_ =	shalt  }
0x65: {  	_ =	shalt  }
0x66: {  	_ =	shalt  }
0x67: {  	_ =	shalt  }
0x68: {  	_ =	shalt  }
0x69: {  	_ =	shalt  }
0x6a: {  	_ =	shalt  }
0x6b: {  	_ =	shalt  }
0x6c: {  	_ =	shalt  }
0x6d: {  	_ =	shalt  }
0x6e: {  	_ =	shalt  }
0x6f: {  	_ =	shalt  }
0x70: {  	_ =	shalt  }
0x71: {  	_ =	shalt  }
0x72: {  	_ =	shalt  }
0x73: {  	_ =	shalt  }
0x74: {  	_ =	shalt  }
0x75: {  	_ =	shalt  }
0x76: {  	_ =	shalt  }
0x77: {  	_ =	shalt  }
0x78: {  	_ =	shalt  }
0x79: {  	_ =	shalt  }
0x7a: {  	_ =	shalt  }
0x7b: {  	_ =	shalt  }
0x7c: {  	_ =	shalt  }
0x7d: {  	_ =	shalt  }
0x7e: {  	_ =	shalt  }
0x7f: {  	_ =	shalt  }
0x80: {  	_ =	shalt  }
0x81: {  	_ =	shalt  }
0x82: {  	_ =	shalt  }
0x83: {  	_ =	shalt  }
0x84: {  	_ =	shalt  }
0x85: {  	_ =	shalt  }
0x86: {  	_ =	shalt  }
0x87: {  	_ =	shalt  }
.Lfunc_end0:
.L_simem_size_0:
called_computation.1_lowered:
.L_overlay_start_0:
0x88: {  	s2 =	sld [smem:$0x3FD9]  }
0x89: {  	s3 =	sld [smem:$0x3FFE];
	_ =	sdelay $0x1  }
0x8a: {  	s1 =	srdreg.scid  }
0x8b: {  	s0 =	sand.u32 $0x1, s1  }
0x8c: {  	s16 =	sshll.u32 s0, $0xA;
	s2 =	sadd.s32 s3, s2  }
0x8d: {  	s2 =	sadd.s32 s2, s16  }
0x8e: {  	[smem:$0x3FB1] =	sst s2  }
0x8f: {  	_ = 	snop  }
0x90: {  	(tm) =	ssettm $0x1  }
0x91: {  	s17 =	sld [smem:$0x3FFB];
	_ =	sdelay $0x3  }
0x92: {  	_ =	strace s17  }
0x93: {  	s2 =	sld [smem:$0x3FFC];
	_ =	sdelay $0x3  }
0x94: {  	_ =	strace s2  }
0x95: {  	s2 =	sld [smem:$0x3FFD];
	_ =	sdelay $0x3  }
0x96: {  	_ =	strace s2  }
0x97: {  	_ =	strace $0x8FFFFFFF  }
0x98: {  	s18 =	sld [smem:$0x3FDB];
	_ =	sdelay $0x1  }
0x99: {  	s19 =	simm.s32 $_scs_section_size  }
0x9a: {  	s4 =	simm.s32 $_size__tile_overlayer_lowered;
	s5 =	simm.s32 $_tile_overlayer_lowered  }
0x9b: {  	s22 =	simm.s32 $0x1BFF;
	s21 =	sshll.u32 s5, $0x1;
	s2 =	sadd.s32 s19, s18  }
0x9c: {  	s6 =	simm.s32 $0x0;
	s20 =	sshll.u32 s4, $0x1;
	s4 =	sadd.s32 s21, s2  }
0x9d: {  	[timem:s6], [sflag:s22] =	dma.local [hbm:s4], s20  }
0x9e: {  	_ =	swait.ge [sflag:s22], s20  }
0x9f: {  	s3 =	ssub.s32 $0x0, s20;
	[sflag:s22] =	ssyncset.done $0x0  }
0xa0: {  	[sflag:s22] =	ssyncadd.s32 s3;
	_ =	sdelay $0x1  }
0xa1: {  	s23 =	simm.s32 $0x1B8B  }
0xa2: {  	_ =	swait.ge [sflag:s23], $0x1  }
0xa3: {  	[sflag:s23] =	ssyncset.done $0x0  }
0xa4: {  	s25 =	simm.s32 $0x1B8E;
	s24 =	sld [smem:$0x3FFE];
	[sflag:s23] =	ssyncadd.s32 $0xFFFFFFFF  }
0xa5: {  	s26 =	simm.s32 $execute0_lowered;
	[smem:$0x3FD2] =	sst s25  }
0xa6: {  	s4 =	sshll.u32 s26, $0x1;
	_ =	strace $0x80000049;
	[dreg:$0x1] =	wrdreg $0xFFFFFFFF  }
0xa7: {  	s28 =	simm.s32 $_size_execute0_lowered;
	s2 =	sadd.s32 s2, s4;
	[dreg:$0x0] =	wrdreg $0x0  }
0xa8: {  	s4 =	sshll.u32 s28, $0x1;
	[dreg:$0x2] =	wrdreg s2  }
0xa9: {  	[dreg:$0x3] =	wrdreg s4  }
0xaa: {  	[dreg:$0x4] =	wrdreg $0xC0  }
0xab: {  	_ =	task [dreg:s6], $0x5FFFF  }
0xac: {  	[dreg:$0x1] =	wrdreg $0xFFFFFFFF  }
0xad: {  	[dreg:$0x0] =	wrdreg $0x60  }
0xae: {  	[dreg:$0x2] =	wrdreg s24  }
0xaf: {  	[dreg:$0x3] =	wrdreg $0xBC000  }
0xb0: {  	[dreg:$0x4] =	wrdreg $0x9  }
0xb1: {  	_ =	task.clear_ibuf [dreg:s6], $0x5FFFF;
	_ =	strace $0x90000049  }
0xb2: {  	s29 =	simm.s32 $0x9;
	_ =	strace $0x8000004B  }
0xb3: {  	_ =	swait.ge [sflag:s29], $0x1  }
0xb4: {  	[sflag:s29] =	ssyncadd.s32 $0xFFFFFFFF  }
0xb5: {  	_ =	strace $0x9000004B  }
0xb6: {  	_ =	sfence  }
0xb7: {  	s30 =	sld [smem:$0x0];
	_ =	sdelay $0x2  }
0xb8: {  	s31 =	sshll.u32 s1, $0xD;
	s1 =	sshrl.u32 s1, $0x2  }
0xb9: {  	s3 =	sand.u32 $0x4000, s31;
	s1 =	sadd.s32 s1, s30  }
0xba: {  	s0 =	sor.u32 s3, s0;
	s1 =	sshll.u32 s1, $0x11  }
0xbb: {  	s0 =	sor.u32 s1, s0  }
0xbc: {  	s0 =	sadd.s32 $0x8F2B, s0  }
0xbd: {  	[sflag:s0] =	ssyncadd.remote.s32 $0x1  }
0xbe: {  	_ =	sfence.sel $0xFFFF  }
0xbf: {  	[dreg:$0x0] =	wrdreg $0xFFFFFFFF;
	(pc) =	sbr.abs _section_cstart, $3  }
0xc0: {  	[dreg:$0x1] =	wrdreg $0xFFFFFFFF  }
0xc1: {  	_ =	task.clear_ibuf [dreg:s6], $0x2FFFF;
	_ =	strace $0x9FFFFFFF  }
0xc2: {  	(tm) =	ssettm $0x7FFFFFFF  }
0xc3: {  	_ =	shalt  }
tec
execute0_lowered:
.L_overlay_start_1:
0x0: {  	(tag) =	ssettag $0x1  }
0x1: {  	s5 =	rddreg [dreg:$0x0]  }
0x2: {  	s2 =	rddreg [dreg:$0x1]  }
0x3: {  	s3 =	simm.s32 $0x0;
	s4 =	srdreg.scid;
	s0 =	stileid.u32  }
0x4: {  	s14 =	simm.s32 $0x4400;
	s15 =	simm.s32 $0x4080;
	s16 =	simm.s32 $0x6C00  }
0x5: {  	s17 =	simm.s32 $0x1;
	s18 =	simm.s32 $0x0;
	[smem:$0x7FF] =	sst s3  }
0x6: {  	s6 =	sand.u32 $0x1, s4;
	s7 =	smul.u32 $0x13C00, s0;
	s4 =	sadd.s32 $0x87400, s5  }
0x7: {  	s28 =	smul.u32 $0x4F000, s0;
	s30 =	sshll.u32 s0, $0x6;
	s31 =	sshll.u32 s0, $0xC  }
0x8: {  	_ =	strace $0x8000004A;
	s8 =	sshll.u32 s6, $0xB;
	s9 =	smul.u32 $0x13C000, s6  }
0x9: {  	s6 =	ssub.s32 $0x2, s6;
	s8 =	sadd.s32 s8, s5;
	s10 =	sshrl.u32 s7, $0x3  }
0xa: {  	s11 =	sshrl.u32 s6, $0x1;
	s29 =	sshrl.u32 s28, $0x2;
	s7 =	sadd.s32 s7, s9  }
0xb: {  	s10 =	sadd.s32 s10, s5;
	s11 =	ssub.s32 s6, s11;
	s13 =	sadd.s32 s29, s2  }
0xc: {  	s6 =	sor.u32 $0x1C02, s30;
	s7 =	sshrl.u32 s7, $0x3;
	s9 =	smax.u32 s11, $0x1  }
0xd: {  	s11 =	simm.s32 $0x2;
	s12 =	sadd.s32 s7, s5;
	s5 =	sadd.s32 $0x10C00, s10  }
0xe: {  	s7 =	sadd.s32 s31, s8;
	s10 =	sshrl.u32 s13, $0x3;
	s13 =	simm.s32 $0x4000  }
0xf: {  	s7 =	sadd.s32 $0xC00, s7;
	s8 =	sadd.s32 $0x38400, s12;
	s12 =	simm.s32 $0x50  }
.LBB2_1:
0x10: {  	[spmem:s10], [sflag:s6] =	dma.local [hbm:s5], $0x2780  }
0x11: {  	_ =	swait.ge [sflag:s11], $0x2780  }
0x12: {  	[sflag:s11] =	ssyncset.done $0x0  }
0x13: {  	[sflag:s11] =	ssyncadd.s32 $0xFFFFD880  }
0x14: {  	[tilespmem:s3], [sflag:$0x2] =	stream.linear.gather [hbm4b:s7+s3], $0x3E80, $0x38;
	[tilespmem:$0x1F800] =	vst v63  }
0x15: {  	_ =	swait.ge [sflag:s11], $0x3E80  }
0x16: {  	[sflag:s11] =	ssyncset.done $0x0  }
0x17: {  	[sflag:s11] =	ssyncadd.s32 $0xFFFFC180  }
0x18: {  	[bflag:$0x0] =	sbarrier.arrive $0xFFFF  }
0x19: {  	v0 =	vld [tilespmem:$0x0];
	_ =	sdelay $0x1  }
0x1a: {  	v1 =	vld [tilespmem:$0x10];
	_ =	sdelay $0x1  }
0x1b: {  	v2 =	vld [tilespmem:$0x20]  }
0x1c: {  	v3 =	vand.u32 $0xFFFF, v0  }
0x1d: {  	v40 =	vld [tilespmem:$0x30];
	v0 =	vshrl.u32 v0, $0x10;
	[tilespmem:$0x4000] =	vst v3  }
0x1e: {  	v41 =	vand.u32 $0xFFFF, v1;
	[tilespmem:$0x4200] =	vst v0  }
0x1f: {  	v43 =	vld [tilespmem:$0x40];
	v42 =	vshrl.u32 v1, $0x10;
	[tilespmem:$0x4010] =	vst v41  }
0x20: {  	v44 =	vand.u32 $0xFFFF, v2;
	[tilespmem:$0x4210] =	vst v42  }
0x21: {  	v45 =	vshrl.u32 v2, $0x10;
	[tilespmem:$0x4020] =	vst v44  }
0x22: {  	v46 =	vand.u32 $0xFFFF, v40;
	[tilespmem:$0x4220] =	vst v45  }
0x23: {  	v47 =	vshrl.u32 v40, $0x10;
	[tilespmem:$0x4030] =	vst v46  }
0x24: {  	v48 =	vand.u32 $0xFFFF, v43;
	[tilespmem:$0x4230] =	vst v47  }
0x25: {  	v49 =	vshrl.u32 v43, $0x10;
	[tilespmem:$0x4040] =	vst v48  }
0x26: {  	[tilespmem:$0x4240] =	vst v49  }
0x27: {  	[tilespmem:s14], [sflag:$0x1] =	stream.indirect.gather [hbm4b:s4+s12], $0x80, s13, s12, $0xb8;
	[tilespmem:$0x1F800] =	vst v63  }
0x28: {  	v50 =	vld [tilespmem:$0x80];
	_ =	sdelay $0x1  }
0x29: {  	v51 =	vld [tilespmem:$0x90];
	_ =	sdelay $0x1  }
0x2a: {  	v52 =	vld [tilespmem:$0xA0]  }
0x2b: {  	v53 =	vand.u32 $0xFFFF, v50  }
0x2c: {  	v54 =	vld [tilespmem:$0xB0];
	v0 =	vshrl.u32 v50, $0x10;
	[tilespmem:$0x4080] =	vst v53  }
0x2d: {  	v55 =	vand.u32 $0xFFFF, v51;
	[tilespmem:$0x4280] =	vst v0  }
0x2e: {  	v57 =	vld [tilespmem:$0xC0];
	v56 =	vshrl.u32 v51, $0x10;
	[tilespmem:$0x4090] =	vst v55  }
0x2f: {  	v58 =	vand.u32 $0xFFFF, v52;
	[tilespmem:$0x4290] =	vst v56  }
0x30: {  	v59 =	vshrl.u32 v52, $0x10;
	[tilespmem:$0x40A0] =	vst v58  }
0x31: {  	v60 =	vand.u32 $0xFFFF, v54;
	[tilespmem:$0x42A0] =	vst v59  }
0x32: {  	v61 =	vshrl.u32 v54, $0x10;
	[tilespmem:$0x40B0] =	vst v60  }
0x33: {  	p0 =	por $0x0, $0x0;
	v62 =	vand.u32 $0xFFFF, v57;
	[tilespmem:$0x42B0] =	vst v61  }
0x34: {  	s19 =	simm.s32 @!p0 $0x2;
	v63 =	vshrl.u32 v57, $0x10;
	[tilespmem:$0x40C0] =	vst v62  }
0x35: {  	s19 =	smul.u32 @!p0 $0xAB, s19;
	[tilespmem:$0x42C0] =	vst v63  }
0x36: {  	[tilespmem:s16], [sflag:$0x1] =	stream.indirect.gather [hbm4b:s4+s12], $0x80, s15, s12, $0xb8;
	[tilespmem:$0x1F800] =	vst v63  }
0x37: {  	_ =	swait.ge [sflag:s17], $0x2800  }
0x38: {  	s19 =	sshrl.u32 @!p0 s19, $0x9;
	[sflag:s17] =	ssyncset.done $0x0  }
0x39: {  	s20 =	simm.s32 $0x140;
	s19 =	sand.u32 @!p0 $0x7F, s19;
	[sflag:s17] =	ssyncadd.s32 $0xFFFFD800  }
0x3a: {  	s19 =	smul.u32 @!p0 $0x3, s19;
	v0 =	vld @!p0 [tilespmem:s20+$0xFFFFFFC0];
	_ =	sdelay $0x1  }
0x3b: {  	s19 =	ssub.s32 @!p0 $0x2, s19  }
0x3c: {  	s19 =	sand.u32 @!p0 $0xFF, s19  }
0x3d: {  	s21 =	sshll.u32 @!p0 s19, $0x7  }
0x3e: {  	s22 =	sor.u32 @!p0 $0x4000, s21;
	v1 =	vand.u32 @!p0 $0xFFFF, v0  }
0x3f: {  	s23 =	sor.u32 @!p0 $0x4200, s21;
	v0 =	vshrl.u32 @!p0 v0, $0x10;
	[tilespmem:s22+$0x0] =	vst @!p0 v1  }
0x40: {  	[tilespmem:s23+$0x0] =	vst @!p0 v0  }
0x41: {  	v0 =	vld @!p0 [tilespmem:s20+$0xFFFFFFD0];
	_ =	sdelay $0x4  }
0x42: {  	s23 =	sor.u32 @!p0 $0x4010, s21;
	v1 =	vand.u32 @!p0 $0xFFFF, v0  }
0x43: {  	v0 =	vshrl.u32 @!p0 v0, $0x10;
	[tilespmem:s23+$0x0] =	vst @!p0 v1;
	s23 =	sor.u32 @!p0 $0x4210, s21  }
0x44: {  	[tilespmem:s23+$0x0] =	vst @!p0 v0  }
0x45: {  	v0 =	vld @!p0 [tilespmem:s20+$0xFFFFFFE0];
	_ =	sdelay $0x4  }
0x46: {  	s23 =	sor.u32 @!p0 $0x4020, s21;
	v1 =	vand.u32 @!p0 $0xFFFF, v0  }
0x47: {  	v0 =	vshrl.u32 @!p0 v0, $0x10;
	[tilespmem:s23+$0x0] =	vst @!p0 v1;
	s23 =	sor.u32 @!p0 $0x4220, s21  }
0x48: {  	[tilespmem:s23+$0x0] =	vst @!p0 v0  }
0x49: {  	v0 =	vld @!p0 [tilespmem:s20+$0xFFFFFFF0];
	_ =	sdelay $0x4  }
0x4a: {  	s23 =	sor.u32 @!p0 $0x4030, s21;
	v1 =	vand.u32 @!p0 $0xFFFF, v0  }
0x4b: {  	v0 =	vshrl.u32 @!p0 v0, $0x10;
	[tilespmem:s23+$0x0] =	vst @!p0 v1;
	s23 =	sor.u32 @!p0 $0x4230, s21  }
0x4c: {  	s26 =	smul.u32 $0xAB, s3;
	[tilespmem:s23+$0x0] =	vst @!p0 v0  }
0x4d: {  	v0 =	vld @!p0 [tilespmem:s20+$0x0]  }
0x4e: {  	s28 =	sshrl.u32 s26, $0x9  }
0x4f: {  	s19 =	smul.u32 @!p0 $0xA000, s19;
	s20 =	sand.u32 $0x7F, s28  }
0x50: {  	s20 =	smul.u32 $0x3, s20;
	_ =	sdelay $0x1  }
0x51: {  	s19 =	sshrl.u32 @!p0 s19, $0x2;
	s23 =	sor.u32 @!p0 $0x4040, s21;
	s20 =	ssub.s32 $0x0, s20;
	v1 =	vand.u32 @!p0 $0xFFFF, v0  }
0x52: {  	s19 =	sadd.s32 @!p0 $0x4400, s19;
	s21 =	sor.u32 @!p0 $0x4240, s21;
	s20 =	sand.u32 $0xFF, s20;
	v0 =	vshrl.u32 @!p0 v0, $0x10;
	[tilespmem:s23+$0x0] =	vst @!p0 v1  }
0x53: {  	s29 =	smul.u32 $0xA000, s20;
	s30 =	sshll.u32 s20, $0x7;
	[tilespmem:s21+$0x0] =	vst @!p0 v0;
	s21 =	simm.s32 @!p0 $0x50  }
0x54: {  	[tilespmem:s19], [sflag:$0x1] =	stream.indirect.gather @!p0 [hbm4b:s4+s21], $0x80, s22, s21, $0xb8;
	[tilespmem:$0x1F800] =	vst v63  }
0x55: {  	s31 =	sshrl.u32 s29, $0x2;
	s19 =	sadd.s32 $0x4200, s30  }
0x56: {  	s20 =	sadd.s32 $0x4400, s31;
	s21 =	simm.s32 $0x2;
	p0 =	por $0x0, $0x0  }
0x57: {  	[spmem:s2] =	stream.indirect.scatter.add.f32 [tilespmem:s20], [sflag:$0x2], $0x80, s19, s12, $0xb8;
	[tilespmem:$0x1F800] =	vst v63  }
0x58: {  	s19 =	simm.s32 $0x1;
	s20 =	simm.s32 $0x1C0;
	_ =	swait.ge [sflag:s11], $0x2800  }
.LBB2_2:
0x59: {  	s23 =	sadd.s32 @!p0 $0x2, s19  }
0x5a: {  	[sflag:s11] =	ssyncset.done $0x0;
	s22 =	smov.u32 s21;
	s21 =	sadd.s32 $0x1, s21  }
0x5b: {  	p1 =	sne.s32 s21, $0x7D;
	s24 =	smul.u32 @!p0 $0xAB, s23;
	[sflag:s11] =	ssyncadd.s32 $0xFFFFD800  }
0x5c: {  	_ =	swait.ge [sflag:s17], $0x2800  }
0x5d: {  	[sflag:s17] =	ssyncset.done $0x0;
	s24 =	sshrl.u32 @!p0 s24, $0x9  }
0x5e: {  	[sflag:s17] =	ssyncadd.s32 $0xFFFFD800;
	s24 =	sand.u32 @!p0 $0x7F, s24  }
0x5f: {  	s24 =	smul.u32 @!p0 $0x3, s24;
	v0 =	vld @!p0 [tilespmem:s20+$0xFFFFFFC0];
	_ =	sdelay $0x1  }
0x60: {  	s23 =	ssub.s32 @!p0 s23, s24  }
0x61: {  	s23 =	sand.u32 @!p0 $0xFF, s23  }
0x62: {  	s24 =	sshll.u32 @!p0 s23, $0x7;
	s25 =	smul.u32 @!p0 $0xA000, s23  }
0x63: {  	v1 =	vand.u32 @!p0 $0xFFFF, v0;
	s23 =	sor.u32 @!p0 $0x4000, s24;
	v0 =	vshrl.u32 @!p0 v0, $0x10;
	s26 =	sor.u32 @!p0 $0x4200, s24;
	s28 =	sor.u32 @!p0 $0x4010, s24  }
0x64: {  	s29 =	sor.u32 @!p0 $0x4210, s24;
	s30 =	sor.u32 @!p0 $0x4020, s24;
	s31 =	sor.u32 @!p0 $0x4220, s24;
	[tilespmem:s23+$0x0] =	vst @!p0 v1  }
0x65: {  	s0 =	sor.u32 @!p0 $0x4230, s24;
	s1 =	sor.u32 @!p0 $0x4040, s24;
	[tilespmem:s26+$0x0] =	vst @!p0 v0;
	s26 =	sor.u32 @!p0 $0x4030, s24  }
0x66: {  	s25 =	sshrl.u32 @!p0 s25, $0x2;
	s24 =	sor.u32 @!p0 $0x4240, s24;
	v0 =	vld @!p0 [tilespmem:s20+$0xFFFFFFD0]  }
0x67: {  	s25 =	sadd.s32 @!p0 $0x4400, s25;
	_ =	sdelay $0x3  }
0x68: {  	v1 =	vand.u32 @!p0 $0xFFFF, v0;
	v0 =	vshrl.u32 @!p0 v0, $0x10  }
0x69: {  	[tilespmem:s28+$0x0] =	vst @!p0 v1  }
0x6a: {  	[tilespmem:s29+$0x0] =	vst @!p0 v0  }
0x6b: {  	v0 =	vld @!p0 [tilespmem:s20+$0xFFFFFFE0];
	_ =	sdelay $0x4  }
0x6c: {  	v1 =	vand.u32 @!p0 $0xFFFF, v0;
	v0 =	vshrl.u32 @!p0 v0, $0x10  }
0x6d: {  	[tilespmem:s30+$0x0] =	vst @!p0 v1  }
0x6e: {  	[tilespmem:s31+$0x0] =	vst @!p0 v0  }
0x6f: {  	v0 =	vld @!p0 [tilespmem:s20+$0xFFFFFFF0];
	_ =	sdelay $0x4  }
0x70: {  	v1 =	vand.u32 @!p0 $0xFFFF, v0;
	v0 =	vshrl.u32 @!p0 v0, $0x10  }
0x71: {  	s28 =	smul.u32 $0xAB, s19;
	[tilespmem:s26+$0x0] =	vst @!p0 v1  }
0x72: {  	[tilespmem:s0+$0x0] =	vst @!p0 v0  }
0x73: {  	s0 =	sshrl.u32 s28, $0x9;
	v0 =	vld @!p0 [tilespmem:s20+$0x0]  }
0x74: {  	s0 =	sand.u32 $0x7F, s0  }
0x75: {  	s0 =	smul.u32 $0x3, s0;
	_ =	sdelay $0x1  }
0x76: {  	s0 =	ssub.s32 s19, s0;
	s19 =	smov.u32 s22  }
0x77: {  	s0 =	sand.u32 $0xFF, s0;
	v1 =	vand.u32 @!p0 $0xFFFF, v0;
	v0 =	vshrl.u32 @!p0 v0, $0x10  }
0x78: {  	s22 =	smul.u32 $0xA000, s0;
	s0 =	sshll.u32 s0, $0x7;
	[tilespmem:s1+$0x0] =	vst @!p0 v1  }
0x79: {  	s1 =	simm.s32 @!p0 $0x50;
	[tilespmem:s24+$0x0] =	vst @!p0 v0  }
0x7a: {  	[tilespmem:s25], [sflag:$0x1] =	stream.indirect.gather @!p0 [hbm4b:s4+s1], $0x80, s23, s1, $0xb8;
	[tilespmem:$0x1F800] =	vst v63  }
.Ltmp0:
0x7b: {  	_ = 	snop;
	(pc) =	sbr.rel @p1 .LBB2_2-.Ltmp0, $4  }
0x7c: {  	s0 =	sadd.s32 $0x4200, s0;
	s1 =	sshrl.u32 s22, $0x2  }
0x7d: {  	s1 =	sadd.s32 $0x4400, s1  }
0x7e: {  	[spmem:s2] =	stream.indirect.scatter.add.f32 [tilespmem:s1], [sflag:$0x2], $0x80, s0, s12, $0xb8;
	[tilespmem:$0x1F800] =	vst v63  }
0x7f: {  	s20 =	sadd.s32 $0x80, s20;
	p0 =	sgt.u32 s19, $0x7A;
	_ =	swait.ge [sflag:s11], $0x2800  }
0x80: {  	s0 =	sadd.s32 @!p0 $0x2, s19;
	[sflag:s11] =	ssyncset.done $0x0  }
0x81: {  	s1 =	smul.u32 @!p0 $0xAB, s0;
	[sflag:s11] =	ssyncadd.s32 $0xFFFFD800  }
0x82: {  	_ =	swait.ge [sflag:s17], $0x2800  }
0x83: {  	[sflag:s17] =	ssyncset.done $0x0;
	s1 =	sshrl.u32 @!p0 s1, $0x9  }
0x84: {  	[sflag:s17] =	ssyncadd.s32 $0xFFFFD800;
	s1 =	sand.u32 @!p0 $0x7F, s1  }
0x85: {  	s1 =	smul.u32 @!p0 $0x3, s1;
	v0 =	vld @!p0 [tilespmem:s20+$0xFFFFFFC0];
	_ =	sdelay $0x1  }
0x86: {  	s0 =	ssub.s32 @!p0 s0, s1  }
0x87: {  	s0 =	sand.u32 @!p0 $0xFF, s0  }
0x88: {  	s1 =	sshll.u32 @!p0 s0, $0x7  }
0x89: {  	v1 =	vand.u32 @!p0 $0xFFFF, v0;
	s21 =	sor.u32 @!p0 $0x4000, s1  }
0x8a: {  	v0 =	vshrl.u32 @!p0 v0, $0x10;
	s22 =	sor.u32 @!p0 $0x4200, s1;
	[tilespmem:s21+$0x0] =	vst @!p0 v1  }
0x8b: {  	[tilespmem:s22+$0x0] =	vst @!p0 v0  }
0x8c: {  	v0 =	vld @!p0 [tilespmem:s20+$0xFFFFFFD0];
	_ =	sdelay $0x4  }
0x8d: {  	s22 =	sor.u32 @!p0 $0x4010, s1;
	v1 =	vand.u32 @!p0 $0xFFFF, v0  }
0x8e: {  	s23 =	sor.u32 @!p0 $0x4210, s1;
	v0 =	vshrl.u32 @!p0 v0, $0x10;
	[tilespmem:s22+$0x0] =	vst @!p0 v1  }
0x8f: {  	[tilespmem:s23+$0x0] =	vst @!p0 v0  }
0x90: {  	v0 =	vld @!p0 [tilespmem:s20+$0xFFFFFFE0];
	_ =	sdelay $0x4  }
0x91: {  	s22 =	sor.u32 @!p0 $0x4020, s1;
	v1 =	vand.u32 @!p0 $0xFFFF, v0  }
0x92: {  	s23 =	sor.u32 @!p0 $0x4220, s1;
	v0 =	vshrl.u32 @!p0 v0, $0x10;
	[tilespmem:s22+$0x0] =	vst @!p0 v1  }
0x93: {  	[tilespmem:s23+$0x0] =	vst @!p0 v0  }
0x94: {  	v0 =	vld @!p0 [tilespmem:s20+$0xFFFFFFF0];
	_ =	sdelay $0x4  }
0x95: {  	s25 =	smul.u32 $0xAB, s19;
	s22 =	sor.u32 @!p0 $0x4030, s1;
	v1 =	vand.u32 @!p0 $0xFFFF, v0  }
0x96: {  	s23 =	sor.u32 @!p0 $0x4230, s1;
	v0 =	vshrl.u32 @!p0 v0, $0x10;
	[tilespmem:s22+$0x0] =	vst @!p0 v1  }
0x97: {  	s26 =	sshrl.u32 s25, $0x9;
	[tilespmem:s23+$0x0] =	vst @!p0 v0  }
0x98: {  	v0 =	vld @!p0 [tilespmem:s20+$0x0];
	s20 =	sand.u32 $0x7F, s26  }
0x99: {  	s20 =	smul.u32 $0x3, s20;
	_ =	sdelay $0x1  }
0x9a: {  	s0 =	smul.u32 @!p0 $0xA000, s0;
	s28 =	ssub.s32 s19, s20  }
0x9b: {  	s19 =	sand.u32 $0xFF, s28  }
0x9c: {  	s0 =	sshrl.u32 @!p0 s0, $0x2;
	s22 =	sor.u32 @!p0 $0x4040, s1;
	v1 =	vand.u32 @!p0 $0xFFFF, v0;
	s29 =	smul.u32 $0xA000, s19  }
0x9d: {  	s0 =	sadd.s32 @!p0 $0x4400, s0;
	s1 =	sor.u32 @!p0 $0x4240, s1;
	v0 =	vshrl.u32 @!p0 v0, $0x10;
	[tilespmem:s22+$0x0] =	vst @!p0 v1  }
0x9e: {  	s30 =	sshll.u32 s19, $0x7;
	[tilespmem:s1+$0x0] =	vst @!p0 v0;
	s1 =	simm.s32 @!p0 $0x50;
	s31 =	sshrl.u32 s29, $0x2  }
0x9f: {  	[tilespmem:s0], [sflag:$0x1] =	stream.indirect.gather @!p0 [hbm4b:s4+s1], $0x80, s21, s1, $0xb8;
	[tilespmem:$0x1F800] =	vst v63  }
0xa0: {  	s0 =	sadd.s32 $0x4200, s30;
	s1 =	sadd.s32 $0x4400, s31  }
0xa1: {  	[spmem:s2] =	stream.indirect.scatter.add.f32 [tilespmem:s1], [sflag:$0x2], $0x80, s0, s12, $0xb8;
	[tilespmem:$0x1F800] =	vst v63  }
0xa2: {  	_ =	swait.ge [sflag:s11], $0x2800  }
0xa3: {  	s18 =	sadd.s32 $0x1, s18;
	[sflag:s11] =	ssyncset.done $0x0  }
0xa4: {  	p0 =	sne.s32 s18, s9;
	[sflag:s11] =	ssyncadd.s32 $0xFFFFD800  }
.Ltmp1:
0xa5: {  	[bflag:$0x0] =	sbarrier.arrive $0xFFFF;
	(pc) =	sbr.rel @p0 .LBB2_1-.Ltmp1, $4  }
0xa6: {  	[hbm:s8], [sflag:s6] =	dma.local [spmem:s10], $0x2780  }
0xa7: {  	_ =	swait.ge [sflag:s11], $0x2780  }
0xa8: {  	[sflag:s11] =	ssyncset.done $0x0  }
0xa9: {  	[sflag:s11] =	ssyncadd.s32 $0xFFFFD880  }
0xaa: {  	_ =	sfence.sel $0x180000  }
0xab: {  	[bflag:$0x0] =	sbarrier.arrive $0xFFFF  }
0xac: {  	_ =	strace $0x9000004A  }
0xad: {  	s0 =	stileid.u32;
	[bflag:$0x2] =	sbarrier.arrive $0xFFFF  }
0xae: {  	p0 =	sne.s32 s0, $0x0;
	s0 =	rddreg [dreg:$0x2]  }
0xaf: {  	s0 =	sadd.s32 @!p0 $0x100000, s0  }
0xb0: {  	[sflag:s0] =	ssyncadd.tile.s32 @!p0 $0x1;
	_ =	shalt  }
.Lfunc_end2:
_tile_overlayer_lowered:
.L_overlay_start_2:
0xb1: {  	(tag) =	ssettag $0x2  }
0xb2: {  	s0 =	rddreg [dreg:$0x0];
	s2 =	stileid.u32  }
0xb3: {  	s1 =	rddreg [dreg:$0x1];
	p0 =	sne.s32 s2, $0x0  }
0xb4: {  	s3 =	rddreg [dreg:$0x2];
	[bflag:$0x3] =	sbarrier.arrive $0xFFFF;
	s2 =	simm.s32 @!p0 $0x1C02  }
0xb5: {  	[timem:s3], [sflag:s2] =	dma.local @!p0 [hbm:s0], s1  }
0xb6: {  	s0 =	simm.s32 @!p0 $0x2  }
0xb7: {  	_ =	swait.ge @!p0 [sflag:s0], s1  }
0xb8: {  	s1 =	ssub.s32 @!p0 $0x0, s1;
	[sflag:s0] =	ssyncset.done @!p0 $0x0  }
0xb9: {  	[sflag:s0] =	ssyncadd.s32 @!p0 s1  }
0xba: {  	[bflag:$0x3] =	sbarrier.arrive $0xFFFF  }
0xbb: {  	_ =	shalt  }

// kernel: kernel.18.cloned.1.call-start
scs
__scs_entry_jumppad:
0x0: {  	(pc) =	sbr.rel $0x88, $3  }
0x1: {  	(tag) =	ssettag $0x0;
	lr =	simm.s32 $0x1  }
0x2: {  	[smem:$0x3F8A] =	sst lr;
	_ =	strace $0xD0000000  }
0x3: {  	_ = 	snop  }
0x4: {  	_ = 	snop  }
0x5: {  	_ = 	snop  }
0x6: {  	_ = 	snop  }
0x7: {  	_ = 	snop  }
__scs_overlays_trampoline_lowered:
0x8: {  	[smem:$0x3F99] =	sst s0  }
0x9: {  	[smem:$0x3F9A] =	sst s1  }
0xa: {  	[smem:$0x3F9B] =	sst s2  }
0xb: {  	[smem:$0x3F9C] =	sst s3  }
0xc: {  	[smem:$0x3F9D] =	sst s4  }
0xd: {  	[smem:$0x3F9E] =	sst s5  }
0xe: {  	[smem:$0x3F9F] =	sst s6  }
0xf: {  	[smem:$0x3FA0] =	sst s7  }
0x10: {  	[smem:$0x3FA1] =	sst s8  }
0x11: {  	[smem:$0x3FA2] =	sst s9;
	s0 =	simm.s32 @!p0 $0x0  }
0x12: {  	s1 =	sld [smem:$0x3F88];
	s0 =	simm.s32 @p0 $0x1  }
0x13: {  	[smem:$0x3FA3] =	sst s0;
	s0 =	simm.s32 @!p1 $0x0  }
0x14: {  	s2 =	sld [smem:$0x3F87];
	s0 =	simm.s32 @p1 $0x1  }
0x15: {  	[smem:$0x3FA4] =	sst s0;
	s0 =	simm.s32 @!p2 $0x0  }
0x16: {  	s3 =	sld [smem:$0x3FDB];
	s0 =	simm.s32 @p2 $0x1  }
0x17: {  	s4 =	simm.s32 $0x1BF5;
	[smem:$0x3FA6] =	sst s0  }
0x18: {  	s0 =	sld [smem:$0x3F89];
	_ =	swait.ge [sflag:s4], $0x0  }
0x19: {  	s7 =	sld [smem:$0x3F8A]  }
0x1a: {  	s8 =	sadd.s32 $0xFFFFE003, lr  }
0x1b: {  	s9 =	sadd.s32 $0xFFFFFEF7, lr;
	s5 =	simm.s32 $0xFFFFFFFF;
	p2 =	slt.u32 s8, $0xFFFFF086  }
0x1c: {  	p1 =	slt.u32 s9, $0xF7A;
	s5 =	simm.s32 @!p2 $0x0  }
0x1d: {  	s5 =	simm.s32 @p1 $0x1;
	p0 =	seq.s32 s7, s2  }
0x1e: {  	s7 =	smul.u32 @!p0 $0xF7A, s2;
	p2 =	seq.s32 @!p0 s5, $0x0  }
0x1f: {  	s9 =	smul.u32 $0xF7A, s1;
	s8 =	simm.s32 @!p0 $0x1BF5;
	p2 =	por !p2, p0  }
0x20: {  	[sflag:s8] =	ssyncset.s32 @!p0 $0xFFFFF086;
	s6 =	sadd.s32 @!p0 s3, s7;
	s7 =	simm.s32 @!p0 $0x108  }
0x21: {  	s3 =	sadd.s32 s3, s9;
	s6 =	sadd.s32 @!p0 $0x88, s6;
	s7 =	simm.s32 @p2 $0x1082  }
0x22: {  	[simem:s7], [sflag:s8] =	dma.local @!p0 [hbm:s6], $0xF7A  }
0x23: {  	s9 =	sor.u32 $0xD0000000, s2;
	s6 =	simm.s32 $0x108;
	_ =	swait.ge @!p0 [sflag:s8], $0x0  }
0x24: {  	s3 =	sadd.s32 $0x88, s3;
	s6 =	simm.s32 @!p1 $0x1082;
	[sflag:s4] =	ssyncset.s32 $0xFFFFF086  }
0x25: {  	[simem:s6], [sflag:s4] =	dma.local [hbm:s3], $0xF7A  }
0x26: {  	[smem:$0x3F8A] =	sst s1;
	(tag) =	ssettag s2;
	_ =	strace s9  }
0x27: {  	s1 =	sld [smem:$0x3F9A]  }
0x28: {  	s2 =	sld [smem:$0x3F9B]  }
0x29: {  	s4 =	sld [smem:$0x3F9D]  }
0x2a: {  	p0 =	seq.s32 s5, $0x0;
	s5 =	sld [smem:$0x3F9E]  }
0x2b: {  	s6 =	sld [smem:$0x3F9F]  }
0x2c: {  	s7 =	sld [smem:$0x3FA0]  }
0x2d: {  	s3 =	simm.s32 $0x108;
	s8 =	sld [smem:$0x3FA1]  }
0x2e: {  	s3 =	simm.s32 @!p0 $0x1082;
	s9 =	sld [smem:$0x3FA2]  }
0x2f: {  	lr =	sadd.s32 s0, s3;
	s0 =	sld [smem:$0x3F99]  }
0x30: {  	s3 =	sld [smem:$0x3F9C]  }
0x31: {  	[smem:$0x3FA5] =	sst s10  }
0x32: {  	s10 =	sld [smem:$0x3FA3];
	_ =	sdelay $0x3  }
0x33: {  	p0 =	seq.s32 s10, $0x1;
	s10 =	sld [smem:$0x3FA5];
	_ =	sdelay $0x3  }
0x34: {  	[smem:$0x3FA5] =	sst s10  }
0x35: {  	s10 =	sld [smem:$0x3FA4];
	_ =	sdelay $0x3  }
0x36: {  	p1 =	seq.s32 s10, $0x1;
	s10 =	sld [smem:$0x3FA5];
	_ =	sdelay $0x3  }
0x37: {  	[smem:$0x3FA5] =	sst s10  }
0x38: {  	s10 =	sld [smem:$0x3FA6]  }
0x39: {  	_ = 	snop;
	(pc) =	sbr.ind lr, $3  }
0x3a: {  	_ = 	snop  }
0x3b: {  	_ = 	snop  }
0x3c: {  	p2 =	seq.s32 s10, $0x1;
	s10 =	sld [smem:$0x3FA5]  }
0x3d: {  	_ =	shalt  }
0x3e: {  	_ =	shalt  }
0x3f: {  	_ =	shalt  }
0x40: {  	_ =	shalt  }
0x41: {  	_ =	shalt  }
0x42: {  	_ =	shalt  }
0x43: {  	_ =	shalt  }
0x44: {  	_ =	shalt  }
0x45: {  	_ =	shalt  }
0x46: {  	_ =	shalt  }
0x47: {  	_ =	shalt  }
0x48: {  	_ =	shalt  }
0x49: {  	_ =	shalt  }
0x4a: {  	_ =	shalt  }
0x4b: {  	_ =	shalt  }
0x4c: {  	_ =	shalt  }
0x4d: {  	_ =	shalt  }
0x4e: {  	_ =	shalt  }
0x4f: {  	_ =	shalt  }
0x50: {  	_ =	shalt  }
0x51: {  	_ =	shalt  }
0x52: {  	_ =	shalt  }
0x53: {  	_ =	shalt  }
0x54: {  	_ =	shalt  }
0x55: {  	_ =	shalt  }
0x56: {  	_ =	shalt  }
0x57: {  	_ =	shalt  }
0x58: {  	_ =	shalt  }
0x59: {  	_ =	shalt  }
0x5a: {  	_ =	shalt  }
0x5b: {  	_ =	shalt  }
0x5c: {  	_ =	shalt  }
0x5d: {  	_ =	shalt  }
0x5e: {  	_ =	shalt  }
0x5f: {  	_ =	shalt  }
0x60: {  	_ =	shalt  }
0x61: {  	_ =	shalt  }
0x62: {  	_ =	shalt  }
0x63: {  	_ =	shalt  }
0x64: {  	_ =	shalt  }
0x65: {  	_ =	shalt  }
0x66: {  	_ =	shalt  }
0x67: {  	_ =	shalt  }
0x68: {  	_ =	shalt  }
0x69: {  	_ =	shalt  }
0x6a: {  	_ =	shalt  }
0x6b: {  	_ =	shalt  }
0x6c: {  	_ =	shalt  }
0x6d: {  	_ =	shalt  }
0x6e: {  	_ =	shalt  }
0x6f: {  	_ =	shalt  }
0x70: {  	_ =	shalt  }
0x71: {  	_ =	shalt  }
0x72: {  	_ =	shalt  }
0x73: {  	_ =	shalt  }
0x74: {  	_ =	shalt  }
0x75: {  	_ =	shalt  }
0x76: {  	_ =	shalt  }
0x77: {  	_ =	shalt  }
0x78: {  	_ =	shalt  }
0x79: {  	_ =	shalt  }
0x7a: {  	_ =	shalt  }
0x7b: {  	_ =	shalt  }
0x7c: {  	_ =	shalt  }
0x7d: {  	_ =	shalt  }
0x7e: {  	_ =	shalt  }
0x7f: {  	_ =	shalt  }
0x80: {  	_ =	shalt  }
0x81: {  	_ =	shalt  }
0x82: {  	_ =	shalt  }
0x83: {  	_ =	shalt  }
0x84: {  	_ =	shalt  }
0x85: {  	_ =	shalt  }
0x86: {  	_ =	shalt  }
0x87: {  	_ =	shalt  }
.Lfunc_end0:
.L_simem_size_0:
called_computation.2_lowered:
.L_overlay_start_0:
0x88: {  	s2 =	sld [smem:$0x3FD9]  }
0x89: {  	s3 =	sld [smem:$0x3FFE];
	_ =	sdelay $0x1  }
0x8a: {  	s1 =	srdreg.scid  }
0x8b: {  	s0 =	sand.u32 $0x1, s1  }
0x8c: {  	s16 =	sshll.u32 s0, $0xA;
	s2 =	sadd.s32 s3, s2  }
0x8d: {  	s2 =	sadd.s32 s2, s16  }
0x8e: {  	[smem:$0x3FB1] =	sst s2  }
0x8f: {  	_ = 	snop  }
0x90: {  	(tm) =	ssettm $0x1  }
0x91: {  	s17 =	sld [smem:$0x3FFB];
	_ =	sdelay $0x3  }
0x92: {  	_ =	strace s17  }
0x93: {  	s2 =	sld [smem:$0x3FFC];
	_ =	sdelay $0x3  }
0x94: {  	_ =	strace s2  }
0x95: {  	s2 =	sld [smem:$0x3FFD];
	_ =	sdelay $0x3  }
0x96: {  	_ =	strace s2  }
0x97: {  	_ =	strace $0x8FFFFFFF  }
0x98: {  	s18 =	sld [smem:$0x3FDB];
	_ =	sdelay $0x1  }
0x99: {  	s19 =	simm.s32 $_scs_section_size  }
0x9a: {  	s4 =	simm.s32 $_size__tile_overlayer_lowered;
	s5 =	simm.s32 $_tile_overlayer_lowered  }
0x9b: {  	s22 =	simm.s32 $0x1BFF;
	s21 =	sshll.u32 s5, $0x1;
	s2 =	sadd.s32 s19, s18  }
0x9c: {  	s6 =	simm.s32 $0x0;
	s20 =	sshll.u32 s4, $0x1;
	s4 =	sadd.s32 s21, s2  }
0x9d: {  	[timem:s6], [sflag:s22] =	dma.local [hbm:s4], s20  }
0x9e: {  	_ =	swait.ge [sflag:s22], s20  }
0x9f: {  	s3 =	ssub.s32 $0x0, s20;
	[sflag:s22] =	ssyncset.done $0x0  }
0xa0: {  	[sflag:s22] =	ssyncadd.s32 s3;
	_ =	sdelay $0x1  }
0xa1: {  	s23 =	simm.s32 $0x1B8B  }
0xa2: {  	_ =	swait.ge [sflag:s23], $0x1  }
0xa3: {  	[sflag:s23] =	ssyncset.done $0x0  }
0xa4: {  	s25 =	simm.s32 $0x1B8E;
	s24 =	sld [smem:$0x3FFE];
	[sflag:s23] =	ssyncadd.s32 $0xFFFFFFFF  }
0xa5: {  	s26 =	simm.s32 $execute0_lowered;
	[smem:$0x3FD2] =	sst s25  }
0xa6: {  	s4 =	sshll.u32 s26, $0x1;
	_ =	strace $0x8000004C;
	[dreg:$0x1] =	wrdreg $0xFFFFFFFF  }
0xa7: {  	s28 =	simm.s32 $_size_execute0_lowered;
	s2 =	sadd.s32 s2, s4;
	[dreg:$0x0] =	wrdreg $0x0  }
0xa8: {  	s4 =	sshll.u32 s28, $0x1;
	[dreg:$0x2] =	wrdreg s2  }
0xa9: {  	[dreg:$0x3] =	wrdreg s4  }
0xaa: {  	[dreg:$0x4] =	wrdreg $0xC0  }
0xab: {  	_ =	task [dreg:s6], $0x5FFFF  }
0xac: {  	[dreg:$0x1] =	wrdreg $0xFFFFFFFF  }
0xad: {  	[dreg:$0x0] =	wrdreg $0x60  }
0xae: {  	[dreg:$0x2] =	wrdreg s24  }
0xaf: {  	[dreg:$0x3] =	wrdreg $0xBC000  }
0xb0: {  	[dreg:$0x4] =	wrdreg $0x9  }
0xb1: {  	_ =	task.clear_ibuf [dreg:s6], $0x5FFFF;
	_ =	strace $0x9000004C  }
0xb2: {  	s29 =	simm.s32 $0x9;
	_ =	strace $0x8000004E  }
0xb3: {  	_ =	swait.ge [sflag:s29], $0x1  }
0xb4: {  	[sflag:s29] =	ssyncadd.s32 $0xFFFFFFFF  }
0xb5: {  	_ =	strace $0x9000004E  }
0xb6: {  	_ =	sfence  }
0xb7: {  	s30 =	sld [smem:$0x0];
	_ =	sdelay $0x2  }
0xb8: {  	s31 =	sshll.u32 s1, $0xD;
	s1 =	sshrl.u32 s1, $0x2  }
0xb9: {  	s3 =	sand.u32 $0x4000, s31;
	s1 =	sadd.s32 s1, s30  }
0xba: {  	s0 =	sor.u32 s3, s0;
	s1 =	sshll.u32 s1, $0x11  }
0xbb: {  	s0 =	sor.u32 s1, s0  }
0xbc: {  	s0 =	sadd.s32 $0x8F2B, s0  }
0xbd: {  	[sflag:s0] =	ssyncadd.remote.s32 $0x1  }
0xbe: {  	_ =	sfence.sel $0xFFFF  }
0xbf: {  	[dreg:$0x0] =	wrdreg $0xFFFFFFFF;
	(pc) =	sbr.abs _section_cstart, $3  }
0xc0: {  	[dreg:$0x1] =	wrdreg $0xFFFFFFFF  }
0xc1: {  	_ =	task.clear_ibuf [dreg:s6], $0x2FFFF;
	_ =	strace $0x9FFFFFFF  }
0xc2: {  	(tm) =	ssettm $0x7FFFFFFF  }
0xc3: {  	_ =	shalt  }
tec
execute0_lowered:
.L_overlay_start_1:
0x0: {  	(tag) =	ssettag $0x1  }
0x1: {  	s5 =	rddreg [dreg:$0x0]  }
0x2: {  	s2 =	rddreg [dreg:$0x1]  }
0x3: {  	s3 =	simm.s32 $0x0;
	s4 =	srdreg.scid;
	s0 =	stileid.u32  }
0x4: {  	s14 =	simm.s32 $0x4400;
	s15 =	simm.s32 $0x4080;
	s16 =	simm.s32 $0x6C00  }
0x5: {  	s17 =	simm.s32 $0x1;
	s18 =	simm.s32 $0x0;
	[smem:$0x7FF] =	sst s3  }
0x6: {  	s6 =	sand.u32 $0x1, s4;
	s7 =	smul.u32 $0x13C00, s0;
	s4 =	sadd.s32 $0xAE600, s5  }
0x7: {  	s28 =	smul.u32 $0x4F000, s0;
	s30 =	sshll.u32 s0, $0x6;
	s31 =	sshll.u32 s0, $0xC  }
0x8: {  	_ =	strace $0x8000004D;
	s8 =	sshll.u32 s6, $0xB;
	s9 =	smul.u32 $0x13C000, s6  }
0x9: {  	s6 =	ssub.s32 $0x2, s6;
	s8 =	sadd.s32 s8, s5;
	s10 =	sshrl.u32 s7, $0x3  }
0xa: {  	s11 =	sshrl.u32 s6, $0x1;
	s29 =	sshrl.u32 s28, $0x2;
	s7 =	sadd.s32 s7, s9  }
0xb: {  	s10 =	sadd.s32 s10, s5;
	s11 =	ssub.s32 s6, s11;
	s13 =	sadd.s32 s29, s2  }
0xc: {  	s6 =	sor.u32 $0x1C02, s30;
	s7 =	sshrl.u32 s7, $0x3;
	s9 =	smax.u32 s11, $0x1  }
0xd: {  	s11 =	simm.s32 $0x2;
	s12 =	sadd.s32 s7, s5;
	s5 =	sadd.s32 $0x10C00, s10  }
0xe: {  	s7 =	sadd.s32 s31, s8;
	s10 =	sshrl.u32 s13, $0x3;
	s13 =	simm.s32 $0x4000  }
0xf: {  	s7 =	sadd.s32 $0xC00, s7;
	s8 =	sadd.s32 $0x38400, s12;
	s12 =	simm.s32 $0x50  }
.LBB2_1:
0x10: {  	[spmem:s10], [sflag:s6] =	dma.local [hbm:s5], $0x2780  }
0x11: {  	_ =	swait.ge [sflag:s11], $0x2780  }
0x12: {  	[sflag:s11] =	ssyncset.done $0x0  }
0x13: {  	[sflag:s11] =	ssyncadd.s32 $0xFFFFD880  }
0x14: {  	[tilespmem:s3], [sflag:$0x2] =	stream.linear.gather [hbm4b:s7+s3], $0x3E80, $0x38;
	[tilespmem:$0x1F800] =	vst v63  }
0x15: {  	_ =	swait.ge [sflag:s11], $0x3E80  }
0x16: {  	[sflag:s11] =	ssyncset.done $0x0  }
0x17: {  	[sflag:s11] =	ssyncadd.s32 $0xFFFFC180  }
0x18: {  	[bflag:$0x0] =	sbarrier.arrive $0xFFFF  }
0x19: {  	v0 =	vld [tilespmem:$0x0];
	_ =	sdelay $0x1  }
0x1a: {  	v1 =	vld [tilespmem:$0x10];
	_ =	sdelay $0x1  }
0x1b: {  	v2 =	vld [tilespmem:$0x20]  }
0x1c: {  	v3 =	vand.u32 $0xFFFF, v0  }
0x1d: {  	v40 =	vld [tilespmem:$0x30];
	v0 =	vshrl.u32 v0, $0x10;
	[tilespmem:$0x4000] =	vst v3  }
0x1e: {  	v41 =	vand.u32 $0xFFFF, v1;
	[tilespmem:$0x4200] =	vst v0  }
0x1f: {  	v43 =	vld [tilespmem:$0x40];
	v42 =	vshrl.u32 v1, $0x10;
	[tilespmem:$0x4010] =	vst v41  }
0x20: {  	v44 =	vand.u32 $0xFFFF, v2;
	[tilespmem:$0x4210] =	vst v42  }
0x21: {  	v45 =	vshrl.u32 v2, $0x10;
	[tilespmem:$0x4020] =	vst v44  }
0x22: {  	v46 =	vand.u32 $0xFFFF, v40;
	[tilespmem:$0x4220] =	vst v45  }
0x23: {  	v47 =	vshrl.u32 v40, $0x10;
	[tilespmem:$0x4030] =	vst v46  }
0x24: {  	v48 =	vand.u32 $0xFFFF, v43;
	[tilespmem:$0x4230] =	vst v47  }
0x25: {  	v49 =	vshrl.u32 v43, $0x10;
	[tilespmem:$0x4040] =	vst v48  }
0x26: {  	[tilespmem:$0x4240] =	vst v49  }
0x27: {  	[tilespmem:s14], [sflag:$0x1] =	stream.indirect.gather [hbm4b:s4+s12], $0x80, s13, s12, $0xb8;
	[tilespmem:$0x1F800] =	vst v63  }
0x28: {  	v50 =	vld [tilespmem:$0x80];
	_ =	sdelay $0x1  }
0x29: {  	v51 =	vld [tilespmem:$0x90];
	_ =	sdelay $0x1  }
0x2a: {  	v52 =	vld [tilespmem:$0xA0]  }
0x2b: {  	v53 =	vand.u32 $0xFFFF, v50  }
0x2c: {  	v54 =	vld [tilespmem:$0xB0];
	v0 =	vshrl.u32 v50, $0x10;
	[tilespmem:$0x4080] =	vst v53  }
0x2d: {  	v55 =	vand.u32 $0xFFFF, v51;
	[tilespmem:$0x4280] =	vst v0  }
0x2e: {  	v57 =	vld [tilespmem:$0xC0];
	v56 =	vshrl.u32 v51, $0x10;
	[tilespmem:$0x4090] =	vst v55  }
0x2f: {  	v58 =	vand.u32 $0xFFFF, v52;
	[tilespmem:$0x4290] =	vst v56  }
0x30: {  	v59 =	vshrl.u32 v52, $0x10;
	[tilespmem:$0x40A0] =	vst v58  }
0x31: {  	v60 =	vand.u32 $0xFFFF, v54;
	[tilespmem:$0x42A0] =	vst v59  }
0x32: {  	v61 =	vshrl.u32 v54, $0x10;
	[tilespmem:$0x40B0] =	vst v60  }
0x33: {  	p0 =	por $0x0, $0x0;
	v62 =	vand.u32 $0xFFFF, v57;
	[tilespmem:$0x42B0] =	vst v61  }
0x34: {  	s19 =	simm.s32 @!p0 $0x2;
	v63 =	vshrl.u32 v57, $0x10;
	[tilespmem:$0x40C0] =	vst v62  }
0x35: {  	s19 =	smul.u32 @!p0 $0xAB, s19;
	[tilespmem:$0x42C0] =	vst v63  }
0x36: {  	[tilespmem:s16], [sflag:$0x1] =	stream.indirect.gather [hbm4b:s4+s12], $0x80, s15, s12, $0xb8;
	[tilespmem:$0x1F800] =	vst v63  }
0x37: {  	_ =	swait.ge [sflag:s17], $0x2800  }
0x38: {  	s19 =	sshrl.u32 @!p0 s19, $0x9;
	[sflag:s17] =	ssyncset.done $0x0  }
0x39: {  	s20 =	simm.s32 $0x140;
	s19 =	sand.u32 @!p0 $0x7F, s19;
	[sflag:s17] =	ssyncadd.s32 $0xFFFFD800  }
0x3a: {  	s19 =	smul.u32 @!p0 $0x3, s19;
	v0 =	vld @!p0 [tilespmem:s20+$0xFFFFFFC0];
	_ =	sdelay $0x1  }
0x3b: {  	s19 =	ssub.s32 @!p0 $0x2, s19  }
0x3c: {  	s19 =	sand.u32 @!p0 $0xFF, s19  }
0x3d: {  	s21 =	sshll.u32 @!p0 s19, $0x7  }
0x3e: {  	s22 =	sor.u32 @!p0 $0x4000, s21;
	v1 =	vand.u32 @!p0 $0xFFFF, v0  }
0x3f: {  	s23 =	sor.u32 @!p0 $0x4200, s21;
	v0 =	vshrl.u32 @!p0 v0, $0x10;
	[tilespmem:s22+$0x0] =	vst @!p0 v1  }
0x40: {  	[tilespmem:s23+$0x0] =	vst @!p0 v0  }
0x41: {  	v0 =	vld @!p0 [tilespmem:s20+$0xFFFFFFD0];
	_ =	sdelay $0x4  }
0x42: {  	s23 =	sor.u32 @!p0 $0x4010, s21;
	v1 =	vand.u32 @!p0 $0xFFFF, v0  }
0x43: {  	v0 =	vshrl.u32 @!p0 v0, $0x10;
	[tilespmem:s23+$0x0] =	vst @!p0 v1;
	s23 =	sor.u32 @!p0 $0x4210, s21  }
0x44: {  	[tilespmem:s23+$0x0] =	vst @!p0 v0  }
0x45: {  	v0 =	vld @!p0 [tilespmem:s20+$0xFFFFFFE0];
	_ =	sdelay $0x4  }
0x46: {  	s23 =	sor.u32 @!p0 $0x4020, s21;
	v1 =	vand.u32 @!p0 $0xFFFF, v0  }
0x47: {  	v0 =	vshrl.u32 @!p0 v0, $0x10;
	[tilespmem:s23+$0x0] =	vst @!p0 v1;
	s23 =	sor.u32 @!p0 $0x4220, s21  }
0x48: {  	[tilespmem:s23+$0x0] =	vst @!p0 v0  }
0x49: {  	v0 =	vld @!p0 [tilespmem:s20+$0xFFFFFFF0];
	_ =	sdelay $0x4  }
0x4a: {  	s23 =	sor.u32 @!p0 $0x4030, s21;
	v1 =	vand.u32 @!p0 $0xFFFF, v0  }
0x4b: {  	v0 =	vshrl.u32 @!p0 v0, $0x10;
	[tilespmem:s23+$0x0] =	vst @!p0 v1;
	s23 =	sor.u32 @!p0 $0x4230, s21  }
0x4c: {  	s26 =	smul.u32 $0xAB, s3;
	[tilespmem:s23+$0x0] =	vst @!p0 v0  }
0x4d: {  	v0 =	vld @!p0 [tilespmem:s20+$0x0]  }
0x4e: {  	s28 =	sshrl.u32 s26, $0x9  }
0x4f: {  	s19 =	smul.u32 @!p0 $0xA000, s19;
	s20 =	sand.u32 $0x7F, s28  }
0x50: {  	s20 =	smul.u32 $0x3, s20;
	_ =	sdelay $0x1  }
0x51: {  	s19 =	sshrl.u32 @!p0 s19, $0x2;
	s23 =	sor.u32 @!p0 $0x4040, s21;
	s20 =	ssub.s32 $0x0, s20;
	v1 =	vand.u32 @!p0 $0xFFFF, v0  }
0x52: {  	s19 =	sadd.s32 @!p0 $0x4400, s19;
	s21 =	sor.u32 @!p0 $0x4240, s21;
	s20 =	sand.u32 $0xFF, s20;
	v0 =	vshrl.u32 @!p0 v0, $0x10;
	[tilespmem:s23+$0x0] =	vst @!p0 v1  }
0x53: {  	s29 =	smul.u32 $0xA000, s20;
	s30 =	sshll.u32 s20, $0x7;
	[tilespmem:s21+$0x0] =	vst @!p0 v0;
	s21 =	simm.s32 @!p0 $0x50  }
0x54: {  	[tilespmem:s19], [sflag:$0x1] =	stream.indirect.gather @!p0 [hbm4b:s4+s21], $0x80, s22, s21, $0xb8;
	[tilespmem:$0x1F800] =	vst v63  }
0x55: {  	s31 =	sshrl.u32 s29, $0x2;
	s19 =	sadd.s32 $0x4200, s30  }
0x56: {  	s20 =	sadd.s32 $0x4400, s31;
	s21 =	simm.s32 $0x2;
	p0 =	por $0x0, $0x0  }
0x57: {  	[spmem:s2] =	stream.indirect.scatter.add.f32 [tilespmem:s20], [sflag:$0x2], $0x80, s19, s12, $0xb8;
	[tilespmem:$0x1F800] =	vst v63  }
0x58: {  	s19 =	simm.s32 $0x1;
	s20 =	simm.s32 $0x1C0;
	_ =	swait.ge [sflag:s11], $0x2800  }
.LBB2_2:
0x59: {  	s23 =	sadd.s32 @!p0 $0x2, s19  }
0x5a: {  	[sflag:s11] =	ssyncset.done $0x0;
	s22 =	smov.u32 s21;
	s21 =	sadd.s32 $0x1, s21  }
0x5b: {  	p1 =	sne.s32 s21, $0x7D;
	s24 =	smul.u32 @!p0 $0xAB, s23;
	[sflag:s11] =	ssyncadd.s32 $0xFFFFD800  }
0x5c: {  	_ =	swait.ge [sflag:s17], $0x2800  }
0x5d: {  	[sflag:s17] =	ssyncset.done $0x0;
	s24 =	sshrl.u32 @!p0 s24, $0x9  }
0x5e: {  	[sflag:s17] =	ssyncadd.s32 $0xFFFFD800;
	s24 =	sand.u32 @!p0 $0x7F, s24  }
0x5f: {  	s24 =	smul.u32 @!p0 $0x3, s24;
	v0 =	vld @!p0 [tilespmem:s20+$0xFFFFFFC0];
	_ =	sdelay $0x1  }
0x60: {  	s23 =	ssub.s32 @!p0 s23, s24  }
0x61: {  	s23 =	sand.u32 @!p0 $0xFF, s23  }
0x62: {  	s24 =	sshll.u32 @!p0 s23, $0x7;
	s25 =	smul.u32 @!p0 $0xA000, s23  }
0x63: {  	v1 =	vand.u32 @!p0 $0xFFFF, v0;
	s23 =	sor.u32 @!p0 $0x4000, s24;
	v0 =	vshrl.u32 @!p0 v0, $0x10;
	s26 =	sor.u32 @!p0 $0x4200, s24;
	s28 =	sor.u32 @!p0 $0x4010, s24  }
0x64: {  	s29 =	sor.u32 @!p0 $0x4210, s24;
	s30 =	sor.u32 @!p0 $0x4020, s24;
	s31 =	sor.u32 @!p0 $0x4220, s24;
	[tilespmem:s23+$0x0] =	vst @!p0 v1  }
0x65: {  	s0 =	sor.u32 @!p0 $0x4230, s24;
	s1 =	sor.u32 @!p0 $0x4040, s24;
	[tilespmem:s26+$0x0] =	vst @!p0 v0;
	s26 =	sor.u32 @!p0 $0x4030, s24  }
0x66: {  	s25 =	sshrl.u32 @!p0 s25, $0x2;
	s24 =	sor.u32 @!p0 $0x4240, s24;
	v0 =	vld @!p0 [tilespmem:s20+$0xFFFFFFD0]  }
0x67: {  	s25 =	sadd.s32 @!p0 $0x4400, s25;
	_ =	sdelay $0x3  }
0x68: {  	v1 =	vand.u32 @!p0 $0xFFFF, v0;
	v0 =	vshrl.u32 @!p0 v0, $0x10  }
0x69: {  	[tilespmem:s28+$0x0] =	vst @!p0 v1  }
0x6a: {  	[tilespmem:s29+$0x0] =	vst @!p0 v0  }
0x6b: {  	v0 =	vld @!p0 [tilespmem:s20+$0xFFFFFFE0];
	_ =	sdelay $0x4  }
0x6c: {  	v1 =	vand.u32 @!p0 $0xFFFF, v0;
	v0 =	vshrl.u32 @!p0 v0, $0x10  }
0x6d: {  	[tilespmem:s30+$0x0] =	vst @!p0 v1  }
0x6e: {  	[tilespmem:s31+$0x0] =	vst @!p0 v0  }
0x6f: {  	v0 =	vld @!p0 [tilespmem:s20+$0xFFFFFFF0];
	_ =	sdelay $0x4  }
0x70: {  	v1 =	vand.u32 @!p0 $0xFFFF, v0;
	v0 =	vshrl.u32 @!p0 v0, $0x10  }
0x71: {  	s28 =	smul.u32 $0xAB, s19;
	[tilespmem:s26+$0x0] =	vst @!p0 v1  }
0x72: {  	[tilespmem:s0+$0x0] =	vst @!p0 v0  }
0x73: {  	s0 =	sshrl.u32 s28, $0x9;
	v0 =	vld @!p0 [tilespmem:s20+$0x0]  }
0x74: {  	s0 =	sand.u32 $0x7F, s0  }
0x75: {  	s0 =	smul.u32 $0x3, s0;
	_ =	sdelay $0x1  }
0x76: {  	s0 =	ssub.s32 s19, s0;
	s19 =	smov.u32 s22  }
0x77: {  	s0 =	sand.u32 $0xFF, s0;
	v1 =	vand.u32 @!p0 $0xFFFF, v0;
	v0 =	vshrl.u32 @!p0 v0, $0x10  }
0x78: {  	s22 =	smul.u32 $0xA000, s0;
	s0 =	sshll.u32 s0, $0x7;
	[tilespmem:s1+$0x0] =	vst @!p0 v1  }
0x79: {  	s1 =	simm.s32 @!p0 $0x50;
	[tilespmem:s24+$0x0] =	vst @!p0 v0  }
0x7a: {  	[tilespmem:s25], [sflag:$0x1] =	stream.indirect.gather @!p0 [hbm4b:s4+s1], $0x80, s23, s1, $0xb8;
	[tilespmem:$0x1F800] =	vst v63  }
.Ltmp0:
0x7b: {  	_ = 	snop;
	(pc) =	sbr.rel @p1 .LBB2_2-.Ltmp0, $4  }
0x7c: {  	s0 =	sadd.s32 $0x4200, s0;
	s1 =	sshrl.u32 s22, $0x2  }
0x7d: {  	s1 =	sadd.s32 $0x4400, s1  }
0x7e: {  	[spmem:s2] =	stream.indirect.scatter.add.f32 [tilespmem:s1], [sflag:$0x2], $0x80, s0, s12, $0xb8;
	[tilespmem:$0x1F800] =	vst v63  }
0x7f: {  	s20 =	sadd.s32 $0x80, s20;
	p0 =	sgt.u32 s19, $0x7A;
	_ =	swait.ge [sflag:s11], $0x2800  }
0x80: {  	s0 =	sadd.s32 @!p0 $0x2, s19;
	[sflag:s11] =	ssyncset.done $0x0  }
0x81: {  	s1 =	smul.u32 @!p0 $0xAB, s0;
	[sflag:s11] =	ssyncadd.s32 $0xFFFFD800  }
0x82: {  	_ =	swait.ge [sflag:s17], $0x2800  }
0x83: {  	[sflag:s17] =	ssyncset.done $0x0;
	s1 =	sshrl.u32 @!p0 s1, $0x9  }
0x84: {  	[sflag:s17] =	ssyncadd.s32 $0xFFFFD800;
	s1 =	sand.u32 @!p0 $0x7F, s1  }
0x85: {  	s1 =	smul.u32 @!p0 $0x3, s1;
	v0 =	vld @!p0 [tilespmem:s20+$0xFFFFFFC0];
	_ =	sdelay $0x1  }
0x86: {  	s0 =	ssub.s32 @!p0 s0, s1  }
0x87: {  	s0 =	sand.u32 @!p0 $0xFF, s0  }
0x88: {  	s1 =	sshll.u32 @!p0 s0, $0x7  }
0x89: {  	v1 =	vand.u32 @!p0 $0xFFFF, v0;
	s21 =	sor.u32 @!p0 $0x4000, s1  }
0x8a: {  	v0 =	vshrl.u32 @!p0 v0, $0x10;
	s22 =	sor.u32 @!p0 $0x4200, s1;
	[tilespmem:s21+$0x0] =	vst @!p0 v1  }
0x8b: {  	[tilespmem:s22+$0x0] =	vst @!p0 v0  }
0x8c: {  	v0 =	vld @!p0 [tilespmem:s20+$0xFFFFFFD0];
	_ =	sdelay $0x4  }
0x8d: {  	s22 =	sor.u32 @!p0 $0x4010, s1;
	v1 =	vand.u32 @!p0 $0xFFFF, v0  }
0x8e: {  	s23 =	sor.u32 @!p0 $0x4210, s1;
	v0 =	vshrl.u32 @!p0 v0, $0x10;
	[tilespmem:s22+$0x0] =	vst @!p0 v1  }
0x8f: {  	[tilespmem:s23+$0x0] =	vst @!p0 v0  }
0x90: {  	v0 =	vld @!p0 [tilespmem:s20+$0xFFFFFFE0];
	_ =	sdelay $0x4  }
0x91: {  	s22 =	sor.u32 @!p0 $0x4020, s1;
	v1 =	vand.u32 @!p0 $0xFFFF, v0  }
0x92: {  	s23 =	sor.u32 @!p0 $0x4220, s1;
	v0 =	vshrl.u32 @!p0 v0, $0x10;
	[tilespmem:s22+$0x0] =	vst @!p0 v1  }
0x93: {  	[tilespmem:s23+$0x0] =	vst @!p0 v0  }
0x94: {  	v0 =	vld @!p0 [tilespmem:s20+$0xFFFFFFF0];
	_ =	sdelay $0x4  }
0x95: {  	s25 =	smul.u32 $0xAB, s19;
	s22 =	sor.u32 @!p0 $0x4030, s1;
	v1 =	vand.u32 @!p0 $0xFFFF, v0  }
0x96: {  	s23 =	sor.u32 @!p0 $0x4230, s1;
	v0 =	vshrl.u32 @!p0 v0, $0x10;
	[tilespmem:s22+$0x0] =	vst @!p0 v1  }
0x97: {  	s26 =	sshrl.u32 s25, $0x9;
	[tilespmem:s23+$0x0] =	vst @!p0 v0  }
0x98: {  	v0 =	vld @!p0 [tilespmem:s20+$0x0];
	s20 =	sand.u32 $0x7F, s26  }
0x99: {  	s20 =	smul.u32 $0x3, s20;
	_ =	sdelay $0x1  }
0x9a: {  	s0 =	smul.u32 @!p0 $0xA000, s0;
	s28 =	ssub.s32 s19, s20  }
0x9b: {  	s19 =	sand.u32 $0xFF, s28  }
0x9c: {  	s0 =	sshrl.u32 @!p0 s0, $0x2;
	s22 =	sor.u32 @!p0 $0x4040, s1;
	v1 =	vand.u32 @!p0 $0xFFFF, v0;
	s29 =	smul.u32 $0xA000, s19  }
0x9d: {  	s0 =	sadd.s32 @!p0 $0x4400, s0;
	s1 =	sor.u32 @!p0 $0x4240, s1;
	v0 =	vshrl.u32 @!p0 v0, $0x10;
	[tilespmem:s22+$0x0] =	vst @!p0 v1  }
0x9e: {  	s30 =	sshll.u32 s19, $0x7;
	[tilespmem:s1+$0x0] =	vst @!p0 v0;
	s1 =	simm.s32 @!p0 $0x50;
	s31 =	sshrl.u32 s29, $0x2  }
0x9f: {  	[tilespmem:s0], [sflag:$0x1] =	stream.indirect.gather @!p0 [hbm4b:s4+s1], $0x80, s21, s1, $0xb8;
	[tilespmem:$0x1F800] =	vst v63  }
0xa0: {  	s0 =	sadd.s32 $0x4200, s30;
	s1 =	sadd.s32 $0x4400, s31  }
0xa1: {  	[spmem:s2] =	stream.indirect.scatter.add.f32 [tilespmem:s1], [sflag:$0x2], $0x80, s0, s12, $0xb8;
	[tilespmem:$0x1F800] =	vst v63  }
0xa2: {  	_ =	swait.ge [sflag:s11], $0x2800  }
0xa3: {  	s18 =	sadd.s32 $0x1, s18;
	[sflag:s11] =	ssyncset.done $0x0  }
0xa4: {  	p0 =	sne.s32 s18, s9;
	[sflag:s11] =	ssyncadd.s32 $0xFFFFD800  }
.Ltmp1:
0xa5: {  	[bflag:$0x0] =	sbarrier.arrive $0xFFFF;
	(pc) =	sbr.rel @p0 .LBB2_1-.Ltmp1, $4  }
0xa6: {  	[hbm:s8], [sflag:s6] =	dma.local [spmem:s10], $0x2780  }
0xa7: {  	_ =	swait.ge [sflag:s11], $0x2780  }
0xa8: {  	[sflag:s11] =	ssyncset.done $0x0  }
0xa9: {  	[sflag:s11] =	ssyncadd.s32 $0xFFFFD880  }
0xaa: {  	_ =	sfence.sel $0x180000  }
0xab: {  	[bflag:$0x0] =	sbarrier.arrive $0xFFFF  }
0xac: {  	_ =	strace $0x9000004D  }
0xad: {  	s0 =	stileid.u32;
	[bflag:$0x2] =	sbarrier.arrive $0xFFFF  }
0xae: {  	p0 =	sne.s32 s0, $0x0;
	s0 =	rddreg [dreg:$0x2]  }
0xaf: {  	s0 =	sadd.s32 @!p0 $0x100000, s0  }
0xb0: {  	[sflag:s0] =	ssyncadd.tile.s32 @!p0 $0x1;
	_ =	shalt  }
.Lfunc_end2:
_tile_overlayer_lowered:
.L_overlay_start_2:
0xb1: {  	(tag) =	ssettag $0x2  }
0xb2: {  	s0 =	rddreg [dreg:$0x0];
	s2 =	stileid.u32  }
0xb3: {  	s1 =	rddreg [dreg:$0x1];
	p0 =	sne.s32 s2, $0x0  }
0xb4: {  	s3 =	rddreg [dreg:$0x2];
	[bflag:$0x3] =	sbarrier.arrive $0xFFFF;
	s2 =	simm.s32 @!p0 $0x1C02  }
0xb5: {  	[timem:s3], [sflag:s2] =	dma.local @!p0 [hbm:s0], s1  }
0xb6: {  	s0 =	simm.s32 @!p0 $0x2  }
0xb7: {  	_ =	swait.ge @!p0 [sflag:s0], s1  }
0xb8: {  	s1 =	ssub.s32 @!p0 $0x0, s1;
	[sflag:s0] =	ssyncset.done @!p0 $0x0  }
0xb9: {  	[sflag:s0] =	ssyncadd.s32 @!p0 s1  }
0xba: {  	[bflag:$0x3] =	sbarrier.arrive $0xFFFF  }
0xbb: {  	_ =	shalt  }

</sc_bundles>
